<compile_context>
chip_gen: v7x
topology: tpu7x:2x2x1
jax: 0.10.2.dev20260603
libtpu: 0.0.44.dev20260713+nightly
codegen_flags: <defaults>
</compile_context>

<pallas_src>
import functools
import jax
import jax.numpy as jnp
from jax import lax
from jax.experimental import pallas as pl
from jax.experimental.pallas import tpu as pltpu, tpu_sc as plsc

G = 16


def _sc_gather_t(idx2, Wr, D, NQ):
    NW, rpw = idx2.shape
    L = 16
    ngrp = rpw // L
    info = plsc.get_sparse_core_info()
    nc = info.num_cores
    mesh = plsc.VectorSubcoreMesh(core_axis_name="c", subcore_axis_name="s")

    qw = rpw // NQ

    @functools.partial(
        pl.kernel,
        mesh=mesh,
        out_type=jax.ShapeDtypeStruct((NW, NQ, D, qw), jnp.float32),
        scratch_types=[
            pltpu.VMEM((rpw,), jnp.int32),
            pltpu.VMEM(Wr.shape, jnp.float32),
            pltpu.VMEM((D, rpw), jnp.float32),
        ],
        compiler_params=pltpu.CompilerParams(needs_layout_passes=False),
    )
    def k(idx_hbm, table_hbm, out_hbm, idx_v, tab_v, rows_v):
        wid = lax.axis_index("s") * nc + lax.axis_index("c")
        pltpu.sync_copy(idx_hbm.at[wid], idx_v)
        pltpu.sync_copy(table_hbm, tab_v)

        @plsc.parallel_loop(0, ngrp, 1, unroll=4)
        def grp(g):
            off = pl.multiple_of(g * L, L)
            tok = idx_v[pl.ds(off, L)]
            base = tok * D
            for c in range(D):
                vals = plsc.load_gather(tab_v, [base + c])
                rows_v[c, pl.ds(off, L)] = vals
        for q in range(NQ):
            pltpu.sync_copy(rows_v.at[:, pl.ds(q * qw, qw)],
                            out_hbm.at[wid, q])

    return k(idx2, Wr)


def _tc_body(wc_ref, wr_ref, st_ref, en_ref, we_ref, b_ref, o_ref):
    T = wc_ref.shape[1]
    S = st_ref.shape[1]
    rr = jax.lax.broadcasted_iota(jnp.int32, (T, T), 0)
    cc = jax.lax.broadcasted_iota(jnp.int32, (T, T), 1)
    pos = jax.lax.broadcasted_iota(jnp.int32, (S, T), 1)
    for g in range(G):
        wc = wc_ref[0][:, g:g + 1]
        wr = wr_ref[0][g:g + 1, :]
        eq = (wc == wr) & (rr < cc)
        prev2 = jnp.max(jnp.where(eq, rr, -1), axis=0,
                        keepdims=True)
        st = st_ref[0][:, g:g + 1]
        en = en_ref[0][:, g:g + 1]
        m = (pos >= st) & (pos < en) & (prev2 < st)
        wet = we_ref[0, 0][:, g * T:(g + 1) * T]
        o_ref[g] = lax.dot_general(
            m.astype(jnp.float32), wet,
            dimension_numbers=(((1,), (1,)), ((), ())),
            preferred_element_type=jnp.float32) + b_ref[...]


def _chunk(w32, span_i32, Wf_flat, bias2, NW):
    Bc, T = w32.shape
    S = span_i32.shape[1]
    D = bias2.shape[1]
    bpw = Bc // NW
    nblk = bpw // G
    WEt = _sc_gather_t(w32.reshape(NW, Bc * T // NW), Wf_flat, D, nblk)
    NB = Bc // G
    wr3 = w32.reshape(NB, G, T)
    wc3 = jnp.transpose(wr3, (0, 2, 1))
    si3 = jnp.transpose(span_i32.reshape(NB, G, S, 2),
                        (0, 2, 1, 3))
    st3 = si3[:, :, :, 0]
    en3 = si3[:, :, :, 1]
    return pl.pallas_call(
        _tc_body,
        grid=(NB,),
        in_specs=[
            pl.BlockSpec((1, T, G), lambda i: (i, 0, 0)),
            pl.BlockSpec((1, G, T), lambda i: (i, 0, 0)),
            pl.BlockSpec((1, S, G), lambda i: (i, 0, 0)),
            pl.BlockSpec((1, S, G), lambda i: (i, 0, 0)),
            pl.BlockSpec((1, 1, D, G * T),
                         lambda i: (i // nblk, i % nblk, 0, 0)),
            pl.BlockSpec((1, D), lambda i: (0, 0)),
        ],
        out_specs=pl.BlockSpec((G, S, D), lambda i: (i, 0, 0)),
        out_shape=jax.ShapeDtypeStruct((Bc, S, D), jnp.float32),
    )(wc3, wr3, st3, en3, WEt, bias2)


def kernel(word_encs, span_idxs, W, bias):
    B, T = word_encs.shape
    S = span_idxs.shape[1]
    V, D = W.shape
    NW = 32
    NH = 2
    Bh = B // NH
    w32 = word_encs.astype(jnp.int32)
    sp32 = span_idxs.astype(jnp.int32)
    Wf_flat = W.astype(jnp.float32).reshape(V * D)
    bias2 = bias.astype(jnp.float32).reshape(1, D)
    outs = [
        _chunk(w32[h * Bh:(h + 1) * Bh], sp32[h * Bh:(h + 1) * Bh],
               Wf_flat, bias2, NW)
        for h in range(NH)
    ]
    return jnp.concatenate(outs, axis=0)

# --- scband reference (transcript-rebuilt; emitter-appended) ---
"""Pipeline reference for scband-bow-24781961298234 (READ-ONLY COPY).

The authoritative reference and input builder live on the scoring server;
editing this copy changes nothing except your own understanding.
"""

import jax, jax.numpy as jnp
import numpy as np

B, T, S, V, DIM = 1024, 200, 50, 1000, 16

def setup_inputs(seed: int = 0) -> dict:
    key = jax.random.key(seed)
    k1, k2, k3, k4 = jax.random.split(key, 4)
    word_encs = jax.random.randint(k1, (B, T), 0, V)
    span_idxs = jnp.sort(jax.random.randint(k2, (B, S, 2), 0, T), axis=-1)
    # dim_reduction params: torch nn.Linear(V, DIM) -> W stored as [V, DIM] (transposed), bias [DIM]
    W = jax.random.normal(k3, (V, DIM), dtype=jnp.float32) * 0.02
    bias = jax.random.normal(k4, (DIM,), dtype=jnp.float32) * 0.02
    return {"word_encs": word_encs, "span_idxs": span_idxs, "W": W, "bias": bias}

def reference(word_encs, span_idxs, W, bias):
    Bb, Tt = word_encs.shape
    Ss = span_idxs.shape[1]
    Vv = W.shape[0]
    pos = jnp.arange(Tt)
    # mask[b, s, t] = True if token t is inside span (i, j) for example b, segment s
    mask = (pos[None, None, :] >= span_idxs[:, :, 0:1]) & (pos[None, None, :] < span_idxs[:, :, 1:2])
    vals = mask.astype(jnp.float32)
    b_idx = jnp.broadcast_to(jnp.arange(Bb)[:, None, None], (Bb, Ss, Tt))
    s_idx = jnp.broadcast_to(jnp.arange(Ss)[None, :, None], (Bb, Ss, Tt))
    w_idx = jnp.broadcast_to(word_encs[:, None, :], (Bb, Ss, Tt))
    # scatter: batch_bow[k][s][word_ids] = 1 (overwrite with 1 == scatter-max of {0,1})
    batch_bow = jnp.zeros((Bb, Ss, Vv), dtype=jnp.float32).at[b_idx, s_idx, w_idx].max(vals)
    # dim_reduction (nn.Linear)
    return batch_bow @ W + bias

if __name__ == "__main__":
    import jax
    _d = setup_inputs()
    print(jax.jit(kernel)(*tuple(_d.values())))

</pallas_src>

<mosaic_0001>
#map = affine_map<(d0, d1) -> (0, 0)>
#map1 = affine_map<(d0, d1) -> (0)>
#map2 = affine_map<(d0, d1) -> (0, 0, 0, 0)>
module attributes {stable_mosaic.version = 14 : i64} {
  func.func @k(%arg0: i32, %arg1: i32, %arg2: memref<32x3200xi32, #tpu.memory_space<hbm>>, %arg3: memref<16000xf32, #tpu.memory_space<hbm>>, %arg4: memref<32x1x16x3200xf32, #tpu.memory_space<hbm>>, %arg5: memref<3200xi32, #tpu.memory_space<vmem>>, %arg6: memref<16000xf32, #tpu.memory_space<vmem>>, %arg7: memref<16x3200xf32, #tpu.memory_space<vmem>>) attributes {dimension_semantics = [#tpu.dimension_semantics<core_parallel>, #tpu.dimension_semantics<subcore_parallel>], iteration_bounds = array<i64: 2, 16>, scalar_prefetch = 0 : i64, scratch_operands = 3 : i64, tpu.core_type = #tpu.core_type<sc_vector_subcore>, window_params = [{transform_indices = #map}, {transform_indices = #map1}, {transform_indices = #map2}]} {
    %mul3A = arith.constant 2 : i32
    %mul3A_0 = arith.muli %arg1, %mul3A : i32
    %add3A = arith.addi %mul3A_0, %arg0 : i32
    "tpu.region"() ({
      %run_scoped3A_3 = tpu.sem_alloc : memref<!tpu.dma_semaphore, #tpu.memory_space<semaphore_mem>>
      %dma_start3A = arith.constant 0 : i32
      %dma_start3A_4 = tpu.memref_slice %arg2[%add3A, %dma_start3A] : memref<32x3200xi32, #tpu.memory_space<hbm>> -> memref<1x3200xi32, #tpu.memory_space<hbm>>
      %dma_start3A_5 = tpu.memref_squeeze %dma_start3A_4 : memref<1x3200xi32, #tpu.memory_space<hbm>> -> memref<3200xi32, #tpu.memory_space<hbm>>
      %dma_start3A_6 = arith.constant 0 : i32
      %dma_start3A_7 = tpu.memref_slice %arg2[%add3A, %dma_start3A_6] : memref<32x3200xi32, #tpu.memory_space<hbm>> -> memref<1x3200xi32, #tpu.memory_space<hbm>>
      %dma_start3A_8 = tpu.memref_squeeze %dma_start3A_7 : memref<1x3200xi32, #tpu.memory_space<hbm>> -> memref<3200xi32, #tpu.memory_space<hbm>>
      tpu.enqueue_dma source(%dma_start3A_8 : memref<3200xi32, #tpu.memory_space<hbm>>) target(%arg5 : memref<3200xi32, #tpu.memory_space<vmem>>) target_semaphore(%run_scoped3A_3 : memref<!tpu.dma_semaphore, #tpu.memory_space<semaphore_mem>>)
      %dma_wait3A = arith.constant 0 : i32
      %dma_wait3A_9 = tpu.memref_slice %arg2[%add3A, %dma_wait3A] : memref<32x3200xi32, #tpu.memory_space<hbm>> -> memref<1x3200xi32, #tpu.memory_space<hbm>>
      %dma_wait3A_10 = tpu.memref_squeeze %dma_wait3A_9 : memref<1x3200xi32, #tpu.memory_space<hbm>> -> memref<3200xi32, #tpu.memory_space<hbm>>
      %dma_wait3A_11 = arith.constant 0 : i32
      %dma_wait3A_12 = tpu.memref_slice %arg2[%add3A, %dma_wait3A_11] : memref<32x3200xi32, #tpu.memory_space<hbm>> -> memref<1x3200xi32, #tpu.memory_space<hbm>>
      %dma_wait3A_13 = tpu.memref_squeeze %dma_wait3A_12 : memref<1x3200xi32, #tpu.memory_space<hbm>> -> memref<3200xi32, #tpu.memory_space<hbm>>
      tpu.wait_dma2 semaphore(%run_scoped3A_3 : memref<!tpu.dma_semaphore, #tpu.memory_space<semaphore_mem>>) src(%dma_wait3A_13 : memref<3200xi32, #tpu.memory_space<hbm>>) dst(%arg5 : memref<3200xi32, #tpu.memory_space<vmem>>)
      tpu.yield
    }) : () -> ()
    "tpu.region"() ({
      %run_scoped3A_3 = tpu.sem_alloc : memref<!tpu.dma_semaphore, #tpu.memory_space<semaphore_mem>>
      tpu.enqueue_dma source(%arg3 : memref<16000xf32, #tpu.memory_space<hbm>>) target(%arg6 : memref<16000xf32, #tpu.memory_space<vmem>>) target_semaphore(%run_scoped3A_3 : memref<!tpu.dma_semaphore, #tpu.memory_space<semaphore_mem>>)
      tpu.wait_dma2 semaphore(%run_scoped3A_3 : memref<!tpu.dma_semaphore, #tpu.memory_space<semaphore_mem>>) src(%arg3 : memref<16000xf32, #tpu.memory_space<hbm>>) dst(%arg6 : memref<16000xf32, #tpu.memory_space<vmem>>)
      tpu.yield
    }) : () -> ()
    %parallel_loop3A = arith.constant 0 : i32
    %parallel_loop3A_1 = arith.constant 200 : i32
    %parallel_loop3A_2 = arith.constant 1 : i32
    scf.for %parallel_loop3A_3 = %parallel_loop3A to %parallel_loop3A_1 step %parallel_loop3A_2  : i32 {
      %parallel_loop3A_4 = arith.constant 16 : i32
      %parallel_loop3A_5 = arith.muli %parallel_loop3A_3, %parallel_loop3A_4 : i32
      %parallel_loop3A_6 = tpu.assume_multiple %parallel_loop3A_5, 16 : i32
      %parallel_loop3A_7 = arith.index_cast %parallel_loop3A_6 : i32 to index
      %parallel_loop3A_8 = tpu.vector_load %arg5[%parallel_loop3A_7] {strides = array<i32>} : memref<3200xi32, #tpu.memory_space<vmem>>, vector<16xi32>,
      %parallel_loop3A_9 = arith.constant 16 : i32
      %parallel_loop3A_10 = vector.broadcast %parallel_loop3A_9 : i32 to vector<16xi32>
      %parallel_loop3A_11 = arith.muli %parallel_loop3A_8, %parallel_loop3A_10 : vector<16xi32>
      %parallel_loop3A_12 = arith.constant 0 : i32
      %parallel_loop3A_13 = vector.broadcast %parallel_loop3A_12 : i32 to vector<16xi32>
      %parallel_loop3A_14 = arith.addi %parallel_loop3A_11, %parallel_loop3A_13 : vector<16xi32>
      %parallel_loop3A_15 = tpu.vector_load_idx %arg6[%parallel_loop3A_14] : memref<16000xf32, #tpu.memory_space<vmem>>[vector<16xi32>], vector<16xf32>,
      %parallel_loop3A_16 = arith.constant 0 : i32
      %parallel_loop3A_17 = arith.index_cast %parallel_loop3A_16 : i32 to index
      %parallel_loop3A_18 = arith.index_cast %parallel_loop3A_6 : i32 to index
      %parallel_loop3A_19 = tpu.vector_load %arg7[%parallel_loop3A_17, %parallel_loop3A_18] {strides = array<i32>} : memref<16x3200xf32, #tpu.memory_space<vmem>>, vector<16xf32>,
      tpu.vector_store %arg7[%parallel_loop3A_17, %parallel_loop3A_18], %parallel_loop3A_15 {strides = array<i32>} : memref<16x3200xf32, #tpu.memory_space<vmem>>, vector<16xf32>,
      %parallel_loop3A_20 = arith.constant 1 : i32
      %parallel_loop3A_21 = vector.broadcast %parallel_loop3A_20 : i32 to vector<16xi32>
      %parallel_loop3A_22 = arith.addi %parallel_loop3A_11, %parallel_loop3A_21 : vector<16xi32>
      %parallel_loop3A_23 = tpu.vector_load_idx %arg6[%parallel_loop3A_22] : memref<16000xf32, #tpu.memory_space<vmem>>[vector<16xi32>], vector<16xf32>,
      %parallel_loop3A_24 = arith.constant 1 : i32
      %parallel_loop3A_25 = arith.index_cast %parallel_loop3A_24 : i32 to index
      %parallel_loop3A_26 = arith.index_cast %parallel_loop3A_6 : i32 to index
      %parallel_loop3A_27 = tpu.vector_load %arg7[%parallel_loop3A_25, %parallel_loop3A_26] {strides = array<i32>} : memref<16x3200xf32, #tpu.memory_space<vmem>>, vector<16xf32>,
      tpu.vector_store %arg7[%parallel_loop3A_25, %parallel_loop3A_26], %parallel_loop3A_23 {strides = array<i32>} : memref<16x3200xf32, #tpu.memory_space<vmem>>, vector<16xf32>,
      %parallel_loop3A_28 = arith.constant 2 : i32
      %parallel_loop3A_29 = vector.broadcast %parallel_loop3A_28 : i32 to vector<16xi32>
      %parallel_loop3A_30 = arith.addi %parallel_loop3A_11, %parallel_loop3A_29 : vector<16xi32>
      %parallel_loop3A_31 = tpu.vector_load_idx %arg6[%parallel_loop3A_30] : memref<16000xf32, #tpu.memory_space<vmem>>[vector<16xi32>], vector<16xf32>,
      %parallel_loop3A_32 = arith.constant 2 : i32
      %parallel_loop3A_33 = arith.index_cast %parallel_loop3A_32 : i32 to index
      %parallel_loop3A_34 = arith.index_cast %parallel_loop3A_6 : i32 to index
      %parallel_loop3A_35 = tpu.vector_load %arg7[%parallel_loop3A_33, %parallel_loop3A_34] {strides = array<i32>} : memref<16x3200xf32, #tpu.memory_space<vmem>>, vector<16xf32>,
      tpu.vector_store %arg7[%parallel_loop3A_33, %parallel_loop3A_34], %parallel_loop3A_31 {strides = array<i32>} : memref<16x3200xf32, #tpu.memory_space<vmem>>, vector<16xf32>,
      %parallel_loop3A_36 = arith.constant 3 : i32
      %parallel_loop3A_37 = vector.broadcast %parallel_loop3A_36 : i32 to vector<16xi32>
      %parallel_loop3A_38 = arith.addi %parallel_loop3A_11, %parallel_loop3A_37 : vector<16xi32>
      %parallel_loop3A_39 = tpu.vector_load_idx %arg6[%parallel_loop3A_38] : memref<16000xf32, #tpu.memory_space<vmem>>[vector<16xi32>], vector<16xf32>,
      %parallel_loop3A_40 = arith.constant 3 : i32
      %parallel_loop3A_41 = arith.index_cast %parallel_loop3A_40 : i32 to index
      %parallel_loop3A_42 = arith.index_cast %parallel_loop3A_6 : i32 to index
      %parallel_loop3A_43 = tpu.vector_load %arg7[%parallel_loop3A_41, %parallel_loop3A_42] {strides = array<i32>} : memref<16x3200xf32, #tpu.memory_space<vmem>>, vector<16xf32>,
      tpu.vector_store %arg7[%parallel_loop3A_41, %parallel_loop3A_42], %parallel_loop3A_39 {strides = array<i32>} : memref<16x3200xf32, #tpu.memory_space<vmem>>, vector<16xf32>,
      %parallel_loop3A_44 = arith.constant 4 : i32
      %parallel_loop3A_45 = vector.broadcast %parallel_loop3A_44 : i32 to vector<16xi32>
      %parallel_loop3A_46 = arith.addi %parallel_loop3A_11, %parallel_loop3A_45 : vector<16xi32>
      %parallel_loop3A_47 = tpu.vector_load_idx %arg6[%parallel_loop3A_46] : memref<16000xf32, #tpu.memory_space<vmem>>[vector<16xi32>], vector<16xf32>,
      %parallel_loop3A_48 = arith.constant 4 : i32
      %parallel_loop3A_49 = arith.index_cast %parallel_loop3A_48 : i32 to index
      %parallel_loop3A_50 = arith.index_cast %parallel_loop3A_6 : i32 to index
      %parallel_loop3A_51 = tpu.vector_load %arg7[%parallel_loop3A_49, %parallel_loop3A_50] {strides = array<i32>} : memref<16x3200xf32, #tpu.memory_space<vmem>>, vector<16xf32>,
      tpu.vector_store %arg7[%parallel_loop3A_49, %parallel_loop3A_50], %parallel_loop3A_47 {strides = array<i32>} : memref<16x3200xf32, #tpu.memory_space<vmem>>, vector<16xf32>,
      %parallel_loop3A_52 = arith.constant 5 : i32
      %parallel_loop3A_53 = vector.broadcast %parallel_loop3A_52 : i32 to vector<16xi32>
      %parallel_loop3A_54 = arith.addi %parallel_loop3A_11, %parallel_loop3A_53 : vector<16xi32>
      %parallel_loop3A_55 = tpu.vector_load_idx %arg6[%parallel_loop3A_54] : memref<16000xf32, #tpu.memory_space<vmem>>[vector<16xi32>], vector<16xf32>,
      %parallel_loop3A_56 = arith.constant 5 : i32
      %parallel_loop3A_57 = arith.index_cast %parallel_loop3A_56 : i32 to index
      %parallel_loop3A_58 = arith.index_cast %parallel_loop3A_6 : i32 to index
      %parallel_loop3A_59 = tpu.vector_load %arg7[%parallel_loop3A_57, %parallel_loop3A_58] {strides = array<i32>} : memref<16x3200xf32, #tpu.memory_space<vmem>>, vector<16xf32>,
      tpu.vector_store %arg7[%parallel_loop3A_57, %parallel_loop3A_58], %parallel_loop3A_55 {strides = array<i32>} : memref<16x3200xf32, #tpu.memory_space<vmem>>, vector<16xf32>,
      %parallel_loop3A_60 = arith.constant 6 : i32
      %parallel_loop3A_61 = vector.broadcast %parallel_loop3A_60 : i32 to vector<16xi32>
      %parallel_loop3A_62 = arith.addi %parallel_loop3A_11, %parallel_loop3A_61 : vector<16xi32>
      %parallel_loop3A_63 = tpu.vector_load_idx %arg6[%parallel_loop3A_62] : memref<16000xf32, #tpu.memory_space<vmem>>[vector<16xi32>], vector<16xf32>,
      %parallel_loop3A_64 = arith.constant 6 : i32
      %parallel_loop3A_65 = arith.index_cast %parallel_loop3A_64 : i32 to index
      %parallel_loop3A_66 = arith.index_cast %parallel_loop3A_6 : i32 to index
      %parallel_loop3A_67 = tpu.vector_load %arg7[%parallel_loop3A_65, %parallel_loop3A_66] {strides = array<i32>} : memref<16x3200xf32, #tpu.memory_space<vmem>>, vector<16xf32>,
      tpu.vector_store %arg7[%parallel_loop3A_65, %parallel_loop3A_66], %parallel_loop3A_63 {strides = array<i32>} : memref<16x3200xf32, #tpu.memory_space<vmem>>, vector<16xf32>,
      %parallel_loop3A_68 = arith.constant 7 : i32
      %parallel_loop3A_69 = vector.broadcast %parallel_loop3A_68 : i32 to vector<16xi32>
      %parallel_loop3A_70 = arith.addi %parallel_loop3A_11, %parallel_loop3A_69 : vector<16xi32>
      %parallel_loop3A_71 = tpu.vector_load_idx %arg6[%parallel_loop3A_70] : memref<16000xf32, #tpu.memory_space<vmem>>[vector<16xi32>], vector<16xf32>,
      %parallel_loop3A_72 = arith.constant 7 : i32
      %parallel_loop3A_73 = arith.index_cast %parallel_loop3A_72 : i32 to index
      %parallel_loop3A_74 = arith.index_cast %parallel_loop3A_6 : i32 to index
      %parallel_loop3A_75 = tpu.vector_load %arg7[%parallel_loop3A_73, %parallel_loop3A_74] {strides = array<i32>} : memref<16x3200xf32, #tpu.memory_space<vmem>>, vector<16xf32>,
      tpu.vector_store %arg7[%parallel_loop3A_73, %parallel_loop3A_74], %parallel_loop3A_71 {strides = array<i32>} : memref<16x3200xf32, #tpu.memory_space<vmem>>, vector<16xf32>,
      %parallel_loop3A_76 = arith.constant 8 : i32
      %parallel_loop3A_77 = vector.broadcast %parallel_loop3A_76 : i32 to vector<16xi32>
      %parallel_loop3A_78 = arith.addi %parallel_loop3A_11, %parallel_loop3A_77 : vector<16xi32>
      %parallel_loop3A_79 = tpu.vector_load_idx %arg6[%parallel_loop3A_78] : memref<16000xf32, #tpu.memory_space<vmem>>[vector<16xi32>], vector<16xf32>,
      %parallel_loop3A_80 = arith.constant 8 : i32
      %parallel_loop3A_81 = arith.index_cast %parallel_loop3A_80 : i32 to index
      %parallel_loop3A_82 = arith.index_cast %parallel_loop3A_6 : i32 to index
      %parallel_loop3A_83 = tpu.vector_load %arg7[%parallel_loop3A_81, %parallel_loop3A_82] {strides = array<i32>} : memref<16x3200xf32, #tpu.memory_space<vmem>>, vector<16xf32>,
      tpu.vector_store %arg7[%parallel_loop3A_81, %parallel_loop3A_82], %parallel_loop3A_79 {strides = array<i32>} : memref<16x3200xf32, #tpu.memory_space<vmem>>, vector<16xf32>,
      %parallel_loop3A_84 = arith.constant 9 : i32
      %parallel_loop3A_85 = vector.broadcast %parallel_loop3A_84 : i32 to vector<16xi32>
      %parallel_loop3A_86 = arith.addi %parallel_loop3A_11, %parallel_loop3A_85 : vector<16xi32>
      %parallel_loop3A_87 = tpu.vector_load_idx %arg6[%parallel_loop3A_86] : memref<16000xf32, #tpu.memory_space<vmem>>[vector<16xi32>], vector<16xf32>,
      %parallel_loop3A_88 = arith.constant 9 : i32
      %parallel_loop3A_89 = arith.index_cast %parallel_loop3A_88 : i32 to index
      %parallel_loop3A_90 = arith.index_cast %parallel_loop3A_6 : i32 to index
      %parallel_loop3A_91 = tpu.vector_load %arg7[%parallel_loop3A_89, %parallel_loop3A_90] {strides = array<i32>} : memref<16x3200xf32, #tpu.memory_space<vmem>>, vector<16xf32>,
      tpu.vector_store %arg7[%parallel_loop3A_89, %parallel_loop3A_90], %parallel_loop3A_87 {strides = array<i32>} : memref<16x3200xf32, #tpu.memory_space<vmem>>, vector<16xf32>,
      %parallel_loop3A_92 = arith.constant 10 : i32
      %parallel_loop3A_93 = vector.broadcast %parallel_loop3A_92 : i32 to vector<16xi32>
      %parallel_loop3A_94 = arith.addi %parallel_loop3A_11, %parallel_loop3A_93 : vector<16xi32>
      %parallel_loop3A_95 = tpu.vector_load_idx %arg6[%parallel_loop3A_94] : memref<16000xf32, #tpu.memory_space<vmem>>[vector<16xi32>], vector<16xf32>,
      %parallel_loop3A_96 = arith.constant 10 : i32
      %parallel_loop3A_97 = arith.index_cast %parallel_loop3A_96 : i32 to index
      %parallel_loop3A_98 = arith.index_cast %parallel_loop3A_6 : i32 to index
      %parallel_loop3A_99 = tpu.vector_load %arg7[%parallel_loop3A_97, %parallel_loop3A_98] {strides = array<i32>} : memref<16x3200xf32, #tpu.memory_space<vmem>>, vector<16xf32>,
      tpu.vector_store %arg7[%parallel_loop3A_97, %parallel_loop3A_98], %parallel_loop3A_95 {strides = array<i32>} : memref<16x3200xf32, #tpu.memory_space<vmem>>, vector<16xf32>,
      %parallel_loop3A_100 = arith.constant 11 : i32
      %parallel_loop3A_101 = vector.broadcast %parallel_loop3A_100 : i32 to vector<16xi32>
      %parallel_loop3A_102 = arith.addi %parallel_loop3A_11, %parallel_loop3A_101 : vector<16xi32>
      %parallel_loop3A_103 = tpu.vector_load_idx %arg6[%parallel_loop3A_102] : memref<16000xf32, #tpu.memory_space<vmem>>[vector<16xi32>], vector<16xf32>,
      %parallel_loop3A_104 = arith.constant 11 : i32
      %parallel_loop3A_105 = arith.index_cast %parallel_loop3A_104 : i32 to index
      %parallel_loop3A_106 = arith.index_cast %parallel_loop3A_6 : i32 to index
      %parallel_loop3A_107 = tpu.vector_load %arg7[%parallel_loop3A_105, %parallel_loop3A_106] {strides = array<i32>} : memref<16x3200xf32, #tpu.memory_space<vmem>>, vector<16xf32>,
      tpu.vector_store %arg7[%parallel_loop3A_105, %parallel_loop3A_106], %parallel_loop3A_103 {strides = array<i32>} : memref<16x3200xf32, #tpu.memory_space<vmem>>, vector<16xf32>,
      %parallel_loop3A_108 = arith.constant 12 : i32
      %parallel_loop3A_109 = vector.broadcast %parallel_loop3A_108 : i32 to vector<16xi32>
      %parallel_loop3A_110 = arith.addi %parallel_loop3A_11, %parallel_loop3A_109 : vector<16xi32>
      %parallel_loop3A_111 = tpu.vector_load_idx %arg6[%parallel_loop3A_110] : memref<16000xf32, #tpu.memory_space<vmem>>[vector<16xi32>], vector<16xf32>,
      %parallel_loop3A_112 = arith.constant 12 : i32
      %parallel_loop3A_113 = arith.index_cast %parallel_loop3A_112 : i32 to index
      %parallel_loop3A_114 = arith.index_cast %parallel_loop3A_6 : i32 to index
      %parallel_loop3A_115 = tpu.vector_load %arg7[%parallel_loop3A_113, %parallel_loop3A_114] {strides = array<i32>} : memref<16x3200xf32, #tpu.memory_space<vmem>>, vector<16xf32>,
      tpu.vector_store %arg7[%parallel_loop3A_113, %parallel_loop3A_114], %parallel_loop3A_111 {strides = array<i32>} : memref<16x3200xf32, #tpu.memory_space<vmem>>, vector<16xf32>,
      %parallel_loop3A_116 = arith.constant 13 : i32
      %parallel_loop3A_117 = vector.broadcast %parallel_loop3A_116 : i32 to vector<16xi32>
      %parallel_loop3A_118 = arith.addi %parallel_loop3A_11, %parallel_loop3A_117 : vector<16xi32>
      %parallel_loop3A_119 = tpu.vector_load_idx %arg6[%parallel_loop3A_118] : memref<16000xf32, #tpu.memory_space<vmem>>[vector<16xi32>], vector<16xf32>,
      %parallel_loop3A_120 = arith.constant 13 : i32
      %parallel_loop3A_121 = arith.index_cast %parallel_loop3A_120 : i32 to index
      %parallel_loop3A_122 = arith.index_cast %parallel_loop3A_6 : i32 to index
      %parallel_loop3A_123 = tpu.vector_load %arg7[%parallel_loop3A_121, %parallel_loop3A_122] {strides = array<i32>} : memref<16x3200xf32, #tpu.memory_space<vmem>>, vector<16xf32>,
      tpu.vector_store %arg7[%parallel_loop3A_121, %parallel_loop3A_122], %parallel_loop3A_119 {strides = array<i32>} : memref<16x3200xf32, #tpu.memory_space<vmem>>, vector<16xf32>,
      %parallel_loop3A_124 = arith.constant 14 : i32
      %parallel_loop3A_125 = vector.broadcast %parallel_loop3A_124 : i32 to vector<16xi32>
      %parallel_loop3A_126 = arith.addi %parallel_loop3A_11, %parallel_loop3A_125 : vector<16xi32>
      %parallel_loop3A_127 = tpu.vector_load_idx %arg6[%parallel_loop3A_126] : memref<16000xf32, #tpu.memory_space<vmem>>[vector<16xi32>], vector<16xf32>,
      %parallel_loop3A_128 = arith.constant 14 : i32
      %parallel_loop3A_129 = arith.index_cast %parallel_loop3A_128 : i32 to index
      %parallel_loop3A_130 = arith.index_cast %parallel_loop3A_6 : i32 to index
      %parallel_loop3A_131 = tpu.vector_load %arg7[%parallel_loop3A_129, %parallel_loop3A_130] {strides = array<i32>} : memref<16x3200xf32, #tpu.memory_space<vmem>>, vector<16xf32>,
      tpu.vector_store %arg7[%parallel_loop3A_129, %parallel_loop3A_130], %parallel_loop3A_127 {strides = array<i32>} : memref<16x3200xf32, #tpu.memory_space<vmem>>, vector<16xf32>,
      %parallel_loop3A_132 = arith.constant 15 : i32
      %parallel_loop3A_133 = vector.broadcast %parallel_loop3A_132 : i32 to vector<16xi32>
      %parallel_loop3A_134 = arith.addi %parallel_loop3A_11, %parallel_loop3A_133 : vector<16xi32>
      %parallel_loop3A_135 = tpu.vector_load_idx %arg6[%parallel_loop3A_134] : memref<16000xf32, #tpu.memory_space<vmem>>[vector<16xi32>], vector<16xf32>,
      %parallel_loop3A_136 = arith.constant 15 : i32
      %parallel_loop3A_137 = arith.index_cast %parallel_loop3A_136 : i32 to index
      %parallel_loop3A_138 = arith.index_cast %parallel_loop3A_6 : i32 to index
      %parallel_loop3A_139 = tpu.vector_load %arg7[%parallel_loop3A_137, %parallel_loop3A_138] {strides = array<i32>} : memref<16x3200xf32, #tpu.memory_space<vmem>>, vector<16xf32>,
      tpu.vector_store %arg7[%parallel_loop3A_137, %parallel_loop3A_138], %parallel_loop3A_135 {strides = array<i32>} : memref<16x3200xf32, #tpu.memory_space<vmem>>, vector<16xf32>,
    } {sc.loop_unroll_factor = 4 : i64, sc.parallel_access}
    %run_scoped3A = arith.constant 0 : i32
    "tpu.region"() ({
      %run_scoped3A_3 = tpu.sem_alloc : memref<!tpu.dma_semaphore, #tpu.memory_space<semaphore_mem>>
      %dma_start3A = arith.constant 0 : i32
      %dma_start3A_4 = arith.constant 0 : i32
      %dma_start3A_5 = tpu.memref_slice %arg7[%dma_start3A, %dma_start3A_4] : memref<16x3200xf32, #tpu.memory_space<vmem>> -> memref<16x3200xf32, #tpu.memory_space<vmem>>
      %dma_start3A_6 = arith.constant 0 : i32
      %dma_start3A_7 = arith.constant 0 : i32
      %dma_start3A_8 = tpu.memref_slice %arg4[%add3A, %run_scoped3A, %dma_start3A_6, %dma_start3A_7] : memref<32x1x16x3200xf32, #tpu.memory_space<hbm>> -> memref<1x1x16x3200xf32, #tpu.memory_space<hbm>>
      %dma_start3A_9 = tpu.memref_squeeze %dma_start3A_8 : memref<1x1x16x3200xf32, #tpu.memory_space<hbm>> -> memref<16x3200xf32, #tpu.memory_space<hbm>>
      %dma_start3A_10 = arith.constant 0 : i32
      %dma_start3A_11 = arith.constant 0 : i32
      %dma_start3A_12 = tpu.memref_slice %arg4[%add3A, %run_scoped3A, %dma_start3A_10, %dma_start3A_11] : memref<32x1x16x3200xf32, #tpu.memory_space<hbm>> -> memref<1x1x16x3200xf32, #tpu.memory_space<hbm>>
      %dma_start3A_13 = tpu.memref_squeeze %dma_start3A_12 : memref<1x1x16x3200xf32, #tpu.memory_space<hbm>> -> memref<16x3200xf32, #tpu.memory_space<hbm>>
      %dma_start3A_14 = arith.constant 0 : i32
      %dma_start3A_15 = arith.constant 0 : i32
      %dma_start3A_16 = tpu.memref_slice %arg7[%dma_start3A_14, %dma_start3A_15] : memref<16x3200xf32, #tpu.memory_space<vmem>> -> memref<16x3200xf32, #tpu.memory_space<vmem>>
      tpu.enqueue_dma source(%dma_start3A_16 : memref<16x3200xf32, #tpu.memory_space<vmem>>) target(%dma_start3A_13 : memref<16x3200xf32, #tpu.memory_space<hbm>>) target_semaphore(%run_scoped3A_3 : memref<!tpu.dma_semaphore, #tpu.memory_space<semaphore_mem>>)
      %dma_wait3A = arith.constant 0 : i32
      %dma_wait3A_17 = arith.constant 0 : i32
      %dma_wait3A_18 = tpu.memref_slice %arg7[%dma_wait3A, %dma_wait3A_17] : memref<16x3200xf32, #tpu.memory_space<vmem>> -> memref<16x3200xf32, #tpu.memory_space<vmem>>
      %dma_wait3A_19 = arith.constant 0 : i32
      %dma_wait3A_20 = arith.constant 0 : i32
      %dma_wait3A_21 = tpu.memref_slice %arg4[%add3A, %run_scoped3A, %dma_wait3A_19, %dma_wait3A_20] : memref<32x1x16x3200xf32, #tpu.memory_space<hbm>> -> memref<1x1x16x3200xf32, #tpu.memory_space<hbm>>
      %dma_wait3A_22 = tpu.memref_squeeze %dma_wait3A_21 : memref<1x1x16x3200xf32, #tpu.memory_space<hbm>> -> memref<16x3200xf32, #tpu.memory_space<hbm>>
      %dma_wait3A_23 = arith.constant 0 : i32
      %dma_wait3A_24 = arith.constant 0 : i32
      %dma_wait3A_25 = tpu.memref_slice %arg4[%add3A, %run_scoped3A, %dma_wait3A_23, %dma_wait3A_24] : memref<32x1x16x3200xf32, #tpu.memory_space<hbm>> -> memref<1x1x16x3200xf32, #tpu.memory_space<hbm>>
      %dma_wait3A_26 = tpu.memref_squeeze %dma_wait3A_25 : memref<1x1x16x3200xf32, #tpu.memory_space<hbm>> -> memref<16x3200xf32, #tpu.memory_space<hbm>>
      %dma_wait3A_27 = arith.constant 0 : i32
      %dma_wait3A_28 = arith.constant 0 : i32
      %dma_wait3A_29 = tpu.memref_slice %arg7[%dma_wait3A_27, %dma_wait3A_28] : memref<16x3200xf32, #tpu.memory_space<vmem>> -> memref<16x3200xf32, #tpu.memory_space<vmem>>
      tpu.wait_dma2 semaphore(%run_scoped3A_3 : memref<!tpu.dma_semaphore, #tpu.memory_space<semaphore_mem>>) src(%dma_wait3A_29 : memref<16x3200xf32, #tpu.memory_space<vmem>>) dst(%dma_wait3A_26 : memref<16x3200xf32, #tpu.memory_space<hbm>>)
      tpu.yield
    }) : () -> ()
    return
  }
}

#map = affine_map<(d0, d1) -> (0, 0)>
#map1 = affine_map<(d0, d1) -> (0)>
#map2 = affine_map<(d0, d1) -> (0, 0, 0, 0)>
module attributes {stable_mosaic.version = 14 : i64} {
  func.func @k(%arg0: i32, %arg1: i32, %arg2: memref<32x3200xi32, #tpu.memory_space<hbm>>, %arg3: memref<16000xf32, #tpu.memory_space<hbm>>, %arg4: memref<32x1x16x3200xf32, #tpu.memory_space<hbm>>, %arg5: memref<3200xi32, #tpu.memory_space<vmem>>, %arg6: memref<16000xf32, #tpu.memory_space<vmem>>, %arg7: memref<16x3200xf32, #tpu.memory_space<vmem>>) attributes {dimension_semantics = [#tpu.dimension_semantics<core_parallel>, #tpu.dimension_semantics<subcore_parallel>], iteration_bounds = array<i64: 2, 16>, scalar_prefetch = 0 : i64, scratch_operands = 3 : i64, tpu.core_type = #tpu.core_type<sc_vector_subcore>, window_params = [{transform_indices = #map}, {transform_indices = #map1}, {transform_indices = #map2}]} {
    %mul3A = arith.constant 2 : i32
    %mul3A_0 = arith.muli %arg1, %mul3A : i32
    %add3A = arith.addi %mul3A_0, %arg0 : i32
    "tpu.region"() ({
      %run_scoped3A_3 = tpu.sem_alloc : memref<!tpu.dma_semaphore, #tpu.memory_space<semaphore_mem>>
      %dma_start3A = arith.constant 0 : i32
      %dma_start3A_4 = tpu.memref_slice %arg2[%add3A, %dma_start3A] : memref<32x3200xi32, #tpu.memory_space<hbm>> -> memref<1x3200xi32, #tpu.memory_space<hbm>>
      %dma_start3A_5 = tpu.memref_squeeze %dma_start3A_4 : memref<1x3200xi32, #tpu.memory_space<hbm>> -> memref<3200xi32, #tpu.memory_space<hbm>>
      %dma_start3A_6 = arith.constant 0 : i32
      %dma_start3A_7 = tpu.memref_slice %arg2[%add3A, %dma_start3A_6] : memref<32x3200xi32, #tpu.memory_space<hbm>> -> memref<1x3200xi32, #tpu.memory_space<hbm>>
      %dma_start3A_8 = tpu.memref_squeeze %dma_start3A_7 : memref<1x3200xi32, #tpu.memory_space<hbm>> -> memref<3200xi32, #tpu.memory_space<hbm>>
      tpu.enqueue_dma source(%dma_start3A_8 : memref<3200xi32, #tpu.memory_space<hbm>>) target(%arg5 : memref<3200xi32, #tpu.memory_space<vmem>>) target_semaphore(%run_scoped3A_3 : memref<!tpu.dma_semaphore, #tpu.memory_space<semaphore_mem>>)
      %dma_wait3A = arith.constant 0 : i32
      %dma_wait3A_9 = tpu.memref_slice %arg2[%add3A, %dma_wait3A] : memref<32x3200xi32, #tpu.memory_space<hbm>> -> memref<1x3200xi32, #tpu.memory_space<hbm>>
      %dma_wait3A_10 = tpu.memref_squeeze %dma_wait3A_9 : memref<1x3200xi32, #tpu.memory_space<hbm>> -> memref<3200xi32, #tpu.memory_space<hbm>>
      %dma_wait3A_11 = arith.constant 0 : i32
      %dma_wait3A_12 = tpu.memref_slice %arg2[%add3A, %dma_wait3A_11] : memref<32x3200xi32, #tpu.memory_space<hbm>> -> memref<1x3200xi32, #tpu.memory_space<hbm>>
      %dma_wait3A_13 = tpu.memref_squeeze %dma_wait3A_12 : memref<1x3200xi32, #tpu.memory_space<hbm>> -> memref<3200xi32, #tpu.memory_space<hbm>>
      tpu.wait_dma2 semaphore(%run_scoped3A_3 : memref<!tpu.dma_semaphore, #tpu.memory_space<semaphore_mem>>) src(%dma_wait3A_13 : memref<3200xi32, #tpu.memory_space<hbm>>) dst(%arg5 : memref<3200xi32, #tpu.memory_space<vmem>>)
      tpu.yield
    }) : () -> ()
    "tpu.region"() ({
      %run_scoped3A_3 = tpu.sem_alloc : memref<!tpu.dma_semaphore, #tpu.memory_space<semaphore_mem>>
      tpu.enqueue_dma source(%arg3 : memref<16000xf32, #tpu.memory_space<hbm>>) target(%arg6 : memref<16000xf32, #tpu.memory_space<vmem>>) target_semaphore(%run_scoped3A_3 : memref<!tpu.dma_semaphore, #tpu.memory_space<semaphore_mem>>)
      tpu.wait_dma2 semaphore(%run_scoped3A_3 : memref<!tpu.dma_semaphore, #tpu.memory_space<semaphore_mem>>) src(%arg3 : memref<16000xf32, #tpu.memory_space<hbm>>) dst(%arg6 : memref<16000xf32, #tpu.memory_space<vmem>>)
      tpu.yield
    }) : () -> ()
    %parallel_loop3A = arith.constant 0 : i32
    %parallel_loop3A_1 = arith.constant 200 : i32
    %parallel_loop3A_2 = arith.constant 1 : i32
    scf.for %parallel_loop3A_3 = %parallel_loop3A to %parallel_loop3A_1 step %parallel_loop3A_2  : i32 {
      %parallel_loop3A_4 = arith.constant 16 : i32
      %parallel_loop3A_5 = arith.muli %parallel_loop3A_3, %parallel_loop3A_4 : i32
      %parallel_loop3A_6 = tpu.assume_multiple %parallel_loop3A_5, 16 : i32
      %parallel_loop3A_7 = arith.index_cast %parallel_loop3A_6 : i32 to index
      %parallel_loop3A_8 = tpu.vector_load %arg5[%parallel_loop3A_7] {strides = array<i32>} : memref<3200xi32, #tpu.memory_space<vmem>>, vector<16xi32>,
      %parallel_loop3A_9 = arith.constant 16 : i32
      %parallel_loop3A_10 = vector.broadcast %parallel_loop3A_9 : i32 to vector<16xi32>
      %parallel_loop3A_11 = arith.muli %parallel_loop3A_8, %parallel_loop3A_10 : vector<16xi32>
      %parallel_loop3A_12 = arith.constant 0 : i32
      %parallel_loop3A_13 = vector.broadcast %parallel_loop3A_12 : i32 to vector<16xi32>
      %parallel_loop3A_14 = arith.addi %parallel_loop3A_11, %parallel_loop3A_13 : vector<16xi32>
      %parallel_loop3A_15 = tpu.vector_load_idx %arg6[%parallel_loop3A_14] : memref<16000xf32, #tpu.memory_space<vmem>>[vector<16xi32>], vector<16xf32>,
      %parallel_loop3A_16 = arith.constant 0 : i32
      %parallel_loop3A_17 = arith.index_cast %parallel_loop3A_16 : i32 to index
      %parallel_loop3A_18 = arith.index_cast %parallel_loop3A_6 : i32 to index
      %parallel_loop3A_19 = tpu.vector_load %arg7[%parallel_loop3A_17, %parallel_loop3A_18] {strides = array<i32>} : memref<16x3200xf32, #tpu.memory_space<vmem>>, vector<16xf32>,
      tpu.vector_store %arg7[%parallel_loop3A_17, %parallel_loop3A_18], %parallel_loop3A_15 {strides = array<i32>} : memref<16x3200xf32, #tpu.memory_space<vmem>>, vector<16xf32>,
      %parallel_loop3A_20 = arith.constant 1 : i32
      %parallel_loop3A_21 = vector.broadcast %parallel_loop3A_20 : i32 to vector<16xi32>
      %parallel_loop3A_22 = arith.addi %parallel_loop3A_11, %parallel_loop3A_21 : vector<16xi32>
      %parallel_loop3A_23 = tpu.vector_load_idx %arg6[%parallel_loop3A_22] : memref<16000xf32, #tpu.memory_space<vmem>>[vector<16xi32>], vector<16xf32>,
      %parallel_loop3A_24 = arith.constant 1 : i32
      %parallel_loop3A_25 = arith.index_cast %parallel_loop3A_24 : i32 to index
      %parallel_loop3A_26 = arith.index_cast %parallel_loop3A_6 : i32 to index
      %parallel_loop3A_27 = tpu.vector_load %arg7[%parallel_loop3A_25, %parallel_loop3A_26] {strides = array<i32>} : memref<16x3200xf32, #tpu.memory_space<vmem>>, vector<16xf32>,
      tpu.vector_store %arg7[%parallel_loop3A_25, %parallel_loop3A_26], %parallel_loop3A_23 {strides = array<i32>} : memref<16x3200xf32, #tpu.memory_space<vmem>>, vector<16xf32>,
      %parallel_loop3A_28 = arith.constant 2 : i32
      %parallel_loop3A_29 = vector.broadcast %parallel_loop3A_28 : i32 to vector<16xi32>
      %parallel_loop3A_30 = arith.addi %parallel_loop3A_11, %parallel_loop3A_29 : vector<16xi32>
      %parallel_loop3A_31 = tpu.vector_load_idx %arg6[%parallel_loop3A_30] : memref<16000xf32, #tpu.memory_space<vmem>>[vector<16xi32>], vector<16xf32>,
      %parallel_loop3A_32 = arith.constant 2 : i32
      %parallel_loop3A_33 = arith.index_cast %parallel_loop3A_32 : i32 to index
      %parallel_loop3A_34 = arith.index_cast %parallel_loop3A_6 : i32 to index
      %parallel_loop3A_35 = tpu.vector_load %arg7[%parallel_loop3A_33, %parallel_loop3A_34] {strides = array<i32>} : memref<16x3200xf32, #tpu.memory_space<vmem>>, vector<16xf32>,
      tpu.vector_store %arg7[%parallel_loop3A_33, %parallel_loop3A_34], %parallel_loop3A_31 {strides = array<i32>} : memref<16x3200xf32, #tpu.memory_space<vmem>>, vector<16xf32>,
      %parallel_loop3A_36 = arith.constant 3 : i32
      %parallel_loop3A_37 = vector.broadcast %parallel_loop3A_36 : i32 to vector<16xi32>
      %parallel_loop3A_38 = arith.addi %parallel_loop3A_11, %parallel_loop3A_37 : vector<16xi32>
      %parallel_loop3A_39 = tpu.vector_load_idx %arg6[%parallel_loop3A_38] : memref<16000xf32, #tpu.memory_space<vmem>>[vector<16xi32>], vector<16xf32>,
      %parallel_loop3A_40 = arith.constant 3 : i32
      %parallel_loop3A_41 = arith.index_cast %parallel_loop3A_40 : i32 to index
      %parallel_loop3A_42 = arith.index_cast %parallel_loop3A_6 : i32 to index
      %parallel_loop3A_43 = tpu.vector_load %arg7[%parallel_loop3A_41, %parallel_loop3A_42] {strides = array<i32>} : memref<16x3200xf32, #tpu.memory_space<vmem>>, vector<16xf32>,
      tpu.vector_store %arg7[%parallel_loop3A_41, %parallel_loop3A_42], %parallel_loop3A_39 {strides = array<i32>} : memref<16x3200xf32, #tpu.memory_space<vmem>>, vector<16xf32>,
      %parallel_loop3A_44 = arith.constant 4 : i32
      %parallel_loop3A_45 = vector.broadcast %parallel_loop3A_44 : i32 to vector<16xi32>
      %parallel_loop3A_46 = arith.addi %parallel_loop3A_11, %parallel_loop3A_45 : vector<16xi32>
      %parallel_loop3A_47 = tpu.vector_load_idx %arg6[%parallel_loop3A_46] : memref<16000xf32, #tpu.memory_space<vmem>>[vector<16xi32>], vector<16xf32>,
      %parallel_loop3A_48 = arith.constant 4 : i32
      %parallel_loop3A_49 = arith.index_cast %parallel_loop3A_48 : i32 to index
      %parallel_loop3A_50 = arith.index_cast %parallel_loop3A_6 : i32 to index
      %parallel_loop3A_51 = tpu.vector_load %arg7[%parallel_loop3A_49, %parallel_loop3A_50] {strides = array<i32>} : memref<16x3200xf32, #tpu.memory_space<vmem>>, vector<16xf32>,
      tpu.vector_store %arg7[%parallel_loop3A_49, %parallel_loop3A_50], %parallel_loop3A_47 {strides = array<i32>} : memref<16x3200xf32, #tpu.memory_space<vmem>>, vector<16xf32>,
      %parallel_loop3A_52 = arith.constant 5 : i32
      %parallel_loop3A_53 = vector.broadcast %parallel_loop3A_52 : i32 to vector<16xi32>
      %parallel_loop3A_54 = arith.addi %parallel_loop3A_11, %parallel_loop3A_53 : vector<16xi32>
      %parallel_loop3A_55 = tpu.vector_load_idx %arg6[%parallel_loop3A_54] : memref<16000xf32, #tpu.memory_space<vmem>>[vector<16xi32>], vector<16xf32>,
      %parallel_loop3A_56 = arith.constant 5 : i32
      %parallel_loop3A_57 = arith.index_cast %parallel_loop3A_56 : i32 to index
      %parallel_loop3A_58 = arith.index_cast %parallel_loop3A_6 : i32 to index
      %parallel_loop3A_59 = tpu.vector_load %arg7[%parallel_loop3A_57, %parallel_loop3A_58] {strides = array<i32>} : memref<16x3200xf32, #tpu.memory_space<vmem>>, vector<16xf32>,
      tpu.vector_store %arg7[%parallel_loop3A_57, %parallel_loop3A_58], %parallel_loop3A_55 {strides = array<i32>} : memref<16x3200xf32, #tpu.memory_space<vmem>>, vector<16xf32>,
      %parallel_loop3A_60 = arith.constant 6 : i32
      %parallel_loop3A_61 = vector.broadcast %parallel_loop3A_60 : i32 to vector<16xi32>
      %parallel_loop3A_62 = arith.addi %parallel_loop3A_11, %parallel_loop3A_61 : vector<16xi32>
      %parallel_loop3A_63 = tpu.vector_load_idx %arg6[%parallel_loop3A_62] : memref<16000xf32, #tpu.memory_space<vmem>>[vector<16xi32>], vector<16xf32>,
      %parallel_loop3A_64 = arith.constant 6 : i32
      %parallel_loop3A_65 = arith.index_cast %parallel_loop3A_64 : i32 to index
      %parallel_loop3A_66 = arith.index_cast %parallel_loop3A_6 : i32 to index
      %parallel_loop3A_67 = tpu.vector_load %arg7[%parallel_loop3A_65, %parallel_loop3A_66] {strides = array<i32>} : memref<16x3200xf32, #tpu.memory_space<vmem>>, vector<16xf32>,
      tpu.vector_store %arg7[%parallel_loop3A_65, %parallel_loop3A_66], %parallel_loop3A_63 {strides = array<i32>} : memref<16x3200xf32, #tpu.memory_space<vmem>>, vector<16xf32>,
      %parallel_loop3A_68 = arith.constant 7 : i32
      %parallel_loop3A_69 = vector.broadcast %parallel_loop3A_68 : i32 to vector<16xi32>
      %parallel_loop3A_70 = arith.addi %parallel_loop3A_11, %parallel_loop3A_69 : vector<16xi32>
      %parallel_loop3A_71 = tpu.vector_load_idx %arg6[%parallel_loop3A_70] : memref<16000xf32, #tpu.memory_space<vmem>>[vector<16xi32>], vector<16xf32>,
      %parallel_loop3A_72 = arith.constant 7 : i32
      %parallel_loop3A_73 = arith.index_cast %parallel_loop3A_72 : i32 to index
      %parallel_loop3A_74 = arith.index_cast %parallel_loop3A_6 : i32 to index
      %parallel_loop3A_75 = tpu.vector_load %arg7[%parallel_loop3A_73, %parallel_loop3A_74] {strides = array<i32>} : memref<16x3200xf32, #tpu.memory_space<vmem>>, vector<16xf32>,
      tpu.vector_store %arg7[%parallel_loop3A_73, %parallel_loop3A_74], %parallel_loop3A_71 {strides = array<i32>} : memref<16x3200xf32, #tpu.memory_space<vmem>>, vector<16xf32>,
      %parallel_loop3A_76 = arith.constant 8 : i32
      %parallel_loop3A_77 = vector.broadcast %parallel_loop3A_76 : i32 to vector<16xi32>
      %parallel_loop3A_78 = arith.addi %parallel_loop3A_11, %parallel_loop3A_77 : vector<16xi32>
      %parallel_loop3A_79 = tpu.vector_load_idx %arg6[%parallel_loop3A_78] : memref<16000xf32, #tpu.memory_space<vmem>>[vector<16xi32>], vector<16xf32>,
      %parallel_loop3A_80 = arith.constant 8 : i32
      %parallel_loop3A_81 = arith.index_cast %parallel_loop3A_80 : i32 to index
      %parallel_loop3A_82 = arith.index_cast %parallel_loop3A_6 : i32 to index
      %parallel_loop3A_83 = tpu.vector_load %arg7[%parallel_loop3A_81, %parallel_loop3A_82] {strides = array<i32>} : memref<16x3200xf32, #tpu.memory_space<vmem>>, vector<16xf32>,
      tpu.vector_store %arg7[%parallel_loop3A_81, %parallel_loop3A_82], %parallel_loop3A_79 {strides = array<i32>} : memref<16x3200xf32, #tpu.memory_space<vmem>>, vector<16xf32>,
      %parallel_loop3A_84 = arith.constant 9 : i32
      %parallel_loop3A_85 = vector.broadcast %parallel_loop3A_84 : i32 to vector<16xi32>
      %parallel_loop3A_86 = arith.addi %parallel_loop3A_11, %parallel_loop3A_85 : vector<16xi32>
      %parallel_loop3A_87 = tpu.vector_load_idx %arg6[%parallel_loop3A_86] : memref<16000xf32, #tpu.memory_space<vmem>>[vector<16xi32>], vector<16xf32>,
      %parallel_loop3A_88 = arith.constant 9 : i32
      %parallel_loop3A_89 = arith.index_cast %parallel_loop3A_88 : i32 to index
      %parallel_loop3A_90 = arith.index_cast %parallel_loop3A_6 : i32 to index
      %parallel_loop3A_91 = tpu.vector_load %arg7[%parallel_loop3A_89, %parallel_loop3A_90] {strides = array<i32>} : memref<16x3200xf32, #tpu.memory_space<vmem>>, vector<16xf32>,
      tpu.vector_store %arg7[%parallel_loop3A_89, %parallel_loop3A_90], %parallel_loop3A_87 {strides = array<i32>} : memref<16x3200xf32, #tpu.memory_space<vmem>>, vector<16xf32>,
      %parallel_loop3A_92 = arith.constant 10 : i32
      %parallel_loop3A_93 = vector.broadcast %parallel_loop3A_92 : i32 to vector<16xi32>
      %parallel_loop3A_94 = arith.addi %parallel_loop3A_11, %parallel_loop3A_93 : vector<16xi32>
      %parallel_loop3A_95 = tpu.vector_load_idx %arg6[%parallel_loop3A_94] : memref<16000xf32, #tpu.memory_space<vmem>>[vector<16xi32>], vector<16xf32>,
      %parallel_loop3A_96 = arith.constant 10 : i32
      %parallel_loop3A_97 = arith.index_cast %parallel_loop3A_96 : i32 to index
      %parallel_loop3A_98 = arith.index_cast %parallel_loop3A_6 : i32 to index
      %parallel_loop3A_99 = tpu.vector_load %arg7[%parallel_loop3A_97, %parallel_loop3A_98] {strides = array<i32>} : memref<16x3200xf32, #tpu.memory_space<vmem>>, vector<16xf32>,
      tpu.vector_store %arg7[%parallel_loop3A_97, %parallel_loop3A_98], %parallel_loop3A_95 {strides = array<i32>} : memref<16x3200xf32, #tpu.memory_space<vmem>>, vector<16xf32>,
      %parallel_loop3A_100 = arith.constant 11 : i32
      %parallel_loop3A_101 = vector.broadcast %parallel_loop3A_100 : i32 to vector<16xi32>
      %parallel_loop3A_102 = arith.addi %parallel_loop3A_11, %parallel_loop3A_101 : vector<16xi32>
      %parallel_loop3A_103 = tpu.vector_load_idx %arg6[%parallel_loop3A_102] : memref<16000xf32, #tpu.memory_space<vmem>>[vector<16xi32>], vector<16xf32>,
      %parallel_loop3A_104 = arith.constant 11 : i32
      %parallel_loop3A_105 = arith.index_cast %parallel_loop3A_104 : i32 to index
      %parallel_loop3A_106 = arith.index_cast %parallel_loop3A_6 : i32 to index
      %parallel_loop3A_107 = tpu.vector_load %arg7[%parallel_loop3A_105, %parallel_loop3A_106] {strides = array<i32>} : memref<16x3200xf32, #tpu.memory_space<vmem>>, vector<16xf32>,
      tpu.vector_store %arg7[%parallel_loop3A_105, %parallel_loop3A_106], %parallel_loop3A_103 {strides = array<i32>} : memref<16x3200xf32, #tpu.memory_space<vmem>>, vector<16xf32>,
      %parallel_loop3A_108 = arith.constant 12 : i32
      %parallel_loop3A_109 = vector.broadcast %parallel_loop3A_108 : i32 to vector<16xi32>
      %parallel_loop3A_110 = arith.addi %parallel_loop3A_11, %parallel_loop3A_109 : vector<16xi32>
      %parallel_loop3A_111 = tpu.vector_load_idx %arg6[%parallel_loop3A_110] : memref<16000xf32, #tpu.memory_space<vmem>>[vector<16xi32>], vector<16xf32>,
      %parallel_loop3A_112 = arith.constant 12 : i32
      %parallel_loop3A_113 = arith.index_cast %parallel_loop3A_112 : i32 to index
      %parallel_loop3A_114 = arith.index_cast %parallel_loop3A_6 : i32 to index
      %parallel_loop3A_115 = tpu.vector_load %arg7[%parallel_loop3A_113, %parallel_loop3A_114] {strides = array<i32>} : memref<16x3200xf32, #tpu.memory_space<vmem>>, vector<16xf32>,
      tpu.vector_store %arg7[%parallel_loop3A_113, %parallel_loop3A_114], %parallel_loop3A_111 {strides = array<i32>} : memref<16x3200xf32, #tpu.memory_space<vmem>>, vector<16xf32>,
      %parallel_loop3A_116 = arith.constant 13 : i32
      %parallel_loop3A_117 = vector.broadcast %parallel_loop3A_116 : i32 to vector<16xi32>
      %parallel_loop3A_118 = arith.addi %parallel_loop3A_11, %parallel_loop3A_117 : vector<16xi32>
      %parallel_loop3A_119 = tpu.vector_load_idx %arg6[%parallel_loop3A_118] : memref<16000xf32, #tpu.memory_space<vmem>>[vector<16xi32>], vector<16xf32>,
      %parallel_loop3A_120 = arith.constant 13 : i32
      %parallel_loop3A_121 = arith.index_cast %parallel_loop3A_120 : i32 to index
      %parallel_loop3A_122 = arith.index_cast %parallel_loop3A_6 : i32 to index
      %parallel_loop3A_123 = tpu.vector_load %arg7[%parallel_loop3A_121, %parallel_loop3A_122] {strides = array<i32>} : memref<16x3200xf32, #tpu.memory_space<vmem>>, vector<16xf32>,
      tpu.vector_store %arg7[%parallel_loop3A_121, %parallel_loop3A_122], %parallel_loop3A_119 {strides = array<i32>} : memref<16x3200xf32, #tpu.memory_space<vmem>>, vector<16xf32>,
      %parallel_loop3A_124 = arith.constant 14 : i32
      %parallel_loop3A_125 = vector.broadcast %parallel_loop3A_124 : i32 to vector<16xi32>
      %parallel_loop3A_126 = arith.addi %parallel_loop3A_11, %parallel_loop3A_125 : vector<16xi32>
      %parallel_loop3A_127 = tpu.vector_load_idx %arg6[%parallel_loop3A_126] : memref<16000xf32, #tpu.memory_space<vmem>>[vector<16xi32>], vector<16xf32>,
      %parallel_loop3A_128 = arith.constant 14 : i32
      %parallel_loop3A_129 = arith.index_cast %parallel_loop3A_128 : i32 to index
      %parallel_loop3A_130 = arith.index_cast %parallel_loop3A_6 : i32 to index
      %parallel_loop3A_131 = tpu.vector_load %arg7[%parallel_loop3A_129, %parallel_loop3A_130] {strides = array<i32>} : memref<16x3200xf32, #tpu.memory_space<vmem>>, vector<16xf32>,
      tpu.vector_store %arg7[%parallel_loop3A_129, %parallel_loop3A_130], %parallel_loop3A_127 {strides = array<i32>} : memref<16x3200xf32, #tpu.memory_space<vmem>>, vector<16xf32>,
      %parallel_loop3A_132 = arith.constant 15 : i32
      %parallel_loop3A_133 = vector.broadcast %parallel_loop3A_132 : i32 to vector<16xi32>
      %parallel_loop3A_134 = arith.addi %parallel_loop3A_11, %parallel_loop3A_133 : vector<16xi32>
      %parallel_loop3A_135 = tpu.vector_load_idx %arg6[%parallel_loop3A_134] : memref<16000xf32, #tpu.memory_space<vmem>>[vector<16xi32>], vector<16xf32>,
      %parallel_loop3A_136 = arith.constant 15 : i32
      %parallel_loop3A_137 = arith.index_cast %parallel_loop3A_136 : i32 to index
      %parallel_loop3A_138 = arith.index_cast %parallel_loop3A_6 : i32 to index
      %parallel_loop3A_139 = tpu.vector_load %arg7[%parallel_loop3A_137, %parallel_loop3A_138] {strides = array<i32>} : memref<16x3200xf32, #tpu.memory_space<vmem>>, vector<16xf32>,
      tpu.vector_store %arg7[%parallel_loop3A_137, %parallel_loop3A_138], %parallel_loop3A_135 {strides = array<i32>} : memref<16x3200xf32, #tpu.memory_space<vmem>>, vector<16xf32>,
    } {sc.loop_unroll_factor = 4 : i64, sc.parallel_access}
    %run_scoped3A = arith.constant 0 : i32
    "tpu.region"() ({
      %run_scoped3A_3 = tpu.sem_alloc : memref<!tpu.dma_semaphore, #tpu.memory_space<semaphore_mem>>
      %dma_start3A = arith.constant 0 : i32
      %dma_start3A_4 = arith.constant 0 : i32
      %dma_start3A_5 = tpu.memref_slice %arg7[%dma_start3A, %dma_start3A_4] : memref<16x3200xf32, #tpu.memory_space<vmem>> -> memref<16x3200xf32, #tpu.memory_space<vmem>>
      %dma_start3A_6 = arith.constant 0 : i32
      %dma_start3A_7 = arith.constant 0 : i32
      %dma_start3A_8 = tpu.memref_slice %arg4[%add3A, %run_scoped3A, %dma_start3A_6, %dma_start3A_7] : memref<32x1x16x3200xf32, #tpu.memory_space<hbm>> -> memref<1x1x16x3200xf32, #tpu.memory_space<hbm>>
      %dma_start3A_9 = tpu.memref_squeeze %dma_start3A_8 : memref<1x1x16x3200xf32, #tpu.memory_space<hbm>> -> memref<16x3200xf32, #tpu.memory_space<hbm>>
      %dma_start3A_10 = arith.constant 0 : i32
      %dma_start3A_11 = arith.constant 0 : i32
      %dma_start3A_12 = tpu.memref_slice %arg4[%add3A, %run_scoped3A, %dma_start3A_10, %dma_start3A_11] : memref<32x1x16x3200xf32, #tpu.memory_space<hbm>> -> memref<1x1x16x3200xf32, #tpu.memory_space<hbm>>
      %dma_start3A_13 = tpu.memref_squeeze %dma_start3A_12 : memref<1x1x16x3200xf32, #tpu.memory_space<hbm>> -> memref<16x3200xf32, #tpu.memory_space<hbm>>
      %dma_start3A_14 = arith.constant 0 : i32
      %dma_start3A_15 = arith.constant 0 : i32
      %dma_start3A_16 = tpu.memref_slice %arg7[%dma_start3A_14, %dma_start3A_15] : memref<16x3200xf32, #tpu.memory_space<vmem>> -> memref<16x3200xf32, #tpu.memory_space<vmem>>
      tpu.enqueue_dma source(%dma_start3A_16 : memref<16x3200xf32, #tpu.memory_space<vmem>>) target(%dma_start3A_13 : memref<16x3200xf32, #tpu.memory_space<hbm>>) target_semaphore(%run_scoped3A_3 : memref<!tpu.dma_semaphore, #tpu.memory_space<semaphore_mem>>)
      %dma_wait3A = arith.constant 0 : i32
      %dma_wait3A_17 = arith.constant 0 : i32
      %dma_wait3A_18 = tpu.memref_slice %arg7[%dma_wait3A, %dma_wait3A_17] : memref<16x3200xf32, #tpu.memory_space<vmem>> -> memref<16x3200xf32, #tpu.memory_space<vmem>>
      %dma_wait3A_19 = arith.constant 0 : i32
      %dma_wait3A_20 = arith.constant 0 : i32
      %dma_wait3A_21 = tpu.memref_slice %arg4[%add3A, %run_scoped3A, %dma_wait3A_19, %dma_wait3A_20] : memref<32x1x16x3200xf32, #tpu.memory_space<hbm>> -> memref<1x1x16x3200xf32, #tpu.memory_space<hbm>>
      %dma_wait3A_22 = tpu.memref_squeeze %dma_wait3A_21 : memref<1x1x16x3200xf32, #tpu.memory_space<hbm>> -> memref<16x3200xf32, #tpu.memory_space<hbm>>
      %dma_wait3A_23 = arith.constant 0 : i32
      %dma_wait3A_24 = arith.constant 0 : i32
      %dma_wait3A_25 = tpu.memref_slice %arg4[%add3A, %run_scoped3A, %dma_wait3A_23, %dma_wait3A_24] : memref<32x1x16x3200xf32, #tpu.memory_space<hbm>> -> memref<1x1x16x3200xf32, #tpu.memory_space<hbm>>
      %dma_wait3A_26 = tpu.memref_squeeze %dma_wait3A_25 : memref<1x1x16x3200xf32, #tpu.memory_space<hbm>> -> memref<16x3200xf32, #tpu.memory_space<hbm>>
      %dma_wait3A_27 = arith.constant 0 : i32
      %dma_wait3A_28 = arith.constant 0 : i32
      %dma_wait3A_29 = tpu.memref_slice %arg7[%dma_wait3A_27, %dma_wait3A_28] : memref<16x3200xf32, #tpu.memory_space<vmem>> -> memref<16x3200xf32, #tpu.memory_space<vmem>>
      tpu.wait_dma2 semaphore(%run_scoped3A_3 : memref<!tpu.dma_semaphore, #tpu.memory_space<semaphore_mem>>) src(%dma_wait3A_29 : memref<16x3200xf32, #tpu.memory_space<vmem>>) dst(%dma_wait3A_26 : memref<16x3200xf32, #tpu.memory_space<hbm>>)
      tpu.yield
    }) : () -> ()
    return
  }
}

module attributes {stable_mosaic.version = 14 : i64} {
  func.func @_tc_body(%arg0: i32, %arg1: memref<1x200x16xi32, #tpu.memory_space<vmem>>, %arg2: memref<1x16x200xi32, #tpu.memory_space<vmem>>, %arg3: memref<1x50x16xi32, #tpu.memory_space<vmem>>, %arg4: memref<1x50x16xi32, #tpu.memory_space<vmem>>, %arg5: memref<1x1x16x3200xf32, #tpu.memory_space<vmem>>, %arg6: memref<1x16xf32, #tpu.memory_space<vmem>>, %arg7: memref<16x50x16xf32, #tpu.memory_space<vmem>>) attributes {dimension_semantics = [#tpu.dimension_semantics<arbitrary>], iteration_bounds = array<i64: 32>, scalar_prefetch = 0 : i64, scratch_operands = 0 : i64, tpu.core_type = #tpu.core_type<tc>, window_params = [{transform_indices = @transform_0, window_bounds = array<i64: 1, 200, 16>}, {transform_indices = @transform_1, window_bounds = array<i64: 1, 16, 200>}, {transform_indices = @transform_2, window_bounds = array<i64: 1, 50, 16>}, {transform_indices = @transform_3, window_bounds = array<i64: 1, 50, 16>}, {transform_indices = @transform_4, window_bounds = array<i64: 1, 1, 16, 3200>}, {pipeline_mode = #tpu.pipeline_mode<synchronous>, transform_indices = @transform_5, window_bounds = array<i64: 1, 16>}, {transform_indices = @transform_6, window_bounds = array<i64: 16, 50, 16>}]} {
    %iota3A = tpu.iota {dimensions = array<i32: 0>} : vector<200x200xi32>
    %iota3A_0 = tpu.iota {dimensions = array<i32: 1>} : vector<200x200xi32>
    %iota3A_1 = tpu.iota {dimensions = array<i32: 1>} : vector<50x200xi32>
    %get3A = arith.constant 0 : index
    %get3A_2 = arith.constant 0 : index
    %get3A_3 = arith.constant 0 : index
    %get3A_4 = vector.load %arg1[%get3A, %get3A_2, %get3A_3] : memref<1x200x16xi32, #tpu.memory_space<vmem>>, vector<1x200x16xi32>
    %get3A_5 = vector.shape_cast %get3A_4 : vector<1x200x16xi32> to vector<200x16xi32>
    %slice3A = vector.extract_strided_slice %get3A_5 {offsets = [0, 0], sizes = [200, 1], strides = [1, 1]} : vector<200x16xi32> to vector<200x1xi32>
    %get3A_6 = arith.constant 0 : index
    %get3A_7 = arith.constant 0 : index
    %get3A_8 = arith.constant 0 : index
    %get3A_9 = vector.load %arg2[%get3A_6, %get3A_7, %get3A_8] : memref<1x16x200xi32, #tpu.memory_space<vmem>>, vector<1x16x200xi32>
    %get3A_10 = vector.shape_cast %get3A_9 : vector<1x16x200xi32> to vector<16x200xi32>
    %slice3A_11 = vector.extract_strided_slice %get3A_10 {offsets = [0, 0], sizes = [1, 200], strides = [1, 1]} : vector<16x200xi32> to vector<1x200xi32>
    %eq3A = vector.broadcast %slice3A : vector<200x1xi32> to vector<200x200xi32>
    %eq3A_12 = vector.broadcast %slice3A_11 : vector<1x200xi32> to vector<200x200xi32>
    %eq3A_13 = arith.cmpi eq, %eq3A, %eq3A_12 : vector<200x200xi32>
    %lt3A = arith.cmpi slt, %iota3A, %iota3A_0 : vector<200x200xi32>
    %and3A = arith.andi %eq3A_13, %lt3A : vector<200x200xi1>
    %jit3A = arith.constant -1 : i32
    %broadcast_in_dim3A = vector.broadcast %jit3A : i32 to vector<200x200xi32>
    %select_n3A = arith.select %and3A, %iota3A, %broadcast_in_dim3A : vector<200x200xi1>, vector<200x200xi32>
    %reduce_max3A = arith.constant dense<-2147483648> : vector<200xi32>
    %reduce_max3A_14 = vector.multi_reduction <maxsi>, %select_n3A, %reduce_max3A [0] : vector<200x200xi32> to vector<200xi32>
    %broadcast_in_dim3A_15 = vector.shape_cast %reduce_max3A_14 : vector<200xi32> to vector<1x200xi32>
    %get3A_16 = arith.constant 0 : index
    %get3A_17 = arith.constant 0 : index
    %get3A_18 = arith.constant 0 : index
    %get3A_19 = vector.load %arg3[%get3A_16, %get3A_17, %get3A_18] : memref<1x50x16xi32, #tpu.memory_space<vmem>>, vector<1x50x16xi32>
    %get3A_20 = vector.shape_cast %get3A_19 : vector<1x50x16xi32> to vector<50x16xi32>
    %slice3A_21 = vector.extract_strided_slice %get3A_20 {offsets = [0, 0], sizes = [50, 1], strides = [1, 1]} : vector<50x16xi32> to vector<50x1xi32>
    %get3A_22 = arith.constant 0 : index
    %get3A_23 = arith.constant 0 : index
    %get3A_24 = arith.constant 0 : index
    %get3A_25 = vector.load %arg4[%get3A_22, %get3A_23, %get3A_24] : memref<1x50x16xi32, #tpu.memory_space<vmem>>, vector<1x50x16xi32>
    %get3A_26 = vector.shape_cast %get3A_25 : vector<1x50x16xi32> to vector<50x16xi32>
    %slice3A_27 = vector.extract_strided_slice %get3A_26 {offsets = [0, 0], sizes = [50, 1], strides = [1, 1]} : vector<50x16xi32> to vector<50x1xi32>
    %ge3A = vector.broadcast %slice3A_21 : vector<50x1xi32> to vector<50x200xi32>
    %ge3A_28 = arith.cmpi sge, %iota3A_1, %ge3A : vector<50x200xi32>
    %lt3A_29 = vector.broadcast %slice3A_27 : vector<50x1xi32> to vector<50x200xi32>
    %lt3A_30 = arith.cmpi slt, %iota3A_1, %lt3A_29 : vector<50x200xi32>
    %and3A_31 = arith.andi %ge3A_28, %lt3A_30 : vector<50x200xi1>
    %lt3A_32 = vector.broadcast %broadcast_in_dim3A_15 : vector<1x200xi32> to vector<50x200xi32>
    %lt3A_33 = vector.broadcast %slice3A_21 : vector<50x1xi32> to vector<50x200xi32>
    %lt3A_34 = arith.cmpi slt, %lt3A_32, %lt3A_33 : vector<50x200xi32>
    %and3A_35 = arith.andi %and3A_31, %lt3A_34 : vector<50x200xi1>
    %get3A_36 = arith.constant 0 : index
    %get3A_37 = arith.constant 0 : index
    %get3A_38 = arith.constant 0 : index
    %get3A_39 = arith.constant 0 : index
    %get3A_40 = vector.load %arg5[%get3A_36, %get3A_37, %get3A_38, %get3A_39] : memref<1x1x16x3200xf32, #tpu.memory_space<vmem>>, vector<1x1x16x3200xf32>
    %get3A_41 = vector.shape_cast %get3A_40 : vector<1x1x16x3200xf32> to vector<16x3200xf32>
    %slice3A_42 = vector.extract_strided_slice %get3A_41 {offsets = [0, 0], sizes = [16, 200], strides = [1, 1]} : vector<16x3200xf32> to vector<16x200xf32>
    %convert_element_type3A = arith.extui %and3A_35 : vector<50x200xi1> to vector<50x200xi32>
    %convert_element_type3A_43 = arith.sitofp %convert_element_type3A : vector<50x200xi32> to vector<50x200xf32>
    %dot_general3A = arith.constant dense<0.000000e+00> : vector<50x16xf32>
    %dot_general3A_44 = tpu.matmul %convert_element_type3A_43, %slice3A_42, %dot_general3A {dimension_numbers = #tpu.dot_dimension_numbers<[1], [1], [0], [0], [0, 0, 1, 0], [], []>, transpose_lhs_hint = false} : vector<50x200xf32>, vector<16x200xf32>, vector<50x16xf32> -> vector<50x16xf32>
    %get3A_45 = arith.constant 0 : index
    %get3A_46 = arith.constant 0 : index
    %get3A_47 = vector.load %arg6[%get3A_45, %get3A_46] : memref<1x16xf32, #tpu.memory_space<vmem>>, vector<1x16xf32>
    %add3A = vector.broadcast %get3A_47 : vector<1x16xf32> to vector<50x16xf32>
    %add3A_48 = arith.addf %dot_general3A_44, %add3A : vector<50x16xf32>
    %swap3A = arith.constant 0 : index
    %swap3A_49 = arith.constant 0 : index
    %swap3A_50 = arith.constant 0 : index
    %swap3A_51 = vector.load %arg7[%swap3A, %swap3A_49, %swap3A_50] : memref<16x50x16xf32, #tpu.memory_space<vmem>>, vector<1x50x16xf32>
    %swap3A_52 = vector.shape_cast %swap3A_51 : vector<1x50x16xf32> to vector<50x16xf32>
    %swap3A_53 = vector.shape_cast %add3A_48 : vector<50x16xf32> to vector<1x50x16xf32>
    tpu.vector_store %arg7[%swap3A, %swap3A_49, %swap3A_50], %swap3A_53 {strides = array<i32>} : memref<16x50x16xf32, #tpu.memory_space<vmem>>, vector<1x50x16xf32>,
    %get3A_54 = arith.constant 0 : index
    %get3A_55 = arith.constant 0 : index
    %get3A_56 = arith.constant 0 : index
    %get3A_57 = vector.load %arg1[%get3A_54, %get3A_55, %get3A_56] : memref<1x200x16xi32, #tpu.memory_space<vmem>>, vector<1x200x16xi32>
    %get3A_58 = vector.shape_cast %get3A_57 : vector<1x200x16xi32> to vector<200x16xi32>
    %slice3A_59 = vector.extract_strided_slice %get3A_58 {offsets = [0, 1], sizes = [200, 1], strides = [1, 1]} : vector<200x16xi32> to vector<200x1xi32>
    %get3A_60 = arith.constant 0 : index
    %get3A_61 = arith.constant 0 : index
    %get3A_62 = arith.constant 0 : index
    %get3A_63 = vector.load %arg2[%get3A_60, %get3A_61, %get3A_62] : memref<1x16x200xi32, #tpu.memory_space<vmem>>, vector<1x16x200xi32>
    %get3A_64 = vector.shape_cast %get3A_63 : vector<1x16x200xi32> to vector<16x200xi32>
    %slice3A_65 = vector.extract_strided_slice %get3A_64 {offsets = [1, 0], sizes = [1, 200], strides = [1, 1]} : vector<16x200xi32> to vector<1x200xi32>
    %eq3A_66 = vector.broadcast %slice3A_59 : vector<200x1xi32> to vector<200x200xi32>
    %eq3A_67 = vector.broadcast %slice3A_65 : vector<1x200xi32> to vector<200x200xi32>
    %eq3A_68 = arith.cmpi eq, %eq3A_66, %eq3A_67 : vector<200x200xi32>
    %lt3A_69 = arith.cmpi slt, %iota3A, %iota3A_0 : vector<200x200xi32>
    %and3A_70 = arith.andi %eq3A_68, %lt3A_69 : vector<200x200xi1>
    %jit3A_71 = arith.constant -1 : i32
    %broadcast_in_dim3A_72 = vector.broadcast %jit3A_71 : i32 to vector<200x200xi32>
    %select_n3A_73 = arith.select %and3A_70, %iota3A, %broadcast_in_dim3A_72 : vector<200x200xi1>, vector<200x200xi32>
    %reduce_max3A_74 = arith.constant dense<-2147483648> : vector<200xi32>
    %reduce_max3A_75 = vector.multi_reduction <maxsi>, %select_n3A_73, %reduce_max3A_74 [0] : vector<200x200xi32> to vector<200xi32>
    %broadcast_in_dim3A_76 = vector.shape_cast %reduce_max3A_75 : vector<200xi32> to vector<1x200xi32>
    %get3A_77 = arith.constant 0 : index
    %get3A_78 = arith.constant 0 : index
    %get3A_79 = arith.constant 0 : index
    %get3A_80 = vector.load %arg3[%get3A_77, %get3A_78, %get3A_79] : memref<1x50x16xi32, #tpu.memory_space<vmem>>, vector<1x50x16xi32>
    %get3A_81 = vector.shape_cast %get3A_80 : vector<1x50x16xi32> to vector<50x16xi32>
    %slice3A_82 = vector.extract_strided_slice %get3A_81 {offsets = [0, 1], sizes = [50, 1], strides = [1, 1]} : vector<50x16xi32> to vector<50x1xi32>
    %get3A_83 = arith.constant 0 : index
    %get3A_84 = arith.constant 0 : index
    %get3A_85 = arith.constant 0 : index
    %get3A_86 = vector.load %arg4[%get3A_83, %get3A_84, %get3A_85] : memref<1x50x16xi32, #tpu.memory_space<vmem>>, vector<1x50x16xi32>
    %get3A_87 = vector.shape_cast %get3A_86 : vector<1x50x16xi32> to vector<50x16xi32>
    %slice3A_88 = vector.extract_strided_slice %get3A_87 {offsets = [0, 1], sizes = [50, 1], strides = [1, 1]} : vector<50x16xi32> to vector<50x1xi32>
    %ge3A_89 = vector.broadcast %slice3A_82 : vector<50x1xi32> to vector<50x200xi32>
    %ge3A_90 = arith.cmpi sge, %iota3A_1, %ge3A_89 : vector<50x200xi32>
    %lt3A_91 = vector.broadcast %slice3A_88 : vector<50x1xi32> to vector<50x200xi32>
    %lt3A_92 = arith.cmpi slt, %iota3A_1, %lt3A_91 : vector<50x200xi32>
    %and3A_93 = arith.andi %ge3A_90, %lt3A_92 : vector<50x200xi1>
    %lt3A_94 = vector.broadcast %broadcast_in_dim3A_76 : vector<1x200xi32> to vector<50x200xi32>
    %lt3A_95 = vector.broadcast %slice3A_82 : vector<50x1xi32> to vector<50x200xi32>
    %lt3A_96 = arith.cmpi slt, %lt3A_94, %lt3A_95 : vector<50x200xi32>
    %and3A_97 = arith.andi %and3A_93, %lt3A_96 : vector<50x200xi1>
    %get3A_98 = arith.constant 0 : index
    %get3A_99 = arith.constant 0 : index
    %get3A_100 = arith.constant 0 : index
    %get3A_101 = arith.constant 0 : index
    %get3A_102 = vector.load %arg5[%get3A_98, %get3A_99, %get3A_100, %get3A_101] : memref<1x1x16x3200xf32, #tpu.memory_space<vmem>>, vector<1x1x16x3200xf32>
    %get3A_103 = vector.shape_cast %get3A_102 : vector<1x1x16x3200xf32> to vector<16x3200xf32>
    %slice3A_104 = vector.extract_strided_slice %get3A_103 {offsets = [0, 200], sizes = [16, 200], strides = [1, 1]} : vector<16x3200xf32> to vector<16x200xf32>
    %convert_element_type3A_105 = arith.extui %and3A_97 : vector<50x200xi1> to vector<50x200xi32>
    %convert_element_type3A_106 = arith.sitofp %convert_element_type3A_105 : vector<50x200xi32> to vector<50x200xf32>
    %dot_general3A_107 = arith.constant dense<0.000000e+00> : vector<50x16xf32>
    %dot_general3A_108 = tpu.matmul %convert_element_type3A_106, %slice3A_104, %dot_general3A_107 {dimension_numbers = #tpu.dot_dimension_numbers<[1], [1], [0], [0], [0, 0, 1, 0], [], []>, transpose_lhs_hint = false} : vector<50x200xf32>, vector<16x200xf32>, vector<50x16xf32> -> vector<50x16xf32>
    %get3A_109 = arith.constant 0 : index
    %get3A_110 = arith.constant 0 : index
    %get3A_111 = vector.load %arg6[%get3A_109, %get3A_110] : memref<1x16xf32, #tpu.memory_space<vmem>>, vector<1x16xf32>
    %add3A_112 = vector.broadcast %get3A_111 : vector<1x16xf32> to vector<50x16xf32>
    %add3A_113 = arith.addf %dot_general3A_108, %add3A_112 : vector<50x16xf32>
    %swap3A_114 = arith.constant 1 : index
    %swap3A_115 = arith.constant 0 : index
    %swap3A_116 = arith.constant 0 : index
    %swap3A_117 = vector.load %arg7[%swap3A_114, %swap3A_115, %swap3A_116] : memref<16x50x16xf32, #tpu.memory_space<vmem>>, vector<1x50x16xf32>
    %swap3A_118 = vector.shape_cast %swap3A_117 : vector<1x50x16xf32> to vector<50x16xf32>
    %swap3A_119 = vector.shape_cast %add3A_113 : vector<50x16xf32> to vector<1x50x16xf32>
    tpu.vector_store %arg7[%swap3A_114, %swap3A_115, %swap3A_116], %swap3A_119 {strides = array<i32>} : memref<16x50x16xf32, #tpu.memory_space<vmem>>, vector<1x50x16xf32>,
    %get3A_120 = arith.constant 0 : index
    %get3A_121 = arith.constant 0 : index
    %get3A_122 = arith.constant 0 : index
    %get3A_123 = vector.load %arg1[%get3A_120, %get3A_121, %get3A_122] : memref<1x200x16xi32, #tpu.memory_space<vmem>>, vector<1x200x16xi32>
    %get3A_124 = vector.shape_cast %get3A_123 : vector<1x200x16xi32> to vector<200x16xi32>
    %slice3A_125 = vector.extract_strided_slice %get3A_124 {offsets = [0, 2], sizes = [200, 1], strides = [1, 1]} : vector<200x16xi32> to vector<200x1xi32>
    %get3A_126 = arith.constant 0 : index
    %get3A_127 = arith.constant 0 : index
    %get3A_128 = arith.constant 0 : index
    %get3A_129 = vector.load %arg2[%get3A_126, %get3A_127, %get3A_128] : memref<1x16x200xi32, #tpu.memory_space<vmem>>, vector<1x16x200xi32>
    %get3A_130 = vector.shape_cast %get3A_129 : vector<1x16x200xi32> to vector<16x200xi32>
    %slice3A_131 = vector.extract_strided_slice %get3A_130 {offsets = [2, 0], sizes = [1, 200], strides = [1, 1]} : vector<16x200xi32> to vector<1x200xi32>
    %eq3A_132 = vector.broadcast %slice3A_125 : vector<200x1xi32> to vector<200x200xi32>
    %eq3A_133 = vector.broadcast %slice3A_131 : vector<1x200xi32> to vector<200x200xi32>
    %eq3A_134 = arith.cmpi eq, %eq3A_132, %eq3A_133 : vector<200x200xi32>
    %lt3A_135 = arith.cmpi slt, %iota3A, %iota3A_0 : vector<200x200xi32>
    %and3A_136 = arith.andi %eq3A_134, %lt3A_135 : vector<200x200xi1>
    %jit3A_137 = arith.constant -1 : i32
    %broadcast_in_dim3A_138 = vector.broadcast %jit3A_137 : i32 to vector<200x200xi32>
    %select_n3A_139 = arith.select %and3A_136, %iota3A, %broadcast_in_dim3A_138 : vector<200x200xi1>, vector<200x200xi32>
    %reduce_max3A_140 = arith.constant dense<-2147483648> : vector<200xi32>
    %reduce_max3A_141 = vector.multi_reduction <maxsi>, %select_n3A_139, %reduce_max3A_140 [0] : vector<200x200xi32> to vector<200xi32>
    %broadcast_in_dim3A_142 = vector.shape_cast %reduce_max3A_141 : vector<200xi32> to vector<1x200xi32>
    %get3A_143 = arith.constant 0 : index
    %get3A_144 = arith.constant 0 : index
    %get3A_145 = arith.constant 0 : index
    %get3A_146 = vector.load %arg3[%get3A_143, %get3A_144, %get3A_145] : memref<1x50x16xi32, #tpu.memory_space<vmem>>, vector<1x50x16xi32>
    %get3A_147 = vector.shape_cast %get3A_146 : vector<1x50x16xi32> to vector<50x16xi32>
    %slice3A_148 = vector.extract_strided_slice %get3A_147 {offsets = [0, 2], sizes = [50, 1], strides = [1, 1]} : vector<50x16xi32> to vector<50x1xi32>
    %get3A_149 = arith.constant 0 : index
    %get3A_150 = arith.constant 0 : index
    %get3A_151 = arith.constant 0 : index
    %get3A_152 = vector.load %arg4[%get3A_149, %get3A_150, %get3A_151] : memref<1x50x16xi32, #tpu.memory_space<vmem>>, vector<1x50x16xi32>
    %get3A_153 = vector.shape_cast %get3A_152 : vector<1x50x16xi32> to vector<50x16xi32>
    %slice3A_154 = vector.extract_strided_slice %get3A_153 {offsets = [0, 2], sizes = [50, 1], strides = [1, 1]} : vector<50x16xi32> to vector<50x1xi32>
    %ge3A_155 = vector.broadcast %slice3A_148 : vector<50x1xi32> to vector<50x200xi32>
    %ge3A_156 = arith.cmpi sge, %iota3A_1, %ge3A_155 : vector<50x200xi32>
    %lt3A_157 = vector.broadcast %slice3A_154 : vector<50x1xi32> to vector<50x200xi32>
    %lt3A_158 = arith.cmpi slt, %iota3A_1, %lt3A_157 : vector<50x200xi32>
    %and3A_159 = arith.andi %ge3A_156, %lt3A_158 : vector<50x200xi1>
    %lt3A_160 = vector.broadcast %broadcast_in_dim3A_142 : vector<1x200xi32> to vector<50x200xi32>
    %lt3A_161 = vector.broadcast %slice3A_148 : vector<50x1xi32> to vector<50x200xi32>
    %lt3A_162 = arith.cmpi slt, %lt3A_160, %lt3A_161 : vector<50x200xi32>
    %and3A_163 = arith.andi %and3A_159, %lt3A_162 : vector<50x200xi1>
    %get3A_164 = arith.constant 0 : index
    %get3A_165 = arith.constant 0 : index
    %get3A_166 = arith.constant 0 : index
    %get3A_167 = arith.constant 0 : index
    %get3A_168 = vector.load %arg5[%get3A_164, %get3A_165, %get3A_166, %get3A_167] : memref<1x1x16x3200xf32, #tpu.memory_space<vmem>>, vector<1x1x16x3200xf32>
    %get3A_169 = vector.shape_cast %get3A_168 : vector<1x1x16x3200xf32> to vector<16x3200xf32>
    %slice3A_170 = vector.extract_strided_slice %get3A_169 {offsets = [0, 400], sizes = [16, 200], strides = [1, 1]} : vector<16x3200xf32> to vector<16x200xf32>
    %convert_element_type3A_171 = arith.extui %and3A_163 : vector<50x200xi1> to vector<50x200xi32>
    %convert_element_type3A_172 = arith.sitofp %convert_element_type3A_171 : vector<50x200xi32> to vector<50x200xf32>
    %dot_general3A_173 = arith.constant dense<0.000000e+00> : vector<50x16xf32>
    %dot_general3A_174 = tpu.matmul %convert_element_type3A_172, %slice3A_170, %dot_general3A_173 {dimension_numbers = #tpu.dot_dimension_numbers<[1], [1], [0], [0], [0, 0, 1, 0], [], []>, transpose_lhs_hint = false} : vector<50x200xf32>, vector<16x200xf32>, vector<50x16xf32> -> vector<50x16xf32>
    %get3A_175 = arith.constant 0 : index
    %get3A_176 = arith.constant 0 : index
    %get3A_177 = vector.load %arg6[%get3A_175, %get3A_176] : memref<1x16xf32, #tpu.memory_space<vmem>>, vector<1x16xf32>
    %add3A_178 = vector.broadcast %get3A_177 : vector<1x16xf32> to vector<50x16xf32>
    %add3A_179 = arith.addf %dot_general3A_174, %add3A_178 : vector<50x16xf32>
    %swap3A_180 = arith.constant 2 : index
    %swap3A_181 = arith.constant 0 : index
    %swap3A_182 = arith.constant 0 : index
    %swap3A_183 = vector.load %arg7[%swap3A_180, %swap3A_181, %swap3A_182] : memref<16x50x16xf32, #tpu.memory_space<vmem>>, vector<1x50x16xf32>
    %swap3A_184 = vector.shape_cast %swap3A_183 : vector<1x50x16xf32> to vector<50x16xf32>
    %swap3A_185 = vector.shape_cast %add3A_179 : vector<50x16xf32> to vector<1x50x16xf32>
    tpu.vector_store %arg7[%swap3A_180, %swap3A_181, %swap3A_182], %swap3A_185 {strides = array<i32>} : memref<16x50x16xf32, #tpu.memory_space<vmem>>, vector<1x50x16xf32>,
    %get3A_186 = arith.constant 0 : index
    %get3A_187 = arith.constant 0 : index
    %get3A_188 = arith.constant 0 : index
    %get3A_189 = vector.load %arg1[%get3A_186, %get3A_187, %get3A_188] : memref<1x200x16xi32, #tpu.memory_space<vmem>>, vector<1x200x16xi32>
    %get3A_190 = vector.shape_cast %get3A_189 : vector<1x200x16xi32> to vector<200x16xi32>
    %slice3A_191 = vector.extract_strided_slice %get3A_190 {offsets = [0, 3], sizes = [200, 1], strides = [1, 1]} : vector<200x16xi32> to vector<200x1xi32>
    %get3A_192 = arith.constant 0 : index
    %get3A_193 = arith.constant 0 : index
    %get3A_194 = arith.constant 0 : index
    %get3A_195 = vector.load %arg2[%get3A_192, %get3A_193, %get3A_194] : memref<1x16x200xi32, #tpu.memory_space<vmem>>, vector<1x16x200xi32>
    %get3A_196 = vector.shape_cast %get3A_195 : vector<1x16x200xi32> to vector<16x200xi32>
    %slice3A_197 = vector.extract_strided_slice %get3A_196 {offsets = [3, 0], sizes = [1, 200], strides = [1, 1]} : vector<16x200xi32> to vector<1x200xi32>
    %eq3A_198 = vector.broadcast %slice3A_191 : vector<200x1xi32> to vector<200x200xi32>
    %eq3A_199 = vector.broadcast %slice3A_197 : vector<1x200xi32> to vector<200x200xi32>
    %eq3A_200 = arith.cmpi eq, %eq3A_198, %eq3A_199 : vector<200x200xi32>
    %lt3A_201 = arith.cmpi slt, %iota3A, %iota3A_0 : vector<200x200xi32>
    %and3A_202 = arith.andi %eq3A_200, %lt3A_201 : vector<200x200xi1>
    %jit3A_203 = arith.constant -1 : i32
    %broadcast_in_dim3A_204 = vector.broadcast %jit3A_203 : i32 to vector<200x200xi32>
    %select_n3A_205 = arith.select %and3A_202, %iota3A, %broadcast_in_dim3A_204 : vector<200x200xi1>, vector<200x200xi32>
    %reduce_max3A_206 = arith.constant dense<-2147483648> : vector<200xi32>
    %reduce_max3A_207 = vector.multi_reduction <maxsi>, %select_n3A_205, %reduce_max3A_206 [0] : vector<200x200xi32> to vector<200xi32>
    %broadcast_in_dim3A_208 = vector.shape_cast %reduce_max3A_207 : vector<200xi32> to vector<1x200xi32>
    %get3A_209 = arith.constant 0 : index
    %get3A_210 = arith.constant 0 : index
    %get3A_211 = arith.constant 0 : index
    %get3A_212 = vector.load %arg3[%get3A_209, %get3A_210, %get3A_211] : memref<1x50x16xi32, #tpu.memory_space<vmem>>, vector<1x50x16xi32>
    %get3A_213 = vector.shape_cast %get3A_212 : vector<1x50x16xi32> to vector<50x16xi32>
    %slice3A_214 = vector.extract_strided_slice %get3A_213 {offsets = [0, 3], sizes = [50, 1], strides = [1, 1]} : vector<50x16xi32> to vector<50x1xi32>
    %get3A_215 = arith.constant 0 : index
    %get3A_216 = arith.constant 0 : index
    %get3A_217 = arith.constant 0 : index
    %get3A_218 = vector.load %arg4[%get3A_215, %get3A_216, %get3A_217] : memref<1x50x16xi32, #tpu.memory_space<vmem>>, vector<1x50x16xi32>
    %get3A_219 = vector.shape_cast %get3A_218 : vector<1x50x16xi32> to vector<50x16xi32>
    %slice3A_220 = vector.extract_strided_slice %get3A_219 {offsets = [0, 3], sizes = [50, 1], strides = [1, 1]} : vector<50x16xi32> to vector<50x1xi32>
    %ge3A_221 = vector.broadcast %slice3A_214 : vector<50x1xi32> to vector<50x200xi32>
    %ge3A_222 = arith.cmpi sge, %iota3A_1, %ge3A_221 : vector<50x200xi32>
    %lt3A_223 = vector.broadcast %slice3A_220 : vector<50x1xi32> to vector<50x200xi32>
    %lt3A_224 = arith.cmpi slt, %iota3A_1, %lt3A_223 : vector<50x200xi32>
    %and3A_225 = arith.andi %ge3A_222, %lt3A_224 : vector<50x200xi1>
    %lt3A_226 = vector.broadcast %broadcast_in_dim3A_208 : vector<1x200xi32> to vector<50x200xi32>
    %lt3A_227 = vector.broadcast %slice3A_214 : vector<50x1xi32> to vector<50x200xi32>
    %lt3A_228 = arith.cmpi slt, %lt3A_226, %lt3A_227 : vector<50x200xi32>
    %and3A_229 = arith.andi %and3A_225, %lt3A_228 : vector<50x200xi1>
    %get3A_230 = arith.constant 0 : index
    %get3A_231 = arith.constant 0 : index
    %get3A_232 = arith.constant 0 : index
    %get3A_233 = arith.constant 0 : index
    %get3A_234 = vector.load %arg5[%get3A_230, %get3A_231, %get3A_232, %get3A_233] : memref<1x1x16x3200xf32, #tpu.memory_space<vmem>>, vector<1x1x16x3200xf32>
    %get3A_235 = vector.shape_cast %get3A_234 : vector<1x1x16x3200xf32> to vector<16x3200xf32>
    %slice3A_236 = vector.extract_strided_slice %get3A_235 {offsets = [0, 600], sizes = [16, 200], strides = [1, 1]} : vector<16x3200xf32> to vector<16x200xf32>
    %convert_element_type3A_237 = arith.extui %and3A_229 : vector<50x200xi1> to vector<50x200xi32>
    %convert_element_type3A_238 = arith.sitofp %convert_element_type3A_237 : vector<50x200xi32> to vector<50x200xf32>
    %dot_general3A_239 = arith.constant dense<0.000000e+00> : vector<50x16xf32>
    %dot_general3A_240 = tpu.matmul %convert_element_type3A_238, %slice3A_236, %dot_general3A_239 {dimension_numbers = #tpu.dot_dimension_numbers<[1], [1], [0], [0], [0, 0, 1, 0], [], []>, transpose_lhs_hint = false} : vector<50x200xf32>, vector<16x200xf32>, vector<50x16xf32> -> vector<50x16xf32>
    %get3A_241 = arith.constant 0 : index
    %get3A_242 = arith.constant 0 : index
    %get3A_243 = vector.load %arg6[%get3A_241, %get3A_242] : memref<1x16xf32, #tpu.memory_space<vmem>>, vector<1x16xf32>
    %add3A_244 = vector.broadcast %get3A_243 : vector<1x16xf32> to vector<50x16xf32>
    %add3A_245 = arith.addf %dot_general3A_240, %add3A_244 : vector<50x16xf32>
    %swap3A_246 = arith.constant 3 : index
    %swap3A_247 = arith.constant 0 : index
    %swap3A_248 = arith.constant 0 : index
    %swap3A_249 = vector.load %arg7[%swap3A_246, %swap3A_247, %swap3A_248] : memref<16x50x16xf32, #tpu.memory_space<vmem>>, vector<1x50x16xf32>
    %swap3A_250 = vector.shape_cast %swap3A_249 : vector<1x50x16xf32> to vector<50x16xf32>
    %swap3A_251 = vector.shape_cast %add3A_245 : vector<50x16xf32> to vector<1x50x16xf32>
    tpu.vector_store %arg7[%swap3A_246, %swap3A_247, %swap3A_248], %swap3A_251 {strides = array<i32>} : memref<16x50x16xf32, #tpu.memory_space<vmem>>, vector<1x50x16xf32>,
    %get3A_252 = arith.constant 0 : index
    %get3A_253 = arith.constant 0 : index
    %get3A_254 = arith.constant 0 : index
    %get3A_255 = vector.load %arg1[%get3A_252, %get3A_253, %get3A_254] : memref<1x200x16xi32, #tpu.memory_space<vmem>>, vector<1x200x16xi32>
    %get3A_256 = vector.shape_cast %get3A_255 : vector<1x200x16xi32> to vector<200x16xi32>
    %slice3A_257 = vector.extract_strided_slice %get3A_256 {offsets = [0, 4], sizes = [200, 1], strides = [1, 1]} : vector<200x16xi32> to vector<200x1xi32>
    %get3A_258 = arith.constant 0 : index
    %get3A_259 = arith.constant 0 : index
    %get3A_260 = arith.constant 0 : index
    %get3A_261 = vector.load %arg2[%get3A_258, %get3A_259, %get3A_260] : memref<1x16x200xi32, #tpu.memory_space<vmem>>, vector<1x16x200xi32>
    %get3A_262 = vector.shape_cast %get3A_261 : vector<1x16x200xi32> to vector<16x200xi32>
    %slice3A_263 = vector.extract_strided_slice %get3A_262 {offsets = [4, 0], sizes = [1, 200], strides = [1, 1]} : vector<16x200xi32> to vector<1x200xi32>
    %eq3A_264 = vector.broadcast %slice3A_257 : vector<200x1xi32> to vector<200x200xi32>
    %eq3A_265 = vector.broadcast %slice3A_263 : vector<1x200xi32> to vector<200x200xi32>
    %eq3A_266 = arith.cmpi eq, %eq3A_264, %eq3A_265 : vector<200x200xi32>
    %lt3A_267 = arith.cmpi slt, %iota3A, %iota3A_0 : vector<200x200xi32>
    %and3A_268 = arith.andi %eq3A_266, %lt3A_267 : vector<200x200xi1>
    %jit3A_269 = arith.constant -1 : i32
    %broadcast_in_dim3A_270 = vector.broadcast %jit3A_269 : i32 to vector<200x200xi32>
    %select_n3A_271 = arith.select %and3A_268, %iota3A, %broadcast_in_dim3A_270 : vector<200x200xi1>, vector<200x200xi32>
    %reduce_max3A_272 = arith.constant dense<-2147483648> : vector<200xi32>
    %reduce_max3A_273 = vector.multi_reduction <maxsi>, %select_n3A_271, %reduce_max3A_272 [0] : vector<200x200xi32> to vector<200xi32>
    %broadcast_in_dim3A_274 = vector.shape_cast %reduce_max3A_273 : vector<200xi32> to vector<1x200xi32>
    %get3A_275 = arith.constant 0 : index
    %get3A_276 = arith.constant 0 : index
    %get3A_277 = arith.constant 0 : index
    %get3A_278 = vector.load %arg3[%get3A_275, %get3A_276, %get3A_277] : memref<1x50x16xi32, #tpu.memory_space<vmem>>, vector<1x50x16xi32>
    %get3A_279 = vector.shape_cast %get3A_278 : vector<1x50x16xi32> to vector<50x16xi32>
    %slice3A_280 = vector.extract_strided_slice %get3A_279 {offsets = [0, 4], sizes = [50, 1], strides = [1, 1]} : vector<50x16xi32> to vector<50x1xi32>
    %get3A_281 = arith.constant 0 : index
    %get3A_282 = arith.constant 0 : index
    %get3A_283 = arith.constant 0 : index
    %get3A_284 = vector.load %arg4[%get3A_281, %get3A_282, %get3A_283] : memref<1x50x16xi32, #tpu.memory_space<vmem>>, vector<1x50x16xi32>
    %get3A_285 = vector.shape_cast %get3A_284 : vector<1x50x16xi32> to vector<50x16xi32>
    %slice3A_286 = vector.extract_strided_slice %get3A_285 {offsets = [0, 4], sizes = [50, 1], strides = [1, 1]} : vector<50x16xi32> to vector<50x1xi32>
    %ge3A_287 = vector.broadcast %slice3A_280 : vector<50x1xi32> to vector<50x200xi32>
    %ge3A_288 = arith.cmpi sge, %iota3A_1, %ge3A_287 : vector<50x200xi32>
    %lt3A_289 = vector.broadcast %slice3A_286 : vector<50x1xi32> to vector<50x200xi32>
    %lt3A_290 = arith.cmpi slt, %iota3A_1, %lt3A_289 : vector<50x200xi32>
    %and3A_291 = arith.andi %ge3A_288, %lt3A_290 : vector<50x200xi1>
    %lt3A_292 = vector.broadcast %broadcast_in_dim3A_274 : vector<1x200xi32> to vector<50x200xi32>
    %lt3A_293 = vector.broadcast %slice3A_280 : vector<50x1xi32> to vector<50x200xi32>
    %lt3A_294 = arith.cmpi slt, %lt3A_292, %lt3A_293 : vector<50x200xi32>
    %and3A_295 = arith.andi %and3A_291, %lt3A_294 : vector<50x200xi1>
    %get3A_296 = arith.constant 0 : index
    %get3A_297 = arith.constant 0 : index
    %get3A_298 = arith.constant 0 : index
    %get3A_299 = arith.constant 0 : index
    %get3A_300 = vector.load %arg5[%get3A_296, %get3A_297, %get3A_298, %get3A_299] : memref<1x1x16x3200xf32, #tpu.memory_space<vmem>>, vector<1x1x16x3200xf32>
    %get3A_301 = vector.shape_cast %get3A_300 : vector<1x1x16x3200xf32> to vector<16x3200xf32>
    %slice3A_302 = vector.extract_strided_slice %get3A_301 {offsets = [0, 800], sizes = [16, 200], strides = [1, 1]} : vector<16x3200xf32> to vector<16x200xf32>
    %convert_element_type3A_303 = arith.extui %and3A_295 : vector<50x200xi1> to vector<50x200xi32>
    %convert_element_type3A_304 = arith.sitofp %convert_element_type3A_303 : vector<50x200xi32> to vector<50x200xf32>
    %dot_general3A_305 = arith.constant dense<0.000000e+00> : vector<50x16xf32>
    %dot_general3A_306 = tpu.matmul %convert_element_type3A_304, %slice3A_302, %dot_general3A_305 {dimension_numbers = #tpu.dot_dimension_numbers<[1], [1], [0], [0], [0, 0, 1, 0], [], []>, transpose_lhs_hint = false} : vector<50x200xf32>, vector<16x200xf32>, vector<50x16xf32> -> vector<50x16xf32>
    %get3A_307 = arith.constant 0 : index
    %get3A_308 = arith.constant 0 : index
    %get3A_309 = vector.load %arg6[%get3A_307, %get3A_308] : memref<1x16xf32, #tpu.memory_space<vmem>>, vector<1x16xf32>
    %add3A_310 = vector.broadcast %get3A_309 : vector<1x16xf32> to vector<50x16xf32>
    %add3A_311 = arith.addf %dot_general3A_306, %add3A_310 : vector<50x16xf32>
    %swap3A_312 = arith.constant 4 : index
    %swap3A_313 = arith.constant 0 : index
    %swap3A_314 = arith.constant 0 : index
    %swap3A_315 = vector.load %arg7[%swap3A_312, %swap3A_313, %swap3A_314] : memref<16x50x16xf32, #tpu.memory_space<vmem>>, vector<1x50x16xf32>
    %swap3A_316 = vector.shape_cast %swap3A_315 : vector<1x50x16xf32> to vector<50x16xf32>
    %swap3A_317 = vector.shape_cast %add3A_311 : vector<50x16xf32> to vector<1x50x16xf32>
    tpu.vector_store %arg7[%swap3A_312, %swap3A_313, %swap3A_314], %swap3A_317 {strides = array<i32>} : memref<16x50x16xf32, #tpu.memory_space<vmem>>, vector<1x50x16xf32>,
    %get3A_318 = arith.constant 0 : index
    %get3A_319 = arith.constant 0 : index
    %get3A_320 = arith.constant 0 : index
    %get3A_321 = vector.load %arg1[%get3A_318, %get3A_319, %get3A_320] : memref<1x200x16xi32, #tpu.memory_space<vmem>>, vector<1x200x16xi32>
    %get3A_322 = vector.shape_cast %get3A_321 : vector<1x200x16xi32> to vector<200x16xi32>
    %slice3A_323 = vector.extract_strided_slice %get3A_322 {offsets = [0, 5], sizes = [200, 1], strides = [1, 1]} : vector<200x16xi32> to vector<200x1xi32>
    %get3A_324 = arith.constant 0 : index
    %get3A_325 = arith.constant 0 : index
    %get3A_326 = arith.constant 0 : index
    %get3A_327 = vector.load %arg2[%get3A_324, %get3A_325, %get3A_326] : memref<1x16x200xi32, #tpu.memory_space<vmem>>, vector<1x16x200xi32>
    %get3A_328 = vector.shape_cast %get3A_327 : vector<1x16x200xi32> to vector<16x200xi32>
    %slice3A_329 = vector.extract_strided_slice %get3A_328 {offsets = [5, 0], sizes = [1, 200], strides = [1, 1]} : vector<16x200xi32> to vector<1x200xi32>
    %eq3A_330 = vector.broadcast %slice3A_323 : vector<200x1xi32> to vector<200x200xi32>
    %eq3A_331 = vector.broadcast %slice3A_329 : vector<1x200xi32> to vector<200x200xi32>
    %eq3A_332 = arith.cmpi eq, %eq3A_330, %eq3A_331 : vector<200x200xi32>
    %lt3A_333 = arith.cmpi slt, %iota3A, %iota3A_0 : vector<200x200xi32>
    %and3A_334 = arith.andi %eq3A_332, %lt3A_333 : vector<200x200xi1>
    %jit3A_335 = arith.constant -1 : i32
    %broadcast_in_dim3A_336 = vector.broadcast %jit3A_335 : i32 to vector<200x200xi32>
    %select_n3A_337 = arith.select %and3A_334, %iota3A, %broadcast_in_dim3A_336 : vector<200x200xi1>, vector<200x200xi32>
    %reduce_max3A_338 = arith.constant dense<-2147483648> : vector<200xi32>
    %reduce_max3A_339 = vector.multi_reduction <maxsi>, %select_n3A_337, %reduce_max3A_338 [0] : vector<200x200xi32> to vector<200xi32>
    %broadcast_in_dim3A_340 = vector.shape_cast %reduce_max3A_339 : vector<200xi32> to vector<1x200xi32>
    %get3A_341 = arith.constant 0 : index
    %get3A_342 = arith.constant 0 : index
    %get3A_343 = arith.constant 0 : index
    %get3A_344 = vector.load %arg3[%get3A_341, %get3A_342, %get3A_343] : memref<1x50x16xi32, #tpu.memory_space<vmem>>, vector<1x50x16xi32>
    %get3A_345 = vector.shape_cast %get3A_344 : vector<1x50x16xi32> to vector<50x16xi32>
    %slice3A_346 = vector.extract_strided_slice %get3A_345 {offsets = [0, 5], sizes = [50, 1], strides = [1, 1]} : vector<50x16xi32> to vector<50x1xi32>
    %get3A_347 = arith.constant 0 : index
    %get3A_348 = arith.constant 0 : index
    %get3A_349 = arith.constant 0 : index
    %get3A_350 = vector.load %arg4[%get3A_347, %get3A_348, %get3A_349] : memref<1x50x16xi32, #tpu.memory_space<vmem>>, vector<1x50x16xi32>
    %get3A_351 = vector.shape_cast %get3A_350 : vector<1x50x16xi32> to vector<50x16xi32>
    %slice3A_352 = vector.extract_strided_slice %get3A_351 {offsets = [0, 5], sizes = [50, 1], strides = [1, 1]} : vector<50x16xi32> to vector<50x1xi32>
    %ge3A_353 = vector.broadcast %slice3A_346 : vector<50x1xi32> to vector<50x200xi32>
    %ge3A_354 = arith.cmpi sge, %iota3A_1, %ge3A_353 : vector<50x200xi32>
    %lt3A_355 = vector.broadcast %slice3A_352 : vector<50x1xi32> to vector<50x200xi32>
    %lt3A_356 = arith.cmpi slt, %iota3A_1, %lt3A_355 : vector<50x200xi32>
    %and3A_357 = arith.andi %ge3A_354, %lt3A_356 : vector<50x200xi1>
    %lt3A_358 = vector.broadcast %broadcast_in_dim3A_340 : vector<1x200xi32> to vector<50x200xi32>
    %lt3A_359 = vector.broadcast %slice3A_346 : vector<50x1xi32> to vector<50x200xi32>
    %lt3A_360 = arith.cmpi slt, %lt3A_358, %lt3A_359 : vector<50x200xi32>
    %and3A_361 = arith.andi %and3A_357, %lt3A_360 : vector<50x200xi1>
    %get3A_362 = arith.constant 0 : index
    %get3A_363 = arith.constant 0 : index
    %get3A_364 = arith.constant 0 : index
    %get3A_365 = arith.constant 0 : index
    %get3A_366 = vector.load %arg5[%get3A_362, %get3A_363, %get3A_364, %get3A_365] : memref<1x1x16x3200xf32, #tpu.memory_space<vmem>>, vector<1x1x16x3200xf32>
    %get3A_367 = vector.shape_cast %get3A_366 : vector<1x1x16x3200xf32> to vector<16x3200xf32>
    %slice3A_368 = vector.extract_strided_slice %get3A_367 {offsets = [0, 1000], sizes = [16, 200], strides = [1, 1]} : vector<16x3200xf32> to vector<16x200xf32>
    %convert_element_type3A_369 = arith.extui %and3A_361 : vector<50x200xi1> to vector<50x200xi32>
    %convert_element_type3A_370 = arith.sitofp %convert_element_type3A_369 : vector<50x200xi32> to vector<50x200xf32>
    %dot_general3A_371 = arith.constant dense<0.000000e+00> : vector<50x16xf32>
    %dot_general3A_372 = tpu.matmul %convert_element_type3A_370, %slice3A_368, %dot_general3A_371 {dimension_numbers = #tpu.dot_dimension_numbers<[1], [1], [0], [0], [0, 0, 1, 0], [], []>, transpose_lhs_hint = false} : vector<50x200xf32>, vector<16x200xf32>, vector<50x16xf32> -> vector<50x16xf32>
    %get3A_373 = arith.constant 0 : index
    %get3A_374 = arith.constant 0 : index
    %get3A_375 = vector.load %arg6[%get3A_373, %get3A_374] : memref<1x16xf32, #tpu.memory_space<vmem>>, vector<1x16xf32>
    %add3A_376 = vector.broadcast %get3A_375 : vector<1x16xf32> to vector<50x16xf32>
    %add3A_377 = arith.addf %dot_general3A_372, %add3A_376 : vector<50x16xf32>
    %swap3A_378 = arith.constant 5 : index
    %swap3A_379 = arith.constant 0 : index
    %swap3A_380 = arith.constant 0 : index
    %swap3A_381 = vector.load %arg7[%swap3A_378, %swap3A_379, %swap3A_380] : memref<16x50x16xf32, #tpu.memory_space<vmem>>, vector<1x50x16xf32>
    %swap3A_382 = vector.shape_cast %swap3A_381 : vector<1x50x16xf32> to vector<50x16xf32>
    %swap3A_383 = vector.shape_cast %add3A_377 : vector<50x16xf32> to vector<1x50x16xf32>
    tpu.vector_store %arg7[%swap3A_378, %swap3A_379, %swap3A_380], %swap3A_383 {strides = array<i32>} : memref<16x50x16xf32, #tpu.memory_space<vmem>>, vector<1x50x16xf32>,
    %get3A_384 = arith.constant 0 : index
    %get3A_385 = arith.constant 0 : index
    %get3A_386 = arith.constant 0 : index
    %get3A_387 = vector.load %arg1[%get3A_384, %get3A_385, %get3A_386] : memref<1x200x16xi32, #tpu.memory_space<vmem>>, vector<1x200x16xi32>
    %get3A_388 = vector.shape_cast %get3A_387 : vector<1x200x16xi32> to vector<200x16xi32>
    %slice3A_389 = vector.extract_strided_slice %get3A_388 {offsets = [0, 6], sizes = [200, 1], strides = [1, 1]} : vector<200x16xi32> to vector<200x1xi32>
    %get3A_390 = arith.constant 0 : index
    %get3A_391 = arith.constant 0 : index
    %get3A_392 = arith.constant 0 : index
    %get3A_393 = vector.load %arg2[%get3A_390, %get3A_391, %get3A_392] : memref<1x16x200xi32, #tpu.memory_space<vmem>>, vector<1x16x200xi32>
    %get3A_394 = vector.shape_cast %get3A_393 : vector<1x16x200xi32> to vector<16x200xi32>
    %slice3A_395 = vector.extract_strided_slice %get3A_394 {offsets = [6, 0], sizes = [1, 200], strides = [1, 1]} : vector<16x200xi32> to vector<1x200xi32>
    %eq3A_396 = vector.broadcast %slice3A_389 : vector<200x1xi32> to vector<200x200xi32>
    %eq3A_397 = vector.broadcast %slice3A_395 : vector<1x200xi32> to vector<200x200xi32>
    %eq3A_398 = arith.cmpi eq, %eq3A_396, %eq3A_397 : vector<200x200xi32>
    %lt3A_399 = arith.cmpi slt, %iota3A, %iota3A_0 : vector<200x200xi32>
    %and3A_400 = arith.andi %eq3A_398, %lt3A_399 : vector<200x200xi1>
    %jit3A_401 = arith.constant -1 : i32
    %broadcast_in_dim3A_402 = vector.broadcast %jit3A_401 : i32 to vector<200x200xi32>
    %select_n3A_403 = arith.select %and3A_400, %iota3A, %broadcast_in_dim3A_402 : vector<200x200xi1>, vector<200x200xi32>
    %reduce_max3A_404 = arith.constant dense<-2147483648> : vector<200xi32>
    %reduce_max3A_405 = vector.multi_reduction <maxsi>, %select_n3A_403, %reduce_max3A_404 [0] : vector<200x200xi32> to vector<200xi32>
    %broadcast_in_dim3A_406 = vector.shape_cast %reduce_max3A_405 : vector<200xi32> to vector<1x200xi32>
    %get3A_407 = arith.constant 0 : index
    %get3A_408 = arith.constant 0 : index
    %get3A_409 = arith.constant 0 : index
    %get3A_410 = vector.load %arg3[%get3A_407, %get3A_408, %get3A_409] : memref<1x50x16xi32, #tpu.memory_space<vmem>>, vector<1x50x16xi32>
    %get3A_411 = vector.shape_cast %get3A_410 : vector<1x50x16xi32> to vector<50x16xi32>
    %slice3A_412 = vector.extract_strided_slice %get3A_411 {offsets = [0, 6], sizes = [50, 1], strides = [1, 1]} : vector<50x16xi32> to vector<50x1xi32>
    %get3A_413 = arith.constant 0 : index
    %get3A_414 = arith.constant 0 : index
    %get3A_415 = arith.constant 0 : index
    %get3A_416 = vector.load %arg4[%get3A_413, %get3A_414, %get3A_415] : memref<1x50x16xi32, #tpu.memory_space<vmem>>, vector<1x50x16xi32>
    %get3A_417 = vector.shape_cast %get3A_416 : vector<1x50x16xi32> to vector<50x16xi32>
    %slice3A_418 = vector.extract_strided_slice %get3A_417 {offsets = [0, 6], sizes = [50, 1], strides = [1, 1]} : vector<50x16xi32> to vector<50x1xi32>
    %ge3A_419 = vector.broadcast %slice3A_412 : vector<50x1xi32> to vector<50x200xi32>
    %ge3A_420 = arith.cmpi sge, %iota3A_1, %ge3A_419 : vector<50x200xi32>
    %lt3A_421 = vector.broadcast %slice3A_418 : vector<50x1xi32> to vector<50x200xi32>
    %lt3A_422 = arith.cmpi slt, %iota3A_1, %lt3A_421 : vector<50x200xi32>
    %and3A_423 = arith.andi %ge3A_420, %lt3A_422 : vector<50x200xi1>
    %lt3A_424 = vector.broadcast %broadcast_in_dim3A_406 : vector<1x200xi32> to vector<50x200xi32>
    %lt3A_425 = vector.broadcast %slice3A_412 : vector<50x1xi32> to vector<50x200xi32>
    %lt3A_426 = arith.cmpi slt, %lt3A_424, %lt3A_425 : vector<50x200xi32>
    %and3A_427 = arith.andi %and3A_423, %lt3A_426 : vector<50x200xi1>
    %get3A_428 = arith.constant 0 : index
    %get3A_429 = arith.constant 0 : index
    %get3A_430 = arith.constant 0 : index
    %get3A_431 = arith.constant 0 : index
    %get3A_432 = vector.load %arg5[%get3A_428, %get3A_429, %get3A_430, %get3A_431] : memref<1x1x16x3200xf32, #tpu.memory_space<vmem>>, vector<1x1x16x3200xf32>
    %get3A_433 = vector.shape_cast %get3A_432 : vector<1x1x16x3200xf32> to vector<16x3200xf32>
    %slice3A_434 = vector.extract_strided_slice %get3A_433 {offsets = [0, 1200], sizes = [16, 200], strides = [1, 1]} : vector<16x3200xf32> to vector<16x200xf32>
    %convert_element_type3A_435 = arith.extui %and3A_427 : vector<50x200xi1> to vector<50x200xi32>
    %convert_element_type3A_436 = arith.sitofp %convert_element_type3A_435 : vector<50x200xi32> to vector<50x200xf32>
    %dot_general3A_437 = arith.constant dense<0.000000e+00> : vector<50x16xf32>
    %dot_general3A_438 = tpu.matmul %convert_element_type3A_436, %slice3A_434, %dot_general3A_437 {dimension_numbers = #tpu.dot_dimension_numbers<[1], [1], [0], [0], [0, 0, 1, 0], [], []>, transpose_lhs_hint = false} : vector<50x200xf32>, vector<16x200xf32>, vector<50x16xf32> -> vector<50x16xf32>
    %get3A_439 = arith.constant 0 : index
    %get3A_440 = arith.constant 0 : index
    %get3A_441 = vector.load %arg6[%get3A_439, %get3A_440] : memref<1x16xf32, #tpu.memory_space<vmem>>, vector<1x16xf32>
    %add3A_442 = vector.broadcast %get3A_441 : vector<1x16xf32> to vector<50x16xf32>
    %add3A_443 = arith.addf %dot_general3A_438, %add3A_442 : vector<50x16xf32>
    %swap3A_444 = arith.constant 6 : index
    %swap3A_445 = arith.constant 0 : index
    %swap3A_446 = arith.constant 0 : index
    %swap3A_447 = vector.load %arg7[%swap3A_444, %swap3A_445, %swap3A_446] : memref<16x50x16xf32, #tpu.memory_space<vmem>>, vector<1x50x16xf32>
    %swap3A_448 = vector.shape_cast %swap3A_447 : vector<1x50x16xf32> to vector<50x16xf32>
    %swap3A_449 = vector.shape_cast %add3A_443 : vector<50x16xf32> to vector<1x50x16xf32>
    tpu.vector_store %arg7[%swap3A_444, %swap3A_445, %swap3A_446], %swap3A_449 {strides = array<i32>} : memref<16x50x16xf32, #tpu.memory_space<vmem>>, vector<1x50x16xf32>,
    %get3A_450 = arith.constant 0 : index
    %get3A_451 = arith.constant 0 : index
    %get3A_452 = arith.constant 0 : index
    %get3A_453 = vector.load %arg1[%get3A_450, %get3A_451, %get3A_452] : memref<1x200x16xi32, #tpu.memory_space<vmem>>, vector<1x200x16xi32>
    %get3A_454 = vector.shape_cast %get3A_453 : vector<1x200x16xi32> to vector<200x16xi32>
    %slice3A_455 = vector.extract_strided_slice %get3A_454 {offsets = [0, 7], sizes = [200, 1], strides = [1, 1]} : vector<200x16xi32> to vector<200x1xi32>
    %get3A_456 = arith.constant 0 : index
    %get3A_457 = arith.constant 0 : index
    %get3A_458 = arith.constant 0 : index
    %get3A_459 = vector.load %arg2[%get3A_456, %get3A_457, %get3A_458] : memref<1x16x200xi32, #tpu.memory_space<vmem>>, vector<1x16x200xi32>
    %get3A_460 = vector.shape_cast %get3A_459 : vector<1x16x200xi32> to vector<16x200xi32>
    %slice3A_461 = vector.extract_strided_slice %get3A_460 {offsets = [7, 0], sizes = [1, 200], strides = [1, 1]} : vector<16x200xi32> to vector<1x200xi32>
    %eq3A_462 = vector.broadcast %slice3A_455 : vector<200x1xi32> to vector<200x200xi32>
    %eq3A_463 = vector.broadcast %slice3A_461 : vector<1x200xi32> to vector<200x200xi32>
    %eq3A_464 = arith.cmpi eq, %eq3A_462, %eq3A_463 : vector<200x200xi32>
    %lt3A_465 = arith.cmpi slt, %iota3A, %iota3A_0 : vector<200x200xi32>
    %and3A_466 = arith.andi %eq3A_464, %lt3A_465 : vector<200x200xi1>
    %jit3A_467 = arith.constant -1 : i32
    %broadcast_in_dim3A_468 = vector.broadcast %jit3A_467 : i32 to vector<200x200xi32>
    %select_n3A_469 = arith.select %and3A_466, %iota3A, %broadcast_in_dim3A_468 : vector<200x200xi1>, vector<200x200xi32>
    %reduce_max3A_470 = arith.constant dense<-2147483648> : vector<200xi32>
    %reduce_max3A_471 = vector.multi_reduction <maxsi>, %select_n3A_469, %reduce_max3A_470 [0] : vector<200x200xi32> to vector<200xi32>
    %broadcast_in_dim3A_472 = vector.shape_cast %reduce_max3A_471 : vector<200xi32> to vector<1x200xi32>
    %get3A_473 = arith.constant 0 : index
    %get3A_474 = arith.constant 0 : index
    %get3A_475 = arith.constant 0 : index
    %get3A_476 = vector.load %arg3[%get3A_473, %get3A_474, %get3A_475] : memref<1x50x16xi32, #tpu.memory_space<vmem>>, vector<1x50x16xi32>
    %get3A_477 = vector.shape_cast %get3A_476 : vector<1x50x16xi32> to vector<50x16xi32>
    %slice3A_478 = vector.extract_strided_slice %get3A_477 {offsets = [0, 7], sizes = [50, 1], strides = [1, 1]} : vector<50x16xi32> to vector<50x1xi32>
    %get3A_479 = arith.constant 0 : index
    %get3A_480 = arith.constant 0 : index
    %get3A_481 = arith.constant 0 : index
    %get3A_482 = vector.load %arg4[%get3A_479, %get3A_480, %get3A_481] : memref<1x50x16xi32, #tpu.memory_space<vmem>>, vector<1x50x16xi32>
    %get3A_483 = vector.shape_cast %get3A_482 : vector<1x50x16xi32> to vector<50x16xi32>
    %slice3A_484 = vector.extract_strided_slice %get3A_483 {offsets = [0, 7], sizes = [50, 1], strides = [1, 1]} : vector<50x16xi32> to vector<50x1xi32>
    %ge3A_485 = vector.broadcast %slice3A_478 : vector<50x1xi32> to vector<50x200xi32>
    %ge3A_486 = arith.cmpi sge, %iota3A_1, %ge3A_485 : vector<50x200xi32>
    %lt3A_487 = vector.broadcast %slice3A_484 : vector<50x1xi32> to vector<50x200xi32>
    %lt3A_488 = arith.cmpi slt, %iota3A_1, %lt3A_487 : vector<50x200xi32>
    %and3A_489 = arith.andi %ge3A_486, %lt3A_488 : vector<50x200xi1>
    %lt3A_490 = vector.broadcast %broadcast_in_dim3A_472 : vector<1x200xi32> to vector<50x200xi32>
    %lt3A_491 = vector.broadcast %slice3A_478 : vector<50x1xi32> to vector<50x200xi32>
    %lt3A_492 = arith.cmpi slt, %lt3A_490, %lt3A_491 : vector<50x200xi32>
    %and3A_493 = arith.andi %and3A_489, %lt3A_492 : vector<50x200xi1>
    %get3A_494 = arith.constant 0 : index
    %get3A_495 = arith.constant 0 : index
    %get3A_496 = arith.constant 0 : index
    %get3A_497 = arith.constant 0 : index
    %get3A_498 = vector.load %arg5[%get3A_494, %get3A_495, %get3A_496, %get3A_497] : memref<1x1x16x3200xf32, #tpu.memory_space<vmem>>, vector<1x1x16x3200xf32>
    %get3A_499 = vector.shape_cast %get3A_498 : vector<1x1x16x3200xf32> to vector<16x3200xf32>
    %slice3A_500 = vector.extract_strided_slice %get3A_499 {offsets = [0, 1400], sizes = [16, 200], strides = [1, 1]} : vector<16x3200xf32> to vector<16x200xf32>
    %convert_element_type3A_501 = arith.extui %and3A_493 : vector<50x200xi1> to vector<50x200xi32>
    %convert_element_type3A_502 = arith.sitofp %convert_element_type3A_501 : vector<50x200xi32> to vector<50x200xf32>
    %dot_general3A_503 = arith.constant dense<0.000000e+00> : vector<50x16xf32>
    %dot_general3A_504 = tpu.matmul %convert_element_type3A_502, %slice3A_500, %dot_general3A_503 {dimension_numbers = #tpu.dot_dimension_numbers<[1], [1], [0], [0], [0, 0, 1, 0], [], []>, transpose_lhs_hint = false} : vector<50x200xf32>, vector<16x200xf32>, vector<50x16xf32> -> vector<50x16xf32>
    %get3A_505 = arith.constant 0 : index
    %get3A_506 = arith.constant 0 : index
    %get3A_507 = vector.load %arg6[%get3A_505, %get3A_506] : memref<1x16xf32, #tpu.memory_space<vmem>>, vector<1x16xf32>
    %add3A_508 = vector.broadcast %get3A_507 : vector<1x16xf32> to vector<50x16xf32>
    %add3A_509 = arith.addf %dot_general3A_504, %add3A_508 : vector<50x16xf32>
    %swap3A_510 = arith.constant 7 : index
    %swap3A_511 = arith.constant 0 : index
    %swap3A_512 = arith.constant 0 : index
    %swap3A_513 = vector.load %arg7[%swap3A_510, %swap3A_511, %swap3A_512] : memref<16x50x16xf32, #tpu.memory_space<vmem>>, vector<1x50x16xf32>
    %swap3A_514 = vector.shape_cast %swap3A_513 : vector<1x50x16xf32> to vector<50x16xf32>
    %swap3A_515 = vector.shape_cast %add3A_509 : vector<50x16xf32> to vector<1x50x16xf32>
    tpu.vector_store %arg7[%swap3A_510, %swap3A_511, %swap3A_512], %swap3A_515 {strides = array<i32>} : memref<16x50x16xf32, #tpu.memory_space<vmem>>, vector<1x50x16xf32>,
    %get3A_516 = arith.constant 0 : index
    %get3A_517 = arith.constant 0 : index
    %get3A_518 = arith.constant 0 : index
    %get3A_519 = vector.load %arg1[%get3A_516, %get3A_517, %get3A_518] : memref<1x200x16xi32, #tpu.memory_space<vmem>>, vector<1x200x16xi32>
    %get3A_520 = vector.shape_cast %get3A_519 : vector<1x200x16xi32> to vector<200x16xi32>
    %slice3A_521 = vector.extract_strided_slice %get3A_520 {offsets = [0, 8], sizes = [200, 1], strides = [1, 1]} : vector<200x16xi32> to vector<200x1xi32>
    %get3A_522 = arith.constant 0 : index
    %get3A_523 = arith.constant 0 : index
    %get3A_524 = arith.constant 0 : index
    %get3A_525 = vector.load %arg2[%get3A_522, %get3A_523, %get3A_524] : memref<1x16x200xi32, #tpu.memory_space<vmem>>, vector<1x16x200xi32>
    %get3A_526 = vector.shape_cast %get3A_525 : vector<1x16x200xi32> to vector<16x200xi32>
    %slice3A_527 = vector.extract_strided_slice %get3A_526 {offsets = [8, 0], sizes = [1, 200], strides = [1, 1]} : vector<16x200xi32> to vector<1x200xi32>
    %eq3A_528 = vector.broadcast %slice3A_521 : vector<200x1xi32> to vector<200x200xi32>
    %eq3A_529 = vector.broadcast %slice3A_527 : vector<1x200xi32> to vector<200x200xi32>
    %eq3A_530 = arith.cmpi eq, %eq3A_528, %eq3A_529 : vector<200x200xi32>
    %lt3A_531 = arith.cmpi slt, %iota3A, %iota3A_0 : vector<200x200xi32>
    %and3A_532 = arith.andi %eq3A_530, %lt3A_531 : vector<200x200xi1>
    %jit3A_533 = arith.constant -1 : i32
    %broadcast_in_dim3A_534 = vector.broadcast %jit3A_533 : i32 to vector<200x200xi32>
    %select_n3A_535 = arith.select %and3A_532, %iota3A, %broadcast_in_dim3A_534 : vector<200x200xi1>, vector<200x200xi32>
    %reduce_max3A_536 = arith.constant dense<-2147483648> : vector<200xi32>
    %reduce_max3A_537 = vector.multi_reduction <maxsi>, %select_n3A_535, %reduce_max3A_536 [0] : vector<200x200xi32> to vector<200xi32>
    %broadcast_in_dim3A_538 = vector.shape_cast %reduce_max3A_537 : vector<200xi32> to vector<1x200xi32>
    %get3A_539 = arith.constant 0 : index
    %get3A_540 = arith.constant 0 : index
    %get3A_541 = arith.constant 0 : index
    %get3A_542 = vector.load %arg3[%get3A_539, %get3A_540, %get3A_541] : memref<1x50x16xi32, #tpu.memory_space<vmem>>, vector<1x50x16xi32>
    %get3A_543 = vector.shape_cast %get3A_542 : vector<1x50x16xi32> to vector<50x16xi32>
    %slice3A_544 = vector.extract_strided_slice %get3A_543 {offsets = [0, 8], sizes = [50, 1], strides = [1, 1]} : vector<50x16xi32> to vector<50x1xi32>
    %get3A_545 = arith.constant 0 : index
    %get3A_546 = arith.constant 0 : index
    %get3A_547 = arith.constant 0 : index
    %get3A_548 = vector.load %arg4[%get3A_545, %get3A_546, %get3A_547] : memref<1x50x16xi32, #tpu.memory_space<vmem>>, vector<1x50x16xi32>
    %get3A_549 = vector.shape_cast %get3A_548 : vector<1x50x16xi32> to vector<50x16xi32>
    %slice3A_550 = vector.extract_strided_slice %get3A_549 {offsets = [0, 8], sizes = [50, 1], strides = [1, 1]} : vector<50x16xi32> to vector<50x1xi32>
    %ge3A_551 = vector.broadcast %slice3A_544 : vector<50x1xi32> to vector<50x200xi32>
    %ge3A_552 = arith.cmpi sge, %iota3A_1, %ge3A_551 : vector<50x200xi32>
    %lt3A_553 = vector.broadcast %slice3A_550 : vector<50x1xi32> to vector<50x200xi32>
    %lt3A_554 = arith.cmpi slt, %iota3A_1, %lt3A_553 : vector<50x200xi32>
    %and3A_555 = arith.andi %ge3A_552, %lt3A_554 : vector<50x200xi1>
    %lt3A_556 = vector.broadcast %broadcast_in_dim3A_538 : vector<1x200xi32> to vector<50x200xi32>
    %lt3A_557 = vector.broadcast %slice3A_544 : vector<50x1xi32> to vector<50x200xi32>
    %lt3A_558 = arith.cmpi slt, %lt3A_556, %lt3A_557 : vector<50x200xi32>
    %and3A_559 = arith.andi %and3A_555, %lt3A_558 : vector<50x200xi1>
    %get3A_560 = arith.constant 0 : index
    %get3A_561 = arith.constant 0 : index
    %get3A_562 = arith.constant 0 : index
    %get3A_563 = arith.constant 0 : index
    %get3A_564 = vector.load %arg5[%get3A_560, %get3A_561, %get3A_562, %get3A_563] : memref<1x1x16x3200xf32, #tpu.memory_space<vmem>>, vector<1x1x16x3200xf32>
    %get3A_565 = vector.shape_cast %get3A_564 : vector<1x1x16x3200xf32> to vector<16x3200xf32>
    %slice3A_566 = vector.extract_strided_slice %get3A_565 {offsets = [0, 1600], sizes = [16, 200], strides = [1, 1]} : vector<16x3200xf32> to vector<16x200xf32>
    %convert_element_type3A_567 = arith.extui %and3A_559 : vector<50x200xi1> to vector<50x200xi32>
    %convert_element_type3A_568 = arith.sitofp %convert_element_type3A_567 : vector<50x200xi32> to vector<50x200xf32>
    %dot_general3A_569 = arith.constant dense<0.000000e+00> : vector<50x16xf32>
    %dot_general3A_570 = tpu.matmul %convert_element_type3A_568, %slice3A_566, %dot_general3A_569 {dimension_numbers = #tpu.dot_dimension_numbers<[1], [1], [0], [0], [0, 0, 1, 0], [], []>, transpose_lhs_hint = false} : vector<50x200xf32>, vector<16x200xf32>, vector<50x16xf32> -> vector<50x16xf32>
    %get3A_571 = arith.constant 0 : index
    %get3A_572 = arith.constant 0 : index
    %get3A_573 = vector.load %arg6[%get3A_571, %get3A_572] : memref<1x16xf32, #tpu.memory_space<vmem>>, vector<1x16xf32>
    %add3A_574 = vector.broadcast %get3A_573 : vector<1x16xf32> to vector<50x16xf32>
    %add3A_575 = arith.addf %dot_general3A_570, %add3A_574 : vector<50x16xf32>
    %swap3A_576 = arith.constant 8 : index
    %swap3A_577 = arith.constant 0 : index
    %swap3A_578 = arith.constant 0 : index
    %swap3A_579 = vector.load %arg7[%swap3A_576, %swap3A_577, %swap3A_578] : memref<16x50x16xf32, #tpu.memory_space<vmem>>, vector<1x50x16xf32>
    %swap3A_580 = vector.shape_cast %swap3A_579 : vector<1x50x16xf32> to vector<50x16xf32>
    %swap3A_581 = vector.shape_cast %add3A_575 : vector<50x16xf32> to vector<1x50x16xf32>
    tpu.vector_store %arg7[%swap3A_576, %swap3A_577, %swap3A_578], %swap3A_581 {strides = array<i32>} : memref<16x50x16xf32, #tpu.memory_space<vmem>>, vector<1x50x16xf32>,
    %get3A_582 = arith.constant 0 : index
    %get3A_583 = arith.constant 0 : index
    %get3A_584 = arith.constant 0 : index
    %get3A_585 = vector.load %arg1[%get3A_582, %get3A_583, %get3A_584] : memref<1x200x16xi32, #tpu.memory_space<vmem>>, vector<1x200x16xi32>
    %get3A_586 = vector.shape_cast %get3A_585 : vector<1x200x16xi32> to vector<200x16xi32>
    %slice3A_587 = vector.extract_strided_slice %get3A_586 {offsets = [0, 9], sizes = [200, 1], strides = [1, 1]} : vector<200x16xi32> to vector<200x1xi32>
    %get3A_588 = arith.constant 0 : index
    %get3A_589 = arith.constant 0 : index
    %get3A_590 = arith.constant 0 : index
    %get3A_591 = vector.load %arg2[%get3A_588, %get3A_589, %get3A_590] : memref<1x16x200xi32, #tpu.memory_space<vmem>>, vector<1x16x200xi32>
    %get3A_592 = vector.shape_cast %get3A_591 : vector<1x16x200xi32> to vector<16x200xi32>
    %slice3A_593 = vector.extract_strided_slice %get3A_592 {offsets = [9, 0], sizes = [1, 200], strides = [1, 1]} : vector<16x200xi32> to vector<1x200xi32>
    %eq3A_594 = vector.broadcast %slice3A_587 : vector<200x1xi32> to vector<200x200xi32>
    %eq3A_595 = vector.broadcast %slice3A_593 : vector<1x200xi32> to vector<200x200xi32>
    %eq3A_596 = arith.cmpi eq, %eq3A_594, %eq3A_595 : vector<200x200xi32>
    %lt3A_597 = arith.cmpi slt, %iota3A, %iota3A_0 : vector<200x200xi32>
    %and3A_598 = arith.andi %eq3A_596, %lt3A_597 : vector<200x200xi1>
    %jit3A_599 = arith.constant -1 : i32
    %broadcast_in_dim3A_600 = vector.broadcast %jit3A_599 : i32 to vector<200x200xi32>
    %select_n3A_601 = arith.select %and3A_598, %iota3A, %broadcast_in_dim3A_600 : vector<200x200xi1>, vector<200x200xi32>
    %reduce_max3A_602 = arith.constant dense<-2147483648> : vector<200xi32>
    %reduce_max3A_603 = vector.multi_reduction <maxsi>, %select_n3A_601, %reduce_max3A_602 [0] : vector<200x200xi32> to vector<200xi32>
    %broadcast_in_dim3A_604 = vector.shape_cast %reduce_max3A_603 : vector<200xi32> to vector<1x200xi32>
    %get3A_605 = arith.constant 0 : index
    %get3A_606 = arith.constant 0 : index
    %get3A_607 = arith.constant 0 : index
    %get3A_608 = vector.load %arg3[%get3A_605, %get3A_606, %get3A_607] : memref<1x50x16xi32, #tpu.memory_space<vmem>>, vector<1x50x16xi32>
    %get3A_609 = vector.shape_cast %get3A_608 : vector<1x50x16xi32> to vector<50x16xi32>
    %slice3A_610 = vector.extract_strided_slice %get3A_609 {offsets = [0, 9], sizes = [50, 1], strides = [1, 1]} : vector<50x16xi32> to vector<50x1xi32>
    %get3A_611 = arith.constant 0 : index
    %get3A_612 = arith.constant 0 : index
    %get3A_613 = arith.constant 0 : index
    %get3A_614 = vector.load %arg4[%get3A_611, %get3A_612, %get3A_613] : memref<1x50x16xi32, #tpu.memory_space<vmem>>, vector<1x50x16xi32>
    %get3A_615 = vector.shape_cast %get3A_614 : vector<1x50x16xi32> to vector<50x16xi32>
    %slice3A_616 = vector.extract_strided_slice %get3A_615 {offsets = [0, 9], sizes = [50, 1], strides = [1, 1]} : vector<50x16xi32> to vector<50x1xi32>
    %ge3A_617 = vector.broadcast %slice3A_610 : vector<50x1xi32> to vector<50x200xi32>
    %ge3A_618 = arith.cmpi sge, %iota3A_1, %ge3A_617 : vector<50x200xi32>
    %lt3A_619 = vector.broadcast %slice3A_616 : vector<50x1xi32> to vector<50x200xi32>
    %lt3A_620 = arith.cmpi slt, %iota3A_1, %lt3A_619 : vector<50x200xi32>
    %and3A_621 = arith.andi %ge3A_618, %lt3A_620 : vector<50x200xi1>
    %lt3A_622 = vector.broadcast %broadcast_in_dim3A_604 : vector<1x200xi32> to vector<50x200xi32>
    %lt3A_623 = vector.broadcast %slice3A_610 : vector<50x1xi32> to vector<50x200xi32>
    %lt3A_624 = arith.cmpi slt, %lt3A_622, %lt3A_623 : vector<50x200xi32>
    %and3A_625 = arith.andi %and3A_621, %lt3A_624 : vector<50x200xi1>
    %get3A_626 = arith.constant 0 : index
    %get3A_627 = arith.constant 0 : index
    %get3A_628 = arith.constant 0 : index
    %get3A_629 = arith.constant 0 : index
    %get3A_630 = vector.load %arg5[%get3A_626, %get3A_627, %get3A_628, %get3A_629] : memref<1x1x16x3200xf32, #tpu.memory_space<vmem>>, vector<1x1x16x3200xf32>
    %get3A_631 = vector.shape_cast %get3A_630 : vector<1x1x16x3200xf32> to vector<16x3200xf32>
    %slice3A_632 = vector.extract_strided_slice %get3A_631 {offsets = [0, 1800], sizes = [16, 200], strides = [1, 1]} : vector<16x3200xf32> to vector<16x200xf32>
    %convert_element_type3A_633 = arith.extui %and3A_625 : vector<50x200xi1> to vector<50x200xi32>
    %convert_element_type3A_634 = arith.sitofp %convert_element_type3A_633 : vector<50x200xi32> to vector<50x200xf32>
    %dot_general3A_635 = arith.constant dense<0.000000e+00> : vector<50x16xf32>
    %dot_general3A_636 = tpu.matmul %convert_element_type3A_634, %slice3A_632, %dot_general3A_635 {dimension_numbers = #tpu.dot_dimension_numbers<[1], [1], [0], [0], [0, 0, 1, 0], [], []>, transpose_lhs_hint = false} : vector<50x200xf32>, vector<16x200xf32>, vector<50x16xf32> -> vector<50x16xf32>
    %get3A_637 = arith.constant 0 : index
    %get3A_638 = arith.constant 0 : index
    %get3A_639 = vector.load %arg6[%get3A_637, %get3A_638] : memref<1x16xf32, #tpu.memory_space<vmem>>, vector<1x16xf32>
    %add3A_640 = vector.broadcast %get3A_639 : vector<1x16xf32> to vector<50x16xf32>
    %add3A_641 = arith.addf %dot_general3A_636, %add3A_640 : vector<50x16xf32>
    %swap3A_642 = arith.constant 9 : index
    %swap3A_643 = arith.constant 0 : index
    %swap3A_644 = arith.constant 0 : index
    %swap3A_645 = vector.load %arg7[%swap3A_642, %swap3A_643, %swap3A_644] : memref<16x50x16xf32, #tpu.memory_space<vmem>>, vector<1x50x16xf32>
    %swap3A_646 = vector.shape_cast %swap3A_645 : vector<1x50x16xf32> to vector<50x16xf32>
    %swap3A_647 = vector.shape_cast %add3A_641 : vector<50x16xf32> to vector<1x50x16xf32>
    tpu.vector_store %arg7[%swap3A_642, %swap3A_643, %swap3A_644], %swap3A_647 {strides = array<i32>} : memref<16x50x16xf32, #tpu.memory_space<vmem>>, vector<1x50x16xf32>,
    %get3A_648 = arith.constant 0 : index
    %get3A_649 = arith.constant 0 : index
    %get3A_650 = arith.constant 0 : index
    %get3A_651 = vector.load %arg1[%get3A_648, %get3A_649, %get3A_650] : memref<1x200x16xi32, #tpu.memory_space<vmem>>, vector<1x200x16xi32>
    %get3A_652 = vector.shape_cast %get3A_651 : vector<1x200x16xi32> to vector<200x16xi32>
    %slice3A_653 = vector.extract_strided_slice %get3A_652 {offsets = [0, 10], sizes = [200, 1], strides = [1, 1]} : vector<200x16xi32> to vector<200x1xi32>
    %get3A_654 = arith.constant 0 : index
    %get3A_655 = arith.constant 0 : index
    %get3A_656 = arith.constant 0 : index
    %get3A_657 = vector.load %arg2[%get3A_654, %get3A_655, %get3A_656] : memref<1x16x200xi32, #tpu.memory_space<vmem>>, vector<1x16x200xi32>
    %get3A_658 = vector.shape_cast %get3A_657 : vector<1x16x200xi32> to vector<16x200xi32>
    %slice3A_659 = vector.extract_strided_slice %get3A_658 {offsets = [10, 0], sizes = [1, 200], strides = [1, 1]} : vector<16x200xi32> to vector<1x200xi32>
    %eq3A_660 = vector.broadcast %slice3A_653 : vector<200x1xi32> to vector<200x200xi32>
    %eq3A_661 = vector.broadcast %slice3A_659 : vector<1x200xi32> to vector<200x200xi32>
    %eq3A_662 = arith.cmpi eq, %eq3A_660, %eq3A_661 : vector<200x200xi32>
    %lt3A_663 = arith.cmpi slt, %iota3A, %iota3A_0 : vector<200x200xi32>
    %and3A_664 = arith.andi %eq3A_662, %lt3A_663 : vector<200x200xi1>
    %jit3A_665 = arith.constant -1 : i32
    %broadcast_in_dim3A_666 = vector.broadcast %jit3A_665 : i32 to vector<200x200xi32>
    %select_n3A_667 = arith.select %and3A_664, %iota3A, %broadcast_in_dim3A_666 : vector<200x200xi1>, vector<200x200xi32>
    %reduce_max3A_668 = arith.constant dense<-2147483648> : vector<200xi32>
    %reduce_max3A_669 = vector.multi_reduction <maxsi>, %select_n3A_667, %reduce_max3A_668 [0] : vector<200x200xi32> to vector<200xi32>
    %broadcast_in_dim3A_670 = vector.shape_cast %reduce_max3A_669 : vector<200xi32> to vector<1x200xi32>
    %get3A_671 = arith.constant 0 : index
    %get3A_672 = arith.constant 0 : index
    %get3A_673 = arith.constant 0 : index
    %get3A_674 = vector.load %arg3[%get3A_671, %get3A_672, %get3A_673] : memref<1x50x16xi32, #tpu.memory_space<vmem>>, vector<1x50x16xi32>
    %get3A_675 = vector.shape_cast %get3A_674 : vector<1x50x16xi32> to vector<50x16xi32>
    %slice3A_676 = vector.extract_strided_slice %get3A_675 {offsets = [0, 10], sizes = [50, 1], strides = [1, 1]} : vector<50x16xi32> to vector<50x1xi32>
    %get3A_677 = arith.constant 0 : index
    %get3A_678 = arith.constant 0 : index
    %get3A_679 = arith.constant 0 : index
    %get3A_680 = vector.load %arg4[%get3A_677, %get3A_678, %get3A_679] : memref<1x50x16xi32, #tpu.memory_space<vmem>>, vector<1x50x16xi32>
    %get3A_681 = vector.shape_cast %get3A_680 : vector<1x50x16xi32> to vector<50x16xi32>
    %slice3A_682 = vector.extract_strided_slice %get3A_681 {offsets = [0, 10], sizes = [50, 1], strides = [1, 1]} : vector<50x16xi32> to vector<50x1xi32>
    %ge3A_683 = vector.broadcast %slice3A_676 : vector<50x1xi32> to vector<50x200xi32>
    %ge3A_684 = arith.cmpi sge, %iota3A_1, %ge3A_683 : vector<50x200xi32>
    %lt3A_685 = vector.broadcast %slice3A_682 : vector<50x1xi32> to vector<50x200xi32>
    %lt3A_686 = arith.cmpi slt, %iota3A_1, %lt3A_685 : vector<50x200xi32>
    %and3A_687 = arith.andi %ge3A_684, %lt3A_686 : vector<50x200xi1>
    %lt3A_688 = vector.broadcast %broadcast_in_dim3A_670 : vector<1x200xi32> to vector<50x200xi32>
    %lt3A_689 = vector.broadcast %slice3A_676 : vector<50x1xi32> to vector<50x200xi32>
    %lt3A_690 = arith.cmpi slt, %lt3A_688, %lt3A_689 : vector<50x200xi32>
    %and3A_691 = arith.andi %and3A_687, %lt3A_690 : vector<50x200xi1>
    %get3A_692 = arith.constant 0 : index
    %get3A_693 = arith.constant 0 : index
    %get3A_694 = arith.constant 0 : index
    %get3A_695 = arith.constant 0 : index
    %get3A_696 = vector.load %arg5[%get3A_692, %get3A_693, %get3A_694, %get3A_695] : memref<1x1x16x3200xf32, #tpu.memory_space<vmem>>, vector<1x1x16x3200xf32>
    %get3A_697 = vector.shape_cast %get3A_696 : vector<1x1x16x3200xf32> to vector<16x3200xf32>
    %slice3A_698 = vector.extract_strided_slice %get3A_697 {offsets = [0, 2000], sizes = [16, 200], strides = [1, 1]} : vector<16x3200xf32> to vector<16x200xf32>
    %convert_element_type3A_699 = arith.extui %and3A_691 : vector<50x200xi1> to vector<50x200xi32>
    %convert_element_type3A_700 = arith.sitofp %convert_element_type3A_699 : vector<50x200xi32> to vector<50x200xf32>
    %dot_general3A_701 = arith.constant dense<0.000000e+00> : vector<50x16xf32>
    %dot_general3A_702 = tpu.matmul %convert_element_type3A_700, %slice3A_698, %dot_general3A_701 {dimension_numbers = #tpu.dot_dimension_numbers<[1], [1], [0], [0], [0, 0, 1, 0], [], []>, transpose_lhs_hint = false} : vector<50x200xf32>, vector<16x200xf32>, vector<50x16xf32> -> vector<50x16xf32>
    %get3A_703 = arith.constant 0 : index
    %get3A_704 = arith.constant 0 : index
    %get3A_705 = vector.load %arg6[%get3A_703, %get3A_704] : memref<1x16xf32, #tpu.memory_space<vmem>>, vector<1x16xf32>
    %add3A_706 = vector.broadcast %get3A_705 : vector<1x16xf32> to vector<50x16xf32>
    %add3A_707 = arith.addf %dot_general3A_702, %add3A_706 : vector<50x16xf32>
    %swap3A_708 = arith.constant 10 : index
    %swap3A_709 = arith.constant 0 : index
    %swap3A_710 = arith.constant 0 : index
    %swap3A_711 = vector.load %arg7[%swap3A_708, %swap3A_709, %swap3A_710] : memref<16x50x16xf32, #tpu.memory_space<vmem>>, vector<1x50x16xf32>
    %swap3A_712 = vector.shape_cast %swap3A_711 : vector<1x50x16xf32> to vector<50x16xf32>
    %swap3A_713 = vector.shape_cast %add3A_707 : vector<50x16xf32> to vector<1x50x16xf32>
    tpu.vector_store %arg7[%swap3A_708, %swap3A_709, %swap3A_710], %swap3A_713 {strides = array<i32>} : memref<16x50x16xf32, #tpu.memory_space<vmem>>, vector<1x50x16xf32>,
    %get3A_714 = arith.constant 0 : index
    %get3A_715 = arith.constant 0 : index
    %get3A_716 = arith.constant 0 : index
    %get3A_717 = vector.load %arg1[%get3A_714, %get3A_715, %get3A_716] : memref<1x200x16xi32, #tpu.memory_space<vmem>>, vector<1x200x16xi32>
    %get3A_718 = vector.shape_cast %get3A_717 : vector<1x200x16xi32> to vector<200x16xi32>
    %slice3A_719 = vector.extract_strided_slice %get3A_718 {offsets = [0, 11], sizes = [200, 1], strides = [1, 1]} : vector<200x16xi32> to vector<200x1xi32>
    %get3A_720 = arith.constant 0 : index
    %get3A_721 = arith.constant 0 : index
    %get3A_722 = arith.constant 0 : index
    %get3A_723 = vector.load %arg2[%get3A_720, %get3A_721, %get3A_722] : memref<1x16x200xi32, #tpu.memory_space<vmem>>, vector<1x16x200xi32>
    %get3A_724 = vector.shape_cast %get3A_723 : vector<1x16x200xi32> to vector<16x200xi32>
    %slice3A_725 = vector.extract_strided_slice %get3A_724 {offsets = [11, 0], sizes = [1, 200], strides = [1, 1]} : vector<16x200xi32> to vector<1x200xi32>
    %eq3A_726 = vector.broadcast %slice3A_719 : vector<200x1xi32> to vector<200x200xi32>
    %eq3A_727 = vector.broadcast %slice3A_725 : vector<1x200xi32> to vector<200x200xi32>
    %eq3A_728 = arith.cmpi eq, %eq3A_726, %eq3A_727 : vector<200x200xi32>
    %lt3A_729 = arith.cmpi slt, %iota3A, %iota3A_0 : vector<200x200xi32>
    %and3A_730 = arith.andi %eq3A_728, %lt3A_729 : vector<200x200xi1>
    %jit3A_731 = arith.constant -1 : i32
    %broadcast_in_dim3A_732 = vector.broadcast %jit3A_731 : i32 to vector<200x200xi32>
    %select_n3A_733 = arith.select %and3A_730, %iota3A, %broadcast_in_dim3A_732 : vector<200x200xi1>, vector<200x200xi32>
    %reduce_max3A_734 = arith.constant dense<-2147483648> : vector<200xi32>
    %reduce_max3A_735 = vector.multi_reduction <maxsi>, %select_n3A_733, %reduce_max3A_734 [0] : vector<200x200xi32> to vector<200xi32>
    %broadcast_in_dim3A_736 = vector.shape_cast %reduce_max3A_735 : vector<200xi32> to vector<1x200xi32>
    %get3A_737 = arith.constant 0 : index
    %get3A_738 = arith.constant 0 : index
    %get3A_739 = arith.constant 0 : index
    %get3A_740 = vector.load %arg3[%get3A_737, %get3A_738, %get3A_739] : memref<1x50x16xi32, #tpu.memory_space<vmem>>, vector<1x50x16xi32>
    %get3A_741 = vector.shape_cast %get3A_740 : vector<1x50x16xi32> to vector<50x16xi32>
    %slice3A_742 = vector.extract_strided_slice %get3A_741 {offsets = [0, 11], sizes = [50, 1], strides = [1, 1]} : vector<50x16xi32> to vector<50x1xi32>
    %get3A_743 = arith.constant 0 : index
    %get3A_744 = arith.constant 0 : index
    %get3A_745 = arith.constant 0 : index
    %get3A_746 = vector.load %arg4[%get3A_743, %get3A_744, %get3A_745] : memref<1x50x16xi32, #tpu.memory_space<vmem>>, vector<1x50x16xi32>
    %get3A_747 = vector.shape_cast %get3A_746 : vector<1x50x16xi32> to vector<50x16xi32>
    %slice3A_748 = vector.extract_strided_slice %get3A_747 {offsets = [0, 11], sizes = [50, 1], strides = [1, 1]} : vector<50x16xi32> to vector<50x1xi32>
    %ge3A_749 = vector.broadcast %slice3A_742 : vector<50x1xi32> to vector<50x200xi32>
    %ge3A_750 = arith.cmpi sge, %iota3A_1, %ge3A_749 : vector<50x200xi32>
    %lt3A_751 = vector.broadcast %slice3A_748 : vector<50x1xi32> to vector<50x200xi32>
    %lt3A_752 = arith.cmpi slt, %iota3A_1, %lt3A_751 : vector<50x200xi32>
    %and3A_753 = arith.andi %ge3A_750, %lt3A_752 : vector<50x200xi1>
    %lt3A_754 = vector.broadcast %broadcast_in_dim3A_736 : vector<1x200xi32> to vector<50x200xi32>
    %lt3A_755 = vector.broadcast %slice3A_742 : vector<50x1xi32> to vector<50x200xi32>
    %lt3A_756 = arith.cmpi slt, %lt3A_754, %lt3A_755 : vector<50x200xi32>
    %and3A_757 = arith.andi %and3A_753, %lt3A_756 : vector<50x200xi1>
    %get3A_758 = arith.constant 0 : index
    %get3A_759 = arith.constant 0 : index
    %get3A_760 = arith.constant 0 : index
    %get3A_761 = arith.constant 0 : index
    %get3A_762 = vector.load %arg5[%get3A_758, %get3A_759, %get3A_760, %get3A_761] : memref<1x1x16x3200xf32, #tpu.memory_space<vmem>>, vector<1x1x16x3200xf32>
    %get3A_763 = vector.shape_cast %get3A_762 : vector<1x1x16x3200xf32> to vector<16x3200xf32>
    %slice3A_764 = vector.extract_strided_slice %get3A_763 {offsets = [0, 2200], sizes = [16, 200], strides = [1, 1]} : vector<16x3200xf32> to vector<16x200xf32>
    %convert_element_type3A_765 = arith.extui %and3A_757 : vector<50x200xi1> to vector<50x200xi32>
    %convert_element_type3A_766 = arith.sitofp %convert_element_type3A_765 : vector<50x200xi32> to vector<50x200xf32>
    %dot_general3A_767 = arith.constant dense<0.000000e+00> : vector<50x16xf32>
    %dot_general3A_768 = tpu.matmul %convert_element_type3A_766, %slice3A_764, %dot_general3A_767 {dimension_numbers = #tpu.dot_dimension_numbers<[1], [1], [0], [0], [0, 0, 1, 0], [], []>, transpose_lhs_hint = false} : vector<50x200xf32>, vector<16x200xf32>, vector<50x16xf32> -> vector<50x16xf32>
    %get3A_769 = arith.constant 0 : index
    %get3A_770 = arith.constant 0 : index
    %get3A_771 = vector.load %arg6[%get3A_769, %get3A_770] : memref<1x16xf32, #tpu.memory_space<vmem>>, vector<1x16xf32>
    %add3A_772 = vector.broadcast %get3A_771 : vector<1x16xf32> to vector<50x16xf32>
    %add3A_773 = arith.addf %dot_general3A_768, %add3A_772 : vector<50x16xf32>
    %swap3A_774 = arith.constant 11 : index
    %swap3A_775 = arith.constant 0 : index
    %swap3A_776 = arith.constant 0 : index
    %swap3A_777 = vector.load %arg7[%swap3A_774, %swap3A_775, %swap3A_776] : memref<16x50x16xf32, #tpu.memory_space<vmem>>, vector<1x50x16xf32>
    %swap3A_778 = vector.shape_cast %swap3A_777 : vector<1x50x16xf32> to vector<50x16xf32>
    %swap3A_779 = vector.shape_cast %add3A_773 : vector<50x16xf32> to vector<1x50x16xf32>
    tpu.vector_store %arg7[%swap3A_774, %swap3A_775, %swap3A_776], %swap3A_779 {strides = array<i32>} : memref<16x50x16xf32, #tpu.memory_space<vmem>>, vector<1x50x16xf32>,
    %get3A_780 = arith.constant 0 : index
    %get3A_781 = arith.constant 0 : index
    %get3A_782 = arith.constant 0 : index
    %get3A_783 = vector.load %arg1[%get3A_780, %get3A_781, %get3A_782] : memref<1x200x16xi32, #tpu.memory_space<vmem>>, vector<1x200x16xi32>
    %get3A_784 = vector.shape_cast %get3A_783 : vector<1x200x16xi32> to vector<200x16xi32>
    %slice3A_785 = vector.extract_strided_slice %get3A_784 {offsets = [0, 12], sizes = [200, 1], strides = [1, 1]} : vector<200x16xi32> to vector<200x1xi32>
    %get3A_786 = arith.constant 0 : index
    %get3A_787 = arith.constant 0 : index
    %get3A_788 = arith.constant 0 : index
    %get3A_789 = vector.load %arg2[%get3A_786, %get3A_787, %get3A_788] : memref<1x16x200xi32, #tpu.memory_space<vmem>>, vector<1x16x200xi32>
    %get3A_790 = vector.shape_cast %get3A_789 : vector<1x16x200xi32> to vector<16x200xi32>
    %slice3A_791 = vector.extract_strided_slice %get3A_790 {offsets = [12, 0], sizes = [1, 200], strides = [1, 1]} : vector<16x200xi32> to vector<1x200xi32>
    %eq3A_792 = vector.broadcast %slice3A_785 : vector<200x1xi32> to vector<200x200xi32>
    %eq3A_793 = vector.broadcast %slice3A_791 : vector<1x200xi32> to vector<200x200xi32>
    %eq3A_794 = arith.cmpi eq, %eq3A_792, %eq3A_793 : vector<200x200xi32>
    %lt3A_795 = arith.cmpi slt, %iota3A, %iota3A_0 : vector<200x200xi32>
    %and3A_796 = arith.andi %eq3A_794, %lt3A_795 : vector<200x200xi1>
    %jit3A_797 = arith.constant -1 : i32
    %broadcast_in_dim3A_798 = vector.broadcast %jit3A_797 : i32 to vector<200x200xi32>
    %select_n3A_799 = arith.select %and3A_796, %iota3A, %broadcast_in_dim3A_798 : vector<200x200xi1>, vector<200x200xi32>
    %reduce_max3A_800 = arith.constant dense<-2147483648> : vector<200xi32>
    %reduce_max3A_801 = vector.multi_reduction <maxsi>, %select_n3A_799, %reduce_max3A_800 [0] : vector<200x200xi32> to vector<200xi32>
    %broadcast_in_dim3A_802 = vector.shape_cast %reduce_max3A_801 : vector<200xi32> to vector<1x200xi32>
    %get3A_803 = arith.constant 0 : index
    %get3A_804 = arith.constant 0 : index
    %get3A_805 = arith.constant 0 : index
    %get3A_806 = vector.load %arg3[%get3A_803, %get3A_804, %get3A_805] : memref<1x50x16xi32, #tpu.memory_space<vmem>>, vector<1x50x16xi32>
    %get3A_807 = vector.shape_cast %get3A_806 : vector<1x50x16xi32> to vector<50x16xi32>
    %slice3A_808 = vector.extract_strided_slice %get3A_807 {offsets = [0, 12], sizes = [50, 1], strides = [1, 1]} : vector<50x16xi32> to vector<50x1xi32>
    %get3A_809 = arith.constant 0 : index
    %get3A_810 = arith.constant 0 : index
    %get3A_811 = arith.constant 0 : index
    %get3A_812 = vector.load %arg4[%get3A_809, %get3A_810, %get3A_811] : memref<1x50x16xi32, #tpu.memory_space<vmem>>, vector<1x50x16xi32>
    %get3A_813 = vector.shape_cast %get3A_812 : vector<1x50x16xi32> to vector<50x16xi32>
    %slice3A_814 = vector.extract_strided_slice %get3A_813 {offsets = [0, 12], sizes = [50, 1], strides = [1, 1]} : vector<50x16xi32> to vector<50x1xi32>
    %ge3A_815 = vector.broadcast %slice3A_808 : vector<50x1xi32> to vector<50x200xi32>
    %ge3A_816 = arith.cmpi sge, %iota3A_1, %ge3A_815 : vector<50x200xi32>
    %lt3A_817 = vector.broadcast %slice3A_814 : vector<50x1xi32> to vector<50x200xi32>
    %lt3A_818 = arith.cmpi slt, %iota3A_1, %lt3A_817 : vector<50x200xi32>
    %and3A_819 = arith.andi %ge3A_816, %lt3A_818 : vector<50x200xi1>
    %lt3A_820 = vector.broadcast %broadcast_in_dim3A_802 : vector<1x200xi32> to vector<50x200xi32>
    %lt3A_821 = vector.broadcast %slice3A_808 : vector<50x1xi32> to vector<50x200xi32>
    %lt3A_822 = arith.cmpi slt, %lt3A_820, %lt3A_821 : vector<50x200xi32>
    %and3A_823 = arith.andi %and3A_819, %lt3A_822 : vector<50x200xi1>
    %get3A_824 = arith.constant 0 : index
    %get3A_825 = arith.constant 0 : index
    %get3A_826 = arith.constant 0 : index
    %get3A_827 = arith.constant 0 : index
    %get3A_828 = vector.load %arg5[%get3A_824, %get3A_825, %get3A_826, %get3A_827] : memref<1x1x16x3200xf32, #tpu.memory_space<vmem>>, vector<1x1x16x3200xf32>
    %get3A_829 = vector.shape_cast %get3A_828 : vector<1x1x16x3200xf32> to vector<16x3200xf32>
    %slice3A_830 = vector.extract_strided_slice %get3A_829 {offsets = [0, 2400], sizes = [16, 200], strides = [1, 1]} : vector<16x3200xf32> to vector<16x200xf32>
    %convert_element_type3A_831 = arith.extui %and3A_823 : vector<50x200xi1> to vector<50x200xi32>
    %convert_element_type3A_832 = arith.sitofp %convert_element_type3A_831 : vector<50x200xi32> to vector<50x200xf32>
    %dot_general3A_833 = arith.constant dense<0.000000e+00> : vector<50x16xf32>
    %dot_general3A_834 = tpu.matmul %convert_element_type3A_832, %slice3A_830, %dot_general3A_833 {dimension_numbers = #tpu.dot_dimension_numbers<[1], [1], [0], [0], [0, 0, 1, 0], [], []>, transpose_lhs_hint = false} : vector<50x200xf32>, vector<16x200xf32>, vector<50x16xf32> -> vector<50x16xf32>
    %get3A_835 = arith.constant 0 : index
    %get3A_836 = arith.constant 0 : index
    %get3A_837 = vector.load %arg6[%get3A_835, %get3A_836] : memref<1x16xf32, #tpu.memory_space<vmem>>, vector<1x16xf32>
    %add3A_838 = vector.broadcast %get3A_837 : vector<1x16xf32> to vector<50x16xf32>
    %add3A_839 = arith.addf %dot_general3A_834, %add3A_838 : vector<50x16xf32>
    %swap3A_840 = arith.constant 12 : index
    %swap3A_841 = arith.constant 0 : index
    %swap3A_842 = arith.constant 0 : index
    %swap3A_843 = vector.load %arg7[%swap3A_840, %swap3A_841, %swap3A_842] : memref<16x50x16xf32, #tpu.memory_space<vmem>>, vector<1x50x16xf32>
    %swap3A_844 = vector.shape_cast %swap3A_843 : vector<1x50x16xf32> to vector<50x16xf32>
    %swap3A_845 = vector.shape_cast %add3A_839 : vector<50x16xf32> to vector<1x50x16xf32>
    tpu.vector_store %arg7[%swap3A_840, %swap3A_841, %swap3A_842], %swap3A_845 {strides = array<i32>} : memref<16x50x16xf32, #tpu.memory_space<vmem>>, vector<1x50x16xf32>,
    %get3A_846 = arith.constant 0 : index
    %get3A_847 = arith.constant 0 : index
    %get3A_848 = arith.constant 0 : index
    %get3A_849 = vector.load %arg1[%get3A_846, %get3A_847, %get3A_848] : memref<1x200x16xi32, #tpu.memory_space<vmem>>, vector<1x200x16xi32>
    %get3A_850 = vector.shape_cast %get3A_849 : vector<1x200x16xi32> to vector<200x16xi32>
    %slice3A_851 = vector.extract_strided_slice %get3A_850 {offsets = [0, 13], sizes = [200, 1], strides = [1, 1]} : vector<200x16xi32> to vector<200x1xi32>
    %get3A_852 = arith.constant 0 : index
    %get3A_853 = arith.constant 0 : index
    %get3A_854 = arith.constant 0 : index
    %get3A_855 = vector.load %arg2[%get3A_852, %get3A_853, %get3A_854] : memref<1x16x200xi32, #tpu.memory_space<vmem>>, vector<1x16x200xi32>
    %get3A_856 = vector.shape_cast %get3A_855 : vector<1x16x200xi32> to vector<16x200xi32>
    %slice3A_857 = vector.extract_strided_slice %get3A_856 {offsets = [13, 0], sizes = [1, 200], strides = [1, 1]} : vector<16x200xi32> to vector<1x200xi32>
    %eq3A_858 = vector.broadcast %slice3A_851 : vector<200x1xi32> to vector<200x200xi32>
    %eq3A_859 = vector.broadcast %slice3A_857 : vector<1x200xi32> to vector<200x200xi32>
    %eq3A_860 = arith.cmpi eq, %eq3A_858, %eq3A_859 : vector<200x200xi32>
    %lt3A_861 = arith.cmpi slt, %iota3A, %iota3A_0 : vector<200x200xi32>
    %and3A_862 = arith.andi %eq3A_860, %lt3A_861 : vector<200x200xi1>
    %jit3A_863 = arith.constant -1 : i32
    %broadcast_in_dim3A_864 = vector.broadcast %jit3A_863 : i32 to vector<200x200xi32>
    %select_n3A_865 = arith.select %and3A_862, %iota3A, %broadcast_in_dim3A_864 : vector<200x200xi1>, vector<200x200xi32>
    %reduce_max3A_866 = arith.constant dense<-2147483648> : vector<200xi32>
    %reduce_max3A_867 = vector.multi_reduction <maxsi>, %select_n3A_865, %reduce_max3A_866 [0] : vector<200x200xi32> to vector<200xi32>
    %broadcast_in_dim3A_868 = vector.shape_cast %reduce_max3A_867 : vector<200xi32> to vector<1x200xi32>
    %get3A_869 = arith.constant 0 : index
    %get3A_870 = arith.constant 0 : index
    %get3A_871 = arith.constant 0 : index
    %get3A_872 = vector.load %arg3[%get3A_869, %get3A_870, %get3A_871] : memref<1x50x16xi32, #tpu.memory_space<vmem>>, vector<1x50x16xi32>
    %get3A_873 = vector.shape_cast %get3A_872 : vector<1x50x16xi32> to vector<50x16xi32>
    %slice3A_874 = vector.extract_strided_slice %get3A_873 {offsets = [0, 13], sizes = [50, 1], strides = [1, 1]} : vector<50x16xi32> to vector<50x1xi32>
    %get3A_875 = arith.constant 0 : index
    %get3A_876 = arith.constant 0 : index
    %get3A_877 = arith.constant 0 : index
    %get3A_878 = vector.load %arg4[%get3A_875, %get3A_876, %get3A_877] : memref<1x50x16xi32, #tpu.memory_space<vmem>>, vector<1x50x16xi32>
    %get3A_879 = vector.shape_cast %get3A_878 : vector<1x50x16xi32> to vector<50x16xi32>
    %slice3A_880 = vector.extract_strided_slice %get3A_879 {offsets = [0, 13], sizes = [50, 1], strides = [1, 1]} : vector<50x16xi32> to vector<50x1xi32>
    %ge3A_881 = vector.broadcast %slice3A_874 : vector<50x1xi32> to vector<50x200xi32>
    %ge3A_882 = arith.cmpi sge, %iota3A_1, %ge3A_881 : vector<50x200xi32>
    %lt3A_883 = vector.broadcast %slice3A_880 : vector<50x1xi32> to vector<50x200xi32>
    %lt3A_884 = arith.cmpi slt, %iota3A_1, %lt3A_883 : vector<50x200xi32>
    %and3A_885 = arith.andi %ge3A_882, %lt3A_884 : vector<50x200xi1>
    %lt3A_886 = vector.broadcast %broadcast_in_dim3A_868 : vector<1x200xi32> to vector<50x200xi32>
    %lt3A_887 = vector.broadcast %slice3A_874 : vector<50x1xi32> to vector<50x200xi32>
    %lt3A_888 = arith.cmpi slt, %lt3A_886, %lt3A_887 : vector<50x200xi32>
    %and3A_889 = arith.andi %and3A_885, %lt3A_888 : vector<50x200xi1>
    %get3A_890 = arith.constant 0 : index
    %get3A_891 = arith.constant 0 : index
    %get3A_892 = arith.constant 0 : index
    %get3A_893 = arith.constant 0 : index
    %get3A_894 = vector.load %arg5[%get3A_890, %get3A_891, %get3A_892, %get3A_893] : memref<1x1x16x3200xf32, #tpu.memory_space<vmem>>, vector<1x1x16x3200xf32>
    %get3A_895 = vector.shape_cast %get3A_894 : vector<1x1x16x3200xf32> to vector<16x3200xf32>
    %slice3A_896 = vector.extract_strided_slice %get3A_895 {offsets = [0, 2600], sizes = [16, 200], strides = [1, 1]} : vector<16x3200xf32> to vector<16x200xf32>
    %convert_element_type3A_897 = arith.extui %and3A_889 : vector<50x200xi1> to vector<50x200xi32>
    %convert_element_type3A_898 = arith.sitofp %convert_element_type3A_897 : vector<50x200xi32> to vector<50x200xf32>
    %dot_general3A_899 = arith.constant dense<0.000000e+00> : vector<50x16xf32>
    %dot_general3A_900 = tpu.matmul %convert_element_type3A_898, %slice3A_896, %dot_general3A_899 {dimension_numbers = #tpu.dot_dimension_numbers<[1], [1], [0], [0], [0, 0, 1, 0], [], []>, transpose_lhs_hint = false} : vector<50x200xf32>, vector<16x200xf32>, vector<50x16xf32> -> vector<50x16xf32>
    %get3A_901 = arith.constant 0 : index
    %get3A_902 = arith.constant 0 : index
    %get3A_903 = vector.load %arg6[%get3A_901, %get3A_902] : memref<1x16xf32, #tpu.memory_space<vmem>>, vector<1x16xf32>
    %add3A_904 = vector.broadcast %get3A_903 : vector<1x16xf32> to vector<50x16xf32>
    %add3A_905 = arith.addf %dot_general3A_900, %add3A_904 : vector<50x16xf32>
    %swap3A_906 = arith.constant 13 : index
    %swap3A_907 = arith.constant 0 : index
    %swap3A_908 = arith.constant 0 : index
    %swap3A_909 = vector.load %arg7[%swap3A_906, %swap3A_907, %swap3A_908] : memref<16x50x16xf32, #tpu.memory_space<vmem>>, vector<1x50x16xf32>
    %swap3A_910 = vector.shape_cast %swap3A_909 : vector<1x50x16xf32> to vector<50x16xf32>
    %swap3A_911 = vector.shape_cast %add3A_905 : vector<50x16xf32> to vector<1x50x16xf32>
    tpu.vector_store %arg7[%swap3A_906, %swap3A_907, %swap3A_908], %swap3A_911 {strides = array<i32>} : memref<16x50x16xf32, #tpu.memory_space<vmem>>, vector<1x50x16xf32>,
    %get3A_912 = arith.constant 0 : index
    %get3A_913 = arith.constant 0 : index
    %get3A_914 = arith.constant 0 : index
    %get3A_915 = vector.load %arg1[%get3A_912, %get3A_913, %get3A_914] : memref<1x200x16xi32, #tpu.memory_space<vmem>>, vector<1x200x16xi32>
    %get3A_916 = vector.shape_cast %get3A_915 : vector<1x200x16xi32> to vector<200x16xi32>
    %slice3A_917 = vector.extract_strided_slice %get3A_916 {offsets = [0, 14], sizes = [200, 1], strides = [1, 1]} : vector<200x16xi32> to vector<200x1xi32>
    %get3A_918 = arith.constant 0 : index
    %get3A_919 = arith.constant 0 : index
    %get3A_920 = arith.constant 0 : index
    %get3A_921 = vector.load %arg2[%get3A_918, %get3A_919, %get3A_920] : memref<1x16x200xi32, #tpu.memory_space<vmem>>, vector<1x16x200xi32>
    %get3A_922 = vector.shape_cast %get3A_921 : vector<1x16x200xi32> to vector<16x200xi32>
    %slice3A_923 = vector.extract_strided_slice %get3A_922 {offsets = [14, 0], sizes = [1, 200], strides = [1, 1]} : vector<16x200xi32> to vector<1x200xi32>
    %eq3A_924 = vector.broadcast %slice3A_917 : vector<200x1xi32> to vector<200x200xi32>
    %eq3A_925 = vector.broadcast %slice3A_923 : vector<1x200xi32> to vector<200x200xi32>
    %eq3A_926 = arith.cmpi eq, %eq3A_924, %eq3A_925 : vector<200x200xi32>
    %lt3A_927 = arith.cmpi slt, %iota3A, %iota3A_0 : vector<200x200xi32>
    %and3A_928 = arith.andi %eq3A_926, %lt3A_927 : vector<200x200xi1>
    %jit3A_929 = arith.constant -1 : i32
    %broadcast_in_dim3A_930 = vector.broadcast %jit3A_929 : i32 to vector<200x200xi32>
    %select_n3A_931 = arith.select %and3A_928, %iota3A, %broadcast_in_dim3A_930 : vector<200x200xi1>, vector<200x200xi32>
    %reduce_max3A_932 = arith.constant dense<-2147483648> : vector<200xi32>
    %reduce_max3A_933 = vector.multi_reduction <maxsi>, %select_n3A_931, %reduce_max3A_932 [0] : vector<200x200xi32> to vector<200xi32>
    %broadcast_in_dim3A_934 = vector.shape_cast %reduce_max3A_933 : vector<200xi32> to vector<1x200xi32>
    %get3A_935 = arith.constant 0 : index
    %get3A_936 = arith.constant 0 : index
    %get3A_937 = arith.constant 0 : index
    %get3A_938 = vector.load %arg3[%get3A_935, %get3A_936, %get3A_937] : memref<1x50x16xi32, #tpu.memory_space<vmem>>, vector<1x50x16xi32>
    %get3A_939 = vector.shape_cast %get3A_938 : vector<1x50x16xi32> to vector<50x16xi32>
    %slice3A_940 = vector.extract_strided_slice %get3A_939 {offsets = [0, 14], sizes = [50, 1], strides = [1, 1]} : vector<50x16xi32> to vector<50x1xi32>
    %get3A_941 = arith.constant 0 : index
    %get3A_942 = arith.constant 0 : index
    %get3A_943 = arith.constant 0 : index
    %get3A_944 = vector.load %arg4[%get3A_941, %get3A_942, %get3A_943] : memref<1x50x16xi32, #tpu.memory_space<vmem>>, vector<1x50x16xi32>
    %get3A_945 = vector.shape_cast %get3A_944 : vector<1x50x16xi32> to vector<50x16xi32>
    %slice3A_946 = vector.extract_strided_slice %get3A_945 {offsets = [0, 14], sizes = [50, 1], strides = [1, 1]} : vector<50x16xi32> to vector<50x1xi32>
    %ge3A_947 = vector.broadcast %slice3A_940 : vector<50x1xi32> to vector<50x200xi32>
    %ge3A_948 = arith.cmpi sge, %iota3A_1, %ge3A_947 : vector<50x200xi32>
    %lt3A_949 = vector.broadcast %slice3A_946 : vector<50x1xi32> to vector<50x200xi32>
    %lt3A_950 = arith.cmpi slt, %iota3A_1, %lt3A_949 : vector<50x200xi32>
    %and3A_951 = arith.andi %ge3A_948, %lt3A_950 : vector<50x200xi1>
    %lt3A_952 = vector.broadcast %broadcast_in_dim3A_934 : vector<1x200xi32> to vector<50x200xi32>
    %lt3A_953 = vector.broadcast %slice3A_940 : vector<50x1xi32> to vector<50x200xi32>
    %lt3A_954 = arith.cmpi slt, %lt3A_952, %lt3A_953 : vector<50x200xi32>
    %and3A_955 = arith.andi %and3A_951, %lt3A_954 : vector<50x200xi1>
    %get3A_956 = arith.constant 0 : index
    %get3A_957 = arith.constant 0 : index
    %get3A_958 = arith.constant 0 : index
    %get3A_959 = arith.constant 0 : index
    %get3A_960 = vector.load %arg5[%get3A_956, %get3A_957, %get3A_958, %get3A_959] : memref<1x1x16x3200xf32, #tpu.memory_space<vmem>>, vector<1x1x16x3200xf32>
    %get3A_961 = vector.shape_cast %get3A_960 : vector<1x1x16x3200xf32> to vector<16x3200xf32>
    %slice3A_962 = vector.extract_strided_slice %get3A_961 {offsets = [0, 2800], sizes = [16, 200], strides = [1, 1]} : vector<16x3200xf32> to vector<16x200xf32>
    %convert_element_type3A_963 = arith.extui %and3A_955 : vector<50x200xi1> to vector<50x200xi32>
    %convert_element_type3A_964 = arith.sitofp %convert_element_type3A_963 : vector<50x200xi32> to vector<50x200xf32>
    %dot_general3A_965 = arith.constant dense<0.000000e+00> : vector<50x16xf32>
    %dot_general3A_966 = tpu.matmul %convert_element_type3A_964, %slice3A_962, %dot_general3A_965 {dimension_numbers = #tpu.dot_dimension_numbers<[1], [1], [0], [0], [0, 0, 1, 0], [], []>, transpose_lhs_hint = false} : vector<50x200xf32>, vector<16x200xf32>, vector<50x16xf32> -> vector<50x16xf32>
    %get3A_967 = arith.constant 0 : index
    %get3A_968 = arith.constant 0 : index
    %get3A_969 = vector.load %arg6[%get3A_967, %get3A_968] : memref<1x16xf32, #tpu.memory_space<vmem>>, vector<1x16xf32>
    %add3A_970 = vector.broadcast %get3A_969 : vector<1x16xf32> to vector<50x16xf32>
    %add3A_971 = arith.addf %dot_general3A_966, %add3A_970 : vector<50x16xf32>
    %swap3A_972 = arith.constant 14 : index
    %swap3A_973 = arith.constant 0 : index
    %swap3A_974 = arith.constant 0 : index
    %swap3A_975 = vector.load %arg7[%swap3A_972, %swap3A_973, %swap3A_974] : memref<16x50x16xf32, #tpu.memory_space<vmem>>, vector<1x50x16xf32>
    %swap3A_976 = vector.shape_cast %swap3A_975 : vector<1x50x16xf32> to vector<50x16xf32>
    %swap3A_977 = vector.shape_cast %add3A_971 : vector<50x16xf32> to vector<1x50x16xf32>
    tpu.vector_store %arg7[%swap3A_972, %swap3A_973, %swap3A_974], %swap3A_977 {strides = array<i32>} : memref<16x50x16xf32, #tpu.memory_space<vmem>>, vector<1x50x16xf32>,
    %get3A_978 = arith.constant 0 : index
    %get3A_979 = arith.constant 0 : index
    %get3A_980 = arith.constant 0 : index
    %get3A_981 = vector.load %arg1[%get3A_978, %get3A_979, %get3A_980] : memref<1x200x16xi32, #tpu.memory_space<vmem>>, vector<1x200x16xi32>
    %get3A_982 = vector.shape_cast %get3A_981 : vector<1x200x16xi32> to vector<200x16xi32>
    %slice3A_983 = vector.extract_strided_slice %get3A_982 {offsets = [0, 15], sizes = [200, 1], strides = [1, 1]} : vector<200x16xi32> to vector<200x1xi32>
    %get3A_984 = arith.constant 0 : index
    %get3A_985 = arith.constant 0 : index
    %get3A_986 = arith.constant 0 : index
    %get3A_987 = vector.load %arg2[%get3A_984, %get3A_985, %get3A_986] : memref<1x16x200xi32, #tpu.memory_space<vmem>>, vector<1x16x200xi32>
    %get3A_988 = vector.shape_cast %get3A_987 : vector<1x16x200xi32> to vector<16x200xi32>
    %slice3A_989 = vector.extract_strided_slice %get3A_988 {offsets = [15, 0], sizes = [1, 200], strides = [1, 1]} : vector<16x200xi32> to vector<1x200xi32>
    %eq3A_990 = vector.broadcast %slice3A_983 : vector<200x1xi32> to vector<200x200xi32>
    %eq3A_991 = vector.broadcast %slice3A_989 : vector<1x200xi32> to vector<200x200xi32>
    %eq3A_992 = arith.cmpi eq, %eq3A_990, %eq3A_991 : vector<200x200xi32>
    %lt3A_993 = arith.cmpi slt, %iota3A, %iota3A_0 : vector<200x200xi32>
    %and3A_994 = arith.andi %eq3A_992, %lt3A_993 : vector<200x200xi1>
    %jit3A_995 = arith.constant -1 : i32
    %broadcast_in_dim3A_996 = vector.broadcast %jit3A_995 : i32 to vector<200x200xi32>
    %select_n3A_997 = arith.select %and3A_994, %iota3A, %broadcast_in_dim3A_996 : vector<200x200xi1>, vector<200x200xi32>
    %reduce_max3A_998 = arith.constant dense<-2147483648> : vector<200xi32>
    %reduce_max3A_999 = vector.multi_reduction <maxsi>, %select_n3A_997, %reduce_max3A_998 [0] : vector<200x200xi32> to vector<200xi32>
    %broadcast_in_dim3A_1000 = vector.shape_cast %reduce_max3A_999 : vector<200xi32> to vector<1x200xi32>
    %get3A_1001 = arith.constant 0 : index
    %get3A_1002 = arith.constant 0 : index
    %get3A_1003 = arith.constant 0 : index
    %get3A_1004 = vector.load %arg3[%get3A_1001, %get3A_1002, %get3A_1003] : memref<1x50x16xi32, #tpu.memory_space<vmem>>, vector<1x50x16xi32>
    %get3A_1005 = vector.shape_cast %get3A_1004 : vector<1x50x16xi32> to vector<50x16xi32>
    %slice3A_1006 = vector.extract_strided_slice %get3A_1005 {offsets = [0, 15], sizes = [50, 1], strides = [1, 1]} : vector<50x16xi32> to vector<50x1xi32>
    %get3A_1007 = arith.constant 0 : index
    %get3A_1008 = arith.constant 0 : index
    %get3A_1009 = arith.constant 0 : index
    %get3A_1010 = vector.load %arg4[%get3A_1007, %get3A_1008, %get3A_1009] : memref<1x50x16xi32, #tpu.memory_space<vmem>>, vector<1x50x16xi32>
    %get3A_1011 = vector.shape_cast %get3A_1010 : vector<1x50x16xi32> to vector<50x16xi32>
    %slice3A_1012 = vector.extract_strided_slice %get3A_1011 {offsets = [0, 15], sizes = [50, 1], strides = [1, 1]} : vector<50x16xi32> to vector<50x1xi32>
    %ge3A_1013 = vector.broadcast %slice3A_1006 : vector<50x1xi32> to vector<50x200xi32>
    %ge3A_1014 = arith.cmpi sge, %iota3A_1, %ge3A_1013 : vector<50x200xi32>
    %lt3A_1015 = vector.broadcast %slice3A_1012 : vector<50x1xi32> to vector<50x200xi32>
    %lt3A_1016 = arith.cmpi slt, %iota3A_1, %lt3A_1015 : vector<50x200xi32>
    %and3A_1017 = arith.andi %ge3A_1014, %lt3A_1016 : vector<50x200xi1>
    %lt3A_1018 = vector.broadcast %broadcast_in_dim3A_1000 : vector<1x200xi32> to vector<50x200xi32>
    %lt3A_1019 = vector.broadcast %slice3A_1006 : vector<50x1xi32> to vector<50x200xi32>
    %lt3A_1020 = arith.cmpi slt, %lt3A_1018, %lt3A_1019 : vector<50x200xi32>
    %and3A_1021 = arith.andi %and3A_1017, %lt3A_1020 : vector<50x200xi1>
    %get3A_1022 = arith.constant 0 : index
    %get3A_1023 = arith.constant 0 : index
    %get3A_1024 = arith.constant 0 : index
    %get3A_1025 = arith.constant 0 : index
    %get3A_1026 = vector.load %arg5[%get3A_1022, %get3A_1023, %get3A_1024, %get3A_1025] : memref<1x1x16x3200xf32, #tpu.memory_space<vmem>>, vector<1x1x16x3200xf32>
    %get3A_1027 = vector.shape_cast %get3A_1026 : vector<1x1x16x3200xf32> to vector<16x3200xf32>
    %slice3A_1028 = vector.extract_strided_slice %get3A_1027 {offsets = [0, 3000], sizes = [16, 200], strides = [1, 1]} : vector<16x3200xf32> to vector<16x200xf32>
    %convert_element_type3A_1029 = arith.extui %and3A_1021 : vector<50x200xi1> to vector<50x200xi32>
    %convert_element_type3A_1030 = arith.sitofp %convert_element_type3A_1029 : vector<50x200xi32> to vector<50x200xf32>
    %dot_general3A_1031 = arith.constant dense<0.000000e+00> : vector<50x16xf32>
    %dot_general3A_1032 = tpu.matmul %convert_element_type3A_1030, %slice3A_1028, %dot_general3A_1031 {dimension_numbers = #tpu.dot_dimension_numbers<[1], [1], [0], [0], [0, 0, 1, 0], [], []>, transpose_lhs_hint = false} : vector<50x200xf32>, vector<16x200xf32>, vector<50x16xf32> -> vector<50x16xf32>
    %get3A_1033 = arith.constant 0 : index
    %get3A_1034 = arith.constant 0 : index
    %get3A_1035 = vector.load %arg6[%get3A_1033, %get3A_1034] : memref<1x16xf32, #tpu.memory_space<vmem>>, vector<1x16xf32>
    %add3A_1036 = vector.broadcast %get3A_1035 : vector<1x16xf32> to vector<50x16xf32>
    %add3A_1037 = arith.addf %dot_general3A_1032, %add3A_1036 : vector<50x16xf32>
    %swap3A_1038 = arith.constant 15 : index
    %swap3A_1039 = arith.constant 0 : index
    %swap3A_1040 = arith.constant 0 : index
    %swap3A_1041 = vector.load %arg7[%swap3A_1038, %swap3A_1039, %swap3A_1040] : memref<16x50x16xf32, #tpu.memory_space<vmem>>, vector<1x50x16xf32>
    %swap3A_1042 = vector.shape_cast %swap3A_1041 : vector<1x50x16xf32> to vector<50x16xf32>
    %swap3A_1043 = vector.shape_cast %add3A_1037 : vector<50x16xf32> to vector<1x50x16xf32>
    tpu.vector_store %arg7[%swap3A_1038, %swap3A_1039, %swap3A_1040], %swap3A_1043 {strides = array<i32>} : memref<16x50x16xf32, #tpu.memory_space<vmem>>, vector<1x50x16xf32>,
    return
  }
  func.func @transform_0(%arg0: i32) -> (i32, i32, i32) {
    %c0_i32 = arith.constant 0 : i32
    %c0_i32_0 = arith.constant 0 : i32
    %c0_i32_1 = arith.constant 0 : i32
    return %arg0, %c0_i32, %c0_i32_0 : i32, i32, i32
  }
  func.func @transform_1(%arg0: i32) -> (i32, i32, i32) {
    %c0_i32 = arith.constant 0 : i32
    %c0_i32_0 = arith.constant 0 : i32
    %c0_i32_1 = arith.constant 0 : i32
    return %arg0, %c0_i32, %c0_i32_0 : i32, i32, i32
  }
  func.func @transform_2(%arg0: i32) -> (i32, i32, i32) {
    %c0_i32 = arith.constant 0 : i32
    %c0_i32_0 = arith.constant 0 : i32
    %c0_i32_1 = arith.constant 0 : i32
    return %arg0, %c0_i32, %c0_i32_0 : i32, i32, i32
  }
  func.func @transform_3(%arg0: i32) -> (i32, i32, i32) {
    %c0_i32 = arith.constant 0 : i32
    %c0_i32_0 = arith.constant 0 : i32
    %c0_i32_1 = arith.constant 0 : i32
    return %arg0, %c0_i32, %c0_i32_0 : i32, i32, i32
  }
  func.func @transform_4(%arg0: i32) -> (i32, i32, i32, i32) {
    %jit3A = arith.constant 1 : i32
    %div3A = arith.divsi %arg0, %jit3A : i32
    %sign3A = arith.constant 0 : i32
    %sign3A_0 = arith.cmpi sgt, %arg0, %sign3A : i32
    %sign3A_1 = arith.extui %sign3A_0 : i1 to i32
    %sign3A_2 = arith.constant 0 : i32
    %sign3A_3 = arith.cmpi slt, %arg0, %sign3A_2 : i32
    %sign3A_4 = arith.extui %sign3A_3 : i1 to i32
    %sign3A_5 = arith.subi %sign3A_1, %sign3A_4 : i32
    %sign3A_6 = arith.constant 0 : i32
    %sign3A_7 = arith.cmpi sgt, %jit3A, %sign3A_6 : i32
    %sign3A_8 = arith.extui %sign3A_7 : i1 to i32
    %sign3A_9 = arith.constant 0 : i32
    %sign3A_10 = arith.cmpi slt, %jit3A, %sign3A_9 : i32
    %sign3A_11 = arith.extui %sign3A_10 : i1 to i32
    %sign3A_12 = arith.subi %sign3A_8, %sign3A_11 : i32
    %ne3A = arith.cmpi ne, %sign3A_5, %sign3A_12 : i32
    %rem3A = arith.remsi %arg0, %jit3A : i32
    %ne3A_13 = arith.constant 0 : i32
    %ne3A_14 = arith.cmpi ne, %rem3A, %ne3A_13 : i32
    %and3A = arith.andi %ne3A, %ne3A_14 : i1
    %sub3A = arith.constant 1 : i32
    %sub3A_15 = arith.subi %div3A, %sub3A : i32
    %select_n3A = arith.select %and3A, %sub3A_15, %div3A : i32
    %jit3A_16 = arith.constant 1 : i32
    %eq3A = arith.constant 0 : i32
    %eq3A_17 = arith.cmpi eq, %jit3A_16, %eq3A : i32
    %jit3A_18 = arith.constant 1 : i32
    %select_n3A_19 = arith.select %eq3A_17, %jit3A_18, %jit3A_16 : i32
    %rem3A_20 = arith.remsi %arg0, %select_n3A_19 : i32
    %ne3A_21 = arith.constant 0 : i32
    %ne3A_22 = arith.cmpi ne, %rem3A_20, %ne3A_21 : i32
    %lt3A = arith.constant 0 : i32
    %lt3A_23 = arith.cmpi slt, %rem3A_20, %lt3A : i32
    %lt3A_24 = arith.constant 0 : i32
    %lt3A_25 = arith.cmpi slt, %select_n3A_19, %lt3A_24 : i32
    %ne3A_26 = arith.xori %lt3A_23, %lt3A_25 : i1
    %and3A_27 = arith.andi %ne3A_26, %ne3A_22 : i1
    %add3A = arith.addi %rem3A_20, %select_n3A_19 : i32
    %select_n3A_28 = arith.select %and3A_27, %add3A, %rem3A_20 : i32
    %c0_i32 = arith.constant 0 : i32
    %c0_i32_29 = arith.constant 0 : i32
    %c0_i32_30 = arith.constant 0 : i32
    return %select_n3A, %select_n3A_28, %c0_i32, %c0_i32_29 : i32, i32, i32, i32
  }
  func.func @transform_5(%arg0: i32) -> (i32, i32) {
    %c0_i32 = arith.constant 0 : i32
    %c0_i32_0 = arith.constant 0 : i32
    %c0_i32_1 = arith.constant 0 : i32
    return %c0_i32, %c0_i32_0 : i32, i32
  }
  func.func @transform_6(%arg0: i32) -> (i32, i32, i32) {
    %c0_i32 = arith.constant 0 : i32
    %c0_i32_0 = arith.constant 0 : i32
    %c0_i32_1 = arith.constant 0 : i32
    return %arg0, %c0_i32, %c0_i32_0 : i32, i32, i32
  }
}

</mosaic_0001>

<sc_bundles>
// kernel: kernel.6.cloned.1.call-start
scs
__scs_entry_jumppad:
0x0: {  	(pc) =	sbr.rel $0x88, $3  }
0x1: {  	(tag) =	ssettag $0x0;
	lr =	simm.s32 $0x1  }
0x2: {  	[smem:$0x3F9D] =	sst lr;
	_ =	strace $0xD0000000  }
0x3: {  	_ = 	snop  }
0x4: {  	_ = 	snop  }
0x5: {  	_ = 	snop  }
0x6: {  	_ = 	snop  }
0x7: {  	_ = 	snop  }
__scs_overlays_trampoline_lowered:
0x8: {  	[smem:$0x3FAC] =	sst s0  }
0x9: {  	[smem:$0x3FAD] =	sst s1  }
0xa: {  	[smem:$0x3FAE] =	sst s2  }
0xb: {  	[smem:$0x3FAF] =	sst s3  }
0xc: {  	[smem:$0x3FB0] =	sst s4  }
0xd: {  	[smem:$0x3FB1] =	sst s5  }
0xe: {  	[smem:$0x3FB2] =	sst s6  }
0xf: {  	[smem:$0x3FB3] =	sst s7  }
0x10: {  	[smem:$0x3FB4] =	sst s8  }
0x11: {  	[smem:$0x3FB5] =	sst s9;
	s0 =	simm.s32 @!p0 $0x0  }
0x12: {  	s1 =	sld [smem:$0x3F9B];
	s0 =	simm.s32 @p0 $0x1  }
0x13: {  	[smem:$0x3FB6] =	sst s0;
	s0 =	simm.s32 @!p1 $0x0  }
0x14: {  	s2 =	sld [smem:$0x3F9A];
	s0 =	simm.s32 @p1 $0x1  }
0x15: {  	[smem:$0x3FB7] =	sst s0;
	s0 =	simm.s32 @!p2 $0x0  }
0x16: {  	s3 =	sld [smem:$0x3FDB];
	s0 =	simm.s32 @p2 $0x1  }
0x17: {  	s4 =	simm.s32 $0x1BF5;
	[smem:$0x3FB9] =	sst s0  }
0x18: {  	s0 =	sld [smem:$0x3F9C];
	_ =	swait.ge [sflag:s4], $0x0  }
0x19: {  	s7 =	sld [smem:$0x3F9D]  }
0x1a: {  	s8 =	sadd.s32 $0xFFFFE003, lr  }
0x1b: {  	s9 =	sadd.s32 $0xFFFFFEF7, lr;
	s5 =	simm.s32 $0xFFFFFFFF;
	p2 =	slt.u32 s8, $0xFFFFF086  }
0x1c: {  	p1 =	slt.u32 s9, $0xF7A;
	s5 =	simm.s32 @!p2 $0x0  }
0x1d: {  	s5 =	simm.s32 @p1 $0x1;
	p0 =	seq.s32 s7, s2  }
0x1e: {  	s7 =	smul.u32 @!p0 $0xF7A, s2;
	p2 =	seq.s32 @!p0 s5, $0x0  }
0x1f: {  	s9 =	smul.u32 $0xF7A, s1;
	s8 =	simm.s32 @!p0 $0x1BF5;
	p2 =	por !p2, p0  }
0x20: {  	[sflag:s8] =	ssyncset.s32 @!p0 $0xFFFFF086;
	s6 =	sadd.s32 @!p0 s3, s7;
	s7 =	simm.s32 @!p0 $0x108  }
0x21: {  	s3 =	sadd.s32 s3, s9;
	s6 =	sadd.s32 @!p0 $0x88, s6;
	s7 =	simm.s32 @p2 $0x1082  }
0x22: {  	[simem:s7], [sflag:s8] =	dma.local @!p0 [hbm:s6], $0xF7A  }
0x23: {  	s9 =	sor.u32 $0xD0000000, s2;
	s6 =	simm.s32 $0x108;
	_ =	swait.ge @!p0 [sflag:s8], $0x0  }
0x24: {  	s3 =	sadd.s32 $0x88, s3;
	s6 =	simm.s32 @!p1 $0x1082;
	[sflag:s4] =	ssyncset.s32 $0xFFFFF086  }
0x25: {  	[simem:s6], [sflag:s4] =	dma.local [hbm:s3], $0xF7A  }
0x26: {  	[smem:$0x3F9D] =	sst s1;
	(tag) =	ssettag s2;
	_ =	strace s9  }
0x27: {  	s1 =	sld [smem:$0x3FAD]  }
0x28: {  	s2 =	sld [smem:$0x3FAE]  }
0x29: {  	s4 =	sld [smem:$0x3FB0]  }
0x2a: {  	p0 =	seq.s32 s5, $0x0;
	s5 =	sld [smem:$0x3FB1]  }
0x2b: {  	s6 =	sld [smem:$0x3FB2]  }
0x2c: {  	s7 =	sld [smem:$0x3FB3]  }
0x2d: {  	s3 =	simm.s32 $0x108;
	s8 =	sld [smem:$0x3FB4]  }
0x2e: {  	s3 =	simm.s32 @!p0 $0x1082;
	s9 =	sld [smem:$0x3FB5]  }
0x2f: {  	lr =	sadd.s32 s0, s3;
	s0 =	sld [smem:$0x3FAC]  }
0x30: {  	s3 =	sld [smem:$0x3FAF]  }
0x31: {  	[smem:$0x3FB8] =	sst s10  }
0x32: {  	s10 =	sld [smem:$0x3FB6];
	_ =	sdelay $0x3  }
0x33: {  	p0 =	seq.s32 s10, $0x1;
	s10 =	sld [smem:$0x3FB8];
	_ =	sdelay $0x3  }
0x34: {  	[smem:$0x3FB8] =	sst s10  }
0x35: {  	s10 =	sld [smem:$0x3FB7];
	_ =	sdelay $0x3  }
0x36: {  	p1 =	seq.s32 s10, $0x1;
	s10 =	sld [smem:$0x3FB8];
	_ =	sdelay $0x3  }
0x37: {  	[smem:$0x3FB8] =	sst s10  }
0x38: {  	s10 =	sld [smem:$0x3FB9]  }
0x39: {  	_ = 	snop;
	(pc) =	sbr.ind lr, $3  }
0x3a: {  	_ = 	snop  }
0x3b: {  	_ = 	snop  }
0x3c: {  	p2 =	seq.s32 s10, $0x1;
	s10 =	sld [smem:$0x3FB8]  }
0x3d: {  	_ =	shalt  }
0x3e: {  	_ =	shalt  }
0x3f: {  	_ =	shalt  }
0x40: {  	_ =	shalt  }
0x41: {  	_ =	shalt  }
0x42: {  	_ =	shalt  }
0x43: {  	_ =	shalt  }
0x44: {  	_ =	shalt  }
0x45: {  	_ =	shalt  }
0x46: {  	_ =	shalt  }
0x47: {  	_ =	shalt  }
0x48: {  	_ =	shalt  }
0x49: {  	_ =	shalt  }
0x4a: {  	_ =	shalt  }
0x4b: {  	_ =	shalt  }
0x4c: {  	_ =	shalt  }
0x4d: {  	_ =	shalt  }
0x4e: {  	_ =	shalt  }
0x4f: {  	_ =	shalt  }
0x50: {  	_ =	shalt  }
0x51: {  	_ =	shalt  }
0x52: {  	_ =	shalt  }
0x53: {  	_ =	shalt  }
0x54: {  	_ =	shalt  }
0x55: {  	_ =	shalt  }
0x56: {  	_ =	shalt  }
0x57: {  	_ =	shalt  }
0x58: {  	_ =	shalt  }
0x59: {  	_ =	shalt  }
0x5a: {  	_ =	shalt  }
0x5b: {  	_ =	shalt  }
0x5c: {  	_ =	shalt  }
0x5d: {  	_ =	shalt  }
0x5e: {  	_ =	shalt  }
0x5f: {  	_ =	shalt  }
0x60: {  	_ =	shalt  }
0x61: {  	_ =	shalt  }
0x62: {  	_ =	shalt  }
0x63: {  	_ =	shalt  }
0x64: {  	_ =	shalt  }
0x65: {  	_ =	shalt  }
0x66: {  	_ =	shalt  }
0x67: {  	_ =	shalt  }
0x68: {  	_ =	shalt  }
0x69: {  	_ =	shalt  }
0x6a: {  	_ =	shalt  }
0x6b: {  	_ =	shalt  }
0x6c: {  	_ =	shalt  }
0x6d: {  	_ =	shalt  }
0x6e: {  	_ =	shalt  }
0x6f: {  	_ =	shalt  }
0x70: {  	_ =	shalt  }
0x71: {  	_ =	shalt  }
0x72: {  	_ =	shalt  }
0x73: {  	_ =	shalt  }
0x74: {  	_ =	shalt  }
0x75: {  	_ =	shalt  }
0x76: {  	_ =	shalt  }
0x77: {  	_ =	shalt  }
0x78: {  	_ =	shalt  }
0x79: {  	_ =	shalt  }
0x7a: {  	_ =	shalt  }
0x7b: {  	_ =	shalt  }
0x7c: {  	_ =	shalt  }
0x7d: {  	_ =	shalt  }
0x7e: {  	_ =	shalt  }
0x7f: {  	_ =	shalt  }
0x80: {  	_ =	shalt  }
0x81: {  	_ =	shalt  }
0x82: {  	_ =	shalt  }
0x83: {  	_ =	shalt  }
0x84: {  	_ =	shalt  }
0x85: {  	_ =	shalt  }
0x86: {  	_ =	shalt  }
0x87: {  	_ =	shalt  }
.Lfunc_end0:
.L_simem_size_0:
called_computation_lowered:
.L_overlay_start_0:
0x88: {  	s2 =	sld [smem:$0x3FD9]  }
0x89: {  	s3 =	sld [smem:$0x3FFE];
	_ =	sdelay $0x1  }
0x8a: {  	s1 =	srdreg.scid  }
0x8b: {  	s0 =	sand.u32 $0x1, s1  }
0x8c: {  	s16 =	sshll.u32 s0, $0xA;
	s2 =	sadd.s32 s3, s2  }
0x8d: {  	s2 =	sadd.s32 s2, s16  }
0x8e: {  	[smem:$0x3FC4] =	sst s2  }
0x8f: {  	_ = 	snop  }
0x90: {  	(tm) =	ssettm $0x1  }
0x91: {  	s17 =	sld [smem:$0x3FFB];
	_ =	sdelay $0x3  }
0x92: {  	_ =	strace s17  }
0x93: {  	s2 =	sld [smem:$0x3FFC];
	_ =	sdelay $0x3  }
0x94: {  	_ =	strace s2  }
0x95: {  	s2 =	sld [smem:$0x3FFD];
	_ =	sdelay $0x3  }
0x96: {  	_ =	strace s2  }
0x97: {  	_ =	strace $0x8FFFFFFF  }
0x98: {  	s18 =	sld [smem:$0x3FDB];
	_ =	sdelay $0x1  }
0x99: {  	s19 =	simm.s32 $_scs_section_size  }
0x9a: {  	s4 =	simm.s32 $_size__tile_overlayer_lowered;
	s5 =	simm.s32 $_tile_overlayer_lowered  }
0x9b: {  	s22 =	simm.s32 $0x1BFF;
	s21 =	sshll.u32 s5, $0x1;
	s2 =	sadd.s32 s19, s18  }
0x9c: {  	s6 =	simm.s32 $0x0;
	s20 =	sshll.u32 s4, $0x1;
	s4 =	sadd.s32 s21, s2  }
0x9d: {  	[timem:s6], [sflag:s22] =	dma.local [hbm:s4], s20  }
0x9e: {  	_ =	swait.ge [sflag:s22], s20  }
0x9f: {  	s3 =	ssub.s32 $0x0, s20;
	[sflag:s22] =	ssyncset.done $0x0  }
0xa0: {  	[sflag:s22] =	ssyncadd.s32 s3;
	_ =	sdelay $0x1  }
0xa1: {  	s23 =	simm.s32 $0x1B8B  }
0xa2: {  	_ =	swait.ge [sflag:s23], $0x1  }
0xa3: {  	[sflag:s23] =	ssyncset.done $0x0  }
0xa4: {  	s25 =	simm.s32 $0x1B8E;
	s24 =	sld [smem:$0x3FFE];
	[sflag:s23] =	ssyncadd.s32 $0xFFFFFFFF  }
0xa5: {  	s26 =	simm.s32 $execute0_lowered;
	[smem:$0x3FD2] =	sst s25  }
0xa6: {  	s4 =	sshll.u32 s26, $0x1;
	_ =	strace $0x80000046;
	[dreg:$0x1] =	wrdreg $0xFFFFFFFF  }
0xa7: {  	s28 =	simm.s32 $_size_execute0_lowered;
	s2 =	sadd.s32 s2, s4;
	[dreg:$0x0] =	wrdreg $0x0  }
0xa8: {  	s4 =	sshll.u32 s28, $0x1;
	[dreg:$0x2] =	wrdreg s2  }
0xa9: {  	[dreg:$0x3] =	wrdreg s4  }
0xaa: {  	[dreg:$0x4] =	wrdreg $0xC0  }
0xab: {  	_ =	task [dreg:s6], $0x5FFFF  }
0xac: {  	[dreg:$0x1] =	wrdreg $0xFFFFFFFF  }
0xad: {  	[dreg:$0x0] =	wrdreg $0x60  }
0xae: {  	[dreg:$0x2] =	wrdreg s24  }
0xaf: {  	[dreg:$0x3] =	wrdreg $0x9  }
0xb0: {  	_ =	task.clear_ibuf [dreg:s6], $0x4FFFF;
	_ =	strace $0x90000046  }
0xb1: {  	s29 =	simm.s32 $0x9;
	_ =	strace $0x80000048  }
0xb2: {  	_ =	swait.ge [sflag:s29], $0x1  }
0xb3: {  	[sflag:s29] =	ssyncadd.s32 $0xFFFFFFFF  }
0xb4: {  	_ =	strace $0x90000048  }
0xb5: {  	_ =	sfence  }
0xb6: {  	s30 =	sld [smem:$0x0];
	_ =	sdelay $0x2  }
0xb7: {  	s31 =	sshll.u32 s1, $0xD;
	s1 =	sshrl.u32 s1, $0x2  }
0xb8: {  	s3 =	sand.u32 $0x4000, s31;
	s1 =	sadd.s32 s1, s30  }
0xb9: {  	s0 =	sor.u32 s3, s0;
	s1 =	sshll.u32 s1, $0x11  }
0xba: {  	s0 =	sor.u32 s1, s0  }
0xbb: {  	s0 =	sadd.s32 $0x8F2B, s0  }
0xbc: {  	[sflag:s0] =	ssyncadd.remote.s32 $0x1  }
0xbd: {  	_ =	sfence.sel $0xFFFF  }
0xbe: {  	[dreg:$0x0] =	wrdreg $0xFFFFFFFF;
	(pc) =	sbr.abs _section_cstart, $3  }
0xbf: {  	[dreg:$0x1] =	wrdreg $0xFFFFFFFF  }
0xc0: {  	_ =	task.clear_ibuf [dreg:s6], $0x2FFFF;
	_ =	strace $0x9FFFFFFF  }
0xc1: {  	(tm) =	ssettm $0x7FFFFFFF  }
tec
execute0_lowered:
.L_overlay_start_1:
0x0: {  	(tag) =	ssettag $0x1  }
0x1: {  	s0 =	srdreg.scid;
	s2 =	stileid.u32  }
0x2: {  	s3 =	rddreg [dreg:$0x0];
	s5 =	simm.s32 $0x0;
	s0 =	sand.u32 $0x1, s0  }
0x3: {  	s1 =	sshll.u32 s2, $0x1;
	s2 =	sshrl.u32 s2, $0x2;
	[smem:$0x7FF] =	sst s5  }
0x4: {  	s6 =	sadd.s32 $0x4C00, s3;
	s1 =	sor.u32 s0, s1;
	s2 =	smul.u32 $0x6400, s2  }
0x5: {  	s0 =	ssub.s32 $0x2, s0;
	_ =	strace $0x80000047;
	s4 =	sshll.u32 s1, $0x7  }
0x6: {  	s1 =	smul.u32 $0x1900, s1;
	s31 =	sshrl.u32 s0, $0x1;
	s4 =	sand.u32 $0x380, s4  }
0x7: {  	[dreg:$0x7] =	wrdreg s6;
	s0 =	ssub.s32 s0, s31;
	s2 =	sor.u32 s2, s4  }
0x8: {  	s1 =	sadd.s32 s1, s3;
	s0 =	smax.u32 s0, $0x1;
	s2 =	sshrl.u32 s2, $0x3  }
0x9: {  	s1 =	sadd.s32 $0x5400, s1;
	[dreg:$0xa] =	wrdreg s0;
	s2 =	sadd.s32 s2, s3  }
0xa: {  	s10 =	simm.s32 $0xC80;
	[dreg:$0x9] =	wrdreg s1;
	s2 =	sadd.s32 $0x1A00, s2  }
0xb: {  	s3 =	simm.s32 $0x1;
	s1 =	simm.s32 $0x0;
	[dreg:$0x8] =	wrdreg s2  }
.LBB2_1:
0xc: {  	[dreg:$0xb] =	wrdreg s1  }
0xd: {  	s0 =	rddreg [dreg:$0x8];
	s13 =	simm.s32 $0x80;
	s2 =	simm.s32 $0x400  }
0xe: {  	[tilespmem:s5], [sflag:$0x1] =	stream.strided.gather [hbm4b:s0+s13], $0xC80, s2, s13, $0x38;
	[tilespmem:$0x11300] =	vst v63  }
0xf: {  	_ =	swait.ge [sflag:s3], $0xC80  }
0x10: {  	[sflag:s3] =	ssyncset.done $0x0  }
0x11: {  	s14 =	rddreg [dreg:$0x7];
	[sflag:s3] =	ssyncadd.s32 $0xFFFFF380  }
0x12: {  	[tilespmem:s10], [sflag:$0x1] =	stream.linear.gather [hbm4b:s14+s5], $0x3E80, $0x38;
	[tilespmem:$0x11300] =	vst v63  }
0x13: {  	s22 =	sand.u32 $0x40, s5;
	_ =	swait.ge [sflag:s3], $0x3E80  }
0x14: {  	s15 =	sand.u32 $0xF80, s5;
	s21 =	sor.u32 $0x30, s22;
	[sflag:s3] =	ssyncset.done $0x0  }
0x15: {  	s16 =	sor.u32 s21, s15;
	[sflag:s3] =	ssyncadd.s32 $0xFFFFC180  }
0x16: {  	s23 =	sor.u32 $0x10, s22;
	v0 =	vld [tilespmem:s16+$0x0]  }
0x17: {  	s17 =	sor.u32 s23, s15  }
0x18: {  	s20 =	sor.u32 $0x20, s22;
	v1 =	vld [tilespmem:s17+$0x0]  }
0x19: {  	s0 =	sor.u32 s20, s15  }
0x1a: {  	v2 =	vld [tilespmem:s0+$0x0]  }
0x1b: {  	v6 =	vld [tilespmem:s5+$0x0];
	v5 =	vshll.u32 v0, $0x4;
	_ =	sdelay $0x1  }
0x1c: {  	v4 =	vshll.u32 v1, $0x4;
	_ =	sdelay $0x1  }
0x1d: {  	v3 =	vshll.u32 v2, $0x4  }
0x1e: {  	v0 =	vshll.u32 v6, $0x4;
	v1 =	vld.idx.msk [tilespmem:v5+s10+$0x0], $0xffff  }
0x1f: {  	v2 =	vor.u32 $0x1, v5  }
0x20: {  	s24 =	sand.u32 $0x7C00, s5;
	v6 =	vld.idx.msk [tilespmem:v4+s10+$0x0], $0xffff  }
0x21: {  	s18 =	sadd.s32 $0x4B00, s24;
	v7 =	vor.u32 $0x1, v4  }
0x22: {  	s19 =	sor.u32 s21, s18;
	v8 =	vld.idx.msk [tilespmem:v3+s10+$0x0], $0xffff  }
0x23: {  	v9 =	vor.u32 $0x1, v3;
	v10 =	vld.idx.msk [tilespmem:v0+s10+$0x0], $0xffff;
	[tilespmem:s19+$0x0] =	vst v1  }
0x24: {  	s25 =	sor.u32 s23, s18;
	v1 =	vor.u32 $0x1, v0;
	v2 =	vld.idx.msk [tilespmem:v2+s10+$0x0], $0xffff  }
0x25: {  	v11 =	vor.u32 $0x2, v5;
	[tilespmem:s25+$0x0] =	vst v6  }
0x26: {  	s26 =	sor.u32 s20, s18;
	v6 =	vld.idx.msk [tilespmem:v7+s10+$0x0], $0xffff  }
0x27: {  	s4 =	sor.u32 s22, s18;
	[tilespmem:s26+$0x0] =	vst v8;
	v7 =	vor.u32 $0x2, v4  }
0x28: {  	[tilespmem:s4+$0x0] =	vst v10;
	v8 =	vld.idx.msk [tilespmem:v9+s10+$0x0], $0xffff  }
0x29: {  	v9 =	vor.u32 $0x2, v3;
	v1 =	vld.idx.msk [tilespmem:v1+s10+$0x0], $0xffff;
	[tilespmem:s19+$0x80] =	vst v2  }
0x2a: {  	v2 =	vor.u32 $0x2, v0;
	v10 =	vld.idx.msk [tilespmem:v11+s10+$0x0], $0xffff  }
0x2b: {  	[tilespmem:s25+$0x80] =	vst v6;
	v11 =	vor.u32 $0x3, v5  }
0x2c: {  	v6 =	vld.idx.msk [tilespmem:v7+s10+$0x0], $0xffff  }
0x2d: {  	[tilespmem:s26+$0x80] =	vst v8;
	v7 =	vor.u32 $0x3, v4  }
0x2e: {  	[tilespmem:s4+$0x80] =	vst v1;
	v1 =	vld.idx.msk [tilespmem:v9+s10+$0x0], $0xffff  }
0x2f: {  	v8 =	vor.u32 $0x3, v3;
	v2 =	vld.idx.msk [tilespmem:v2+s10+$0x0], $0xffff;
	[tilespmem:s19+$0x100] =	vst v10  }
0x30: {  	v9 =	vor.u32 $0x3, v0;
	v10 =	vld.idx.msk [tilespmem:v11+s10+$0x0], $0xffff  }
0x31: {  	[tilespmem:s25+$0x100] =	vst v6;
	v11 =	vor.u32 $0x4, v5  }
0x32: {  	v6 =	vld.idx.msk [tilespmem:v7+s10+$0x0], $0xffff  }
0x33: {  	[tilespmem:s26+$0x100] =	vst v1;
	v1 =	vor.u32 $0x4, v4  }
0x34: {  	[tilespmem:s4+$0x100] =	vst v2;
	v2 =	vld.idx.msk [tilespmem:v8+s10+$0x0], $0xffff  }
0x35: {  	p0 =	por $0x0, $0x0;
	s0 =	simm.s32 $0x1;
	v7 =	vor.u32 $0x4, v3;
	v8 =	vld.idx.msk [tilespmem:v9+s10+$0x0], $0xffff;
	[tilespmem:s19+$0x180] =	vst v10  }
0x36: {  	s0 =	simm.s32 @!p0 $0x0;
	v9 =	vor.u32 $0x4, v0;
	v10 =	vld.idx.msk [tilespmem:v11+s10+$0x0], $0xffff  }
0x37: {  	s0 =	sshll.u32 s0, $0x6;
	[tilespmem:s25+$0x180] =	vst v6;
	v11 =	vor.u32 $0x5, v5  }
0x38: {  	s0 =	sadd.s32 $0x0, s0;
	v1 =	vld.idx.msk [tilespmem:v1+s10+$0x0], $0xffff  }
0x39: {  	s3 =	sadd.s32 $0x30, s0;
	[tilespmem:s26+$0x180] =	vst v2;
	v2 =	vor.u32 $0x5, v4  }
0x3a: {  	s6 =	sor.u32 $0x200, s3;
	[tilespmem:s4+$0x180] =	vst v8;
	v6 =	vld.idx.msk [tilespmem:v7+s10+$0x0], $0xffff  }
0x3b: {  	s7 =	sadd.s32 $0x10, s0;
	v7 =	vor.u32 $0x5, v3;
	v8 =	vld.idx.msk [tilespmem:v9+s10+$0x0], $0xffff;
	[tilespmem:s6+$0x4B00] =	vst v10  }
0x3c: {  	s9 =	sor.u32 $0x200, s7;
	v9 =	vor.u32 $0x5, v0;
	v10 =	vld.idx.msk [tilespmem:v11+s10+$0x0], $0xffff  }
0x3d: {  	s8 =	sadd.s32 $0x20, s0;
	v11 =	vor.u32 $0x6, v5;
	[tilespmem:s9+$0x4B00] =	vst v1  }
0x3e: {  	s11 =	sor.u32 $0x200, s8;
	v1 =	vld.idx.msk [tilespmem:v2+s10+$0x0], $0xffff  }
0x3f: {  	s12 =	sor.u32 $0x200, s0;
	v2 =	vor.u32 $0x6, v4;
	[tilespmem:s11+$0x4B00] =	vst v6  }
0x40: {  	s13 =	sor.u32 $0x280, s3;
	[tilespmem:s12+$0x4B00] =	vst v8;
	v6 =	vld.idx.msk [tilespmem:v7+s10+$0x0], $0xffff  }
0x41: {  	v7 =	vor.u32 $0x6, v3;
	v8 =	vld.idx.msk [tilespmem:v9+s10+$0x0], $0xffff;
	[tilespmem:s13+$0x4B00] =	vst v10  }
0x42: {  	s14 =	sor.u32 $0x280, s7;
	v9 =	vor.u32 $0x6, v0;
	v10 =	vld.idx.msk [tilespmem:v11+s10+$0x0], $0xffff  }
0x43: {  	v11 =	vor.u32 $0x7, v5;
	[tilespmem:s14+$0x4B00] =	vst v1  }
0x44: {  	s15 =	sor.u32 $0x280, s8;
	v1 =	vld.idx.msk [tilespmem:v2+s10+$0x0], $0xffff  }
0x45: {  	s16 =	sor.u32 $0x280, s0;
	v2 =	vor.u32 $0x7, v4;
	[tilespmem:s15+$0x4B00] =	vst v6  }
0x46: {  	s17 =	sor.u32 $0x300, s3;
	[tilespmem:s16+$0x4B00] =	vst v8;
	v6 =	vld.idx.msk [tilespmem:v7+s10+$0x0], $0xffff  }
0x47: {  	s30 =	simm.s32 $0x40;
	v7 =	vor.u32 $0x7, v3;
	v8 =	vld.idx.msk [tilespmem:v9+s10+$0x0], $0xffff;
	[tilespmem:s17+$0x4B00] =	vst v10  }
0x48: {  	s18 =	sor.u32 $0x300, s7;
	s13 =	sand.u32 $0x40, s30;
	v9 =	vor.u32 $0x7, v0;
	v10 =	vld.idx.msk [tilespmem:v11+s10+$0x0], $0xffff  }
0x49: {  	v12 =	vld [tilespmem:s30+$0x0];
	s26 =	sand.u32 $0xF80, s30;
	v11 =	vor.u32 $0x8, v5;
	[tilespmem:s18+$0x4B00] =	vst v1;
	s18 =	sor.u32 $0x10, s13  }
0x4a: {  	s19 =	sor.u32 $0x300, s8;
	v1 =	vld.idx.msk [tilespmem:v2+s10+$0x0], $0xffff;
	s6 =	sor.u32 s18, s26  }
0x4b: {  	s25 =	sor.u32 $0x300, s0;
	v2 =	vor.u32 $0x8, v4;
	[tilespmem:s19+$0x4B00] =	vst v6;
	v13 =	vld [tilespmem:s6+$0x0]  }
0x4c: {  	s2 =	sor.u32 $0x380, s3;
	[tilespmem:s25+$0x4B00] =	vst v8;
	v6 =	vld.idx.msk [tilespmem:v7+s10+$0x0], $0xffff  }
0x4d: {  	s17 =	sor.u32 $0x30, s13;
	v7 =	vld.idx.msk [tilespmem:v9+s10+$0x0], $0xffff;
	[tilespmem:s2+$0x4B00] =	vst v10  }
0x4e: {  	s3 =	sor.u32 $0x380, s7;
	s5 =	sor.u32 s17, s26;
	v9 =	vor.u32 $0x8, v3;
	v8 =	vld.idx.msk [tilespmem:v11+s10+$0x0], $0xffff  }
0x4f: {  	s29 =	sor.u32 $0x20, s13;
	v10 =	vld [tilespmem:s5+$0x0];
	[tilespmem:s3+$0x4B00] =	vst v1;
	v11 =	vor.u32 $0x9, v5  }
0x50: {  	v14 =	vor.u32 $0x8, v0;
	s2 =	sor.u32 s29, s26;
	v15 =	vld.idx.msk [tilespmem:v2+s10+$0x0], $0xffff  }
0x51: {  	s1 =	sor.u32 $0x380, s8;
	s7 =	sadd.s32 $0xAF00, s24;
	v16 =	vor.u32 $0x9, v4;
	v17 =	vld [tilespmem:s2+$0x0]  }
0x52: {  	s8 =	sor.u32 s21, s7;
	v1 =	vshll.u32 v12, $0x4;
	[tilespmem:s1+$0x4B00] =	vst v6  }
0x53: {  	s0 =	sor.u32 $0x380, s0;
	v18 =	vshll.u32 v13, $0x4;
	v6 =	vld.idx.msk [tilespmem:v9+s10+$0x0], $0xffff;
	[tilespmem:s8+$0x0] =	vst v8  }
0x54: {  	s9 =	sor.u32 s23, s7;
	[tilespmem:s0+$0x4B00] =	vst v7;
	v2 =	vshll.u32 v10, $0x4;
	v7 =	vld.idx.msk [tilespmem:v11+s10+$0x0], $0xffff  }
0x55: {  	v9 =	vor.u32 $0xA, v5;
	v8 =	vld.idx.msk [tilespmem:v14+s10+$0x0], $0xffff;
	[tilespmem:s9+$0x0] =	vst v15  }
0x56: {  	v10 =	vld.idx.msk [tilespmem:v16+s10+$0x0], $0xffff;
	v16 =	vshll.u32 v17, $0x4  }
0x57: {  	s11 =	sadd.s32 $0xAF80, s24;
	v13 =	vor.u32 $0x9, v0;
	v12 =	vld.idx.msk [tilespmem:v1+s10+$0x0], $0xffff  }
0x58: {  	s12 =	sor.u32 s21, s11;
	v11 =	vor.u32 $0x9, v3;
	v17 =	vld.idx.msk [tilespmem:v18+s10+$0x0], $0xffff  }
0x59: {  	s14 =	sor.u32 s20, s7;
	s19 =	simm.s32 $0x200;
	v19 =	vor.u32 $0x1, v18;
	v14 =	vld.idx.msk [tilespmem:v2+s10+$0x0], $0xffff;
	[tilespmem:s12+$0x0] =	vst v7  }
0x5a: {  	s15 =	sor.u32 s22, s7;
	s16 =	sand.u32 $0x7C00, s19;
	v15 =	vor.u32 $0xA, v4;
	[tilespmem:s14+$0x0] =	vst v6;
	v9 =	vld.idx.msk [tilespmem:v9+s10+$0x0], $0xffff  }
0x5b: {  	s25 =	sor.u32 s23, s11;
	s6 =	sadd.s32 $0x4B00, s16;
	[tilespmem:s15+$0x0] =	vst v8;
	v7 =	vor.u32 $0x1, v2;
	v6 =	vld.idx.msk [tilespmem:v16+s10+$0x0], $0xffff  }
0x5c: {  	s2 =	sor.u32 s18, s6;
	[tilespmem:s25+$0x0] =	vst v10;
	v10 =	vld.idx.msk [tilespmem:v13+s10+$0x0], $0xffff;
	v13 =	vor.u32 $0x1, v1  }
0x5d: {  	s0 =	sor.u32 s13, s6;
	v8 =	vld.idx.msk [tilespmem:v11+s10+$0x0], $0xffff;
	v11 =	vor.u32 $0xB, v5;
	[tilespmem:s2+$0x0] =	vst v17  }
0x5e: {  	s26 =	sadd.s32 $0xB000, s24;
	s3 =	sor.u32 s17, s6;
	v20 =	vor.u32 $0x1, v16;
	[tilespmem:s0+$0x0] =	vst v12;
	v17 =	vld.idx.msk [tilespmem:v19+s10+$0x0], $0xffff  }
0x5f: {  	s8 =	sor.u32 s21, s26;
	[tilespmem:s3+$0x0] =	vst v14;
	v14 =	vld.idx.msk [tilespmem:v15+s10+$0x0], $0xffff;
	v15 =	vor.u32 $0xA, v3  }
0x60: {  	s1 =	sor.u32 s29, s6;
	v19 =	vor.u32 $0xA, v0;
	v7 =	vld.idx.msk [tilespmem:v7+s10+$0x0], $0xffff;
	[tilespmem:s8+$0x0] =	vst v9  }
0x61: {  	s9 =	sor.u32 s20, s11;
	[tilespmem:s1+$0x0] =	vst v6;
	v6 =	vor.u32 $0x2, v2;
	v13 =	vld.idx.msk [tilespmem:v13+s10+$0x0], $0xffff  }
0x62: {  	s5 =	sor.u32 s22, s11;
	[tilespmem:s9+$0x0] =	vst v8;
	v9 =	vld.idx.msk [tilespmem:v11+s10+$0x0], $0xffff;
	v11 =	vor.u32 $0x2, v18  }
0x63: {  	v8 =	vor.u32 $0xC, v5;
	[tilespmem:s5+$0x0] =	vst v10;
	v12 =	vld.idx.msk [tilespmem:v20+s10+$0x0], $0xffff  }
0x64: {  	v20 =	vor.u32 $0x2, v16;
	[tilespmem:s2+$0x80] =	vst v17;
	v10 =	vld.idx.msk [tilespmem:v15+s10+$0x0], $0xffff  }
0x65: {  	s11 =	sadd.s32 $0xB080, s24;
	s14 =	sor.u32 s23, s26;
	v15 =	vor.u32 $0x2, v1;
	[tilespmem:s3+$0x80] =	vst v7;
	v7 =	vld.idx.msk [tilespmem:v19+s10+$0x0], $0xffff  }
0x66: {  	s12 =	sor.u32 s21, s11;
	[tilespmem:s14+$0x0] =	vst v14;
	v19 =	vor.u32 $0xB, v4;
	v6 =	vld.idx.msk [tilespmem:v6+s10+$0x0], $0xffff  }
0x67: {  	v17 =	vor.u32 $0xB, v3;
	v11 =	vld.idx.msk [tilespmem:v11+s10+$0x0], $0xffff;
	[tilespmem:s12+$0x0] =	vst v9  }
0x68: {  	[tilespmem:s1+$0x80] =	vst v12;
	v9 =	vor.u32 $0x3, v2;
	v8 =	vld.idx.msk [tilespmem:v8+s10+$0x0], $0xffff  }
0x69: {  	s7 =	sor.u32 s20, s26;
	[tilespmem:s0+$0x80] =	vst v13;
	v12 =	vor.u32 $0x3, v18;
	v13 =	vld.idx.msk [tilespmem:v20+s10+$0x0], $0xffff  }
0x6a: {  	s4 =	sor.u32 s22, s26;
	v14 =	vor.u32 $0xD, v5;
	v15 =	vld.idx.msk [tilespmem:v15+s10+$0x0], $0xffff;
	[tilespmem:s7+$0x0] =	vst v10  }
0x6b: {  	v20 =	vor.u32 $0x3, v16;
	v19 =	vld.idx.msk [tilespmem:v19+s10+$0x0], $0xffff;
	[tilespmem:s4+$0x0] =	vst v7  }
0x6c: {  	s15 =	sadd.s32 $0xB100, s24;
	v10 =	vor.u32 $0x3, v1;
	[tilespmem:s3+$0x100] =	vst v6;
	v6 =	vld.idx.msk [tilespmem:v17+s10+$0x0], $0xffff  }
0x6d: {  	s25 =	sor.u32 s21, s15;
	[tilespmem:s2+$0x100] =	vst v11;
	v9 =	vld.idx.msk [tilespmem:v9+s10+$0x0], $0xffff;
	v11 =	vor.u32 $0xB, v0  }
0x6e: {  	v17 =	vor.u32 $0xC, v4;
	v12 =	vld.idx.msk [tilespmem:v12+s10+$0x0], $0xffff;
	[tilespmem:s25+$0x0] =	vst v8  }
0x6f: {  	[tilespmem:s1+$0x100] =	vst v13;
	v8 =	vor.u32 $0x4, v2;
	v13 =	vld.idx.msk [tilespmem:v14+s10+$0x0], $0xffff  }
0x70: {  	s26 =	sor.u32 s23, s11;
	[tilespmem:s0+$0x100] =	vst v15;
	v14 =	vor.u32 $0x4, v18;
	v15 =	vld.idx.msk [tilespmem:v20+s10+$0x0], $0xffff  }
0x71: {  	v7 =	vor.u32 $0xE, v5;
	v10 =	vld.idx.msk [tilespmem:v10+s10+$0x0], $0xffff;
	[tilespmem:s26+$0x0] =	vst v19  }
0x72: {  	s7 =	sadd.s32 $0xB180, s24;
	v20 =	vor.u32 $0x4, v16;
	v11 =	vld.idx.msk [tilespmem:v11+s10+$0x0], $0xffff;
	[tilespmem:s3+$0x180] =	vst v9  }
0x73: {  	s4 =	sor.u32 s21, s7;
	v9 =	vld.idx.msk [tilespmem:v17+s10+$0x0], $0xffff;
	[tilespmem:s2+$0x180] =	vst v12  }
0x74: {  	p0 =	por !p0, !p0;
	v19 =	vor.u32 $0x4, v1;
	s3 =	simm.s32 $0x1;
	v8 =	vld.idx.msk [tilespmem:v8+s10+$0x0], $0xffff;
	[tilespmem:s4+$0x0] =	vst v13  }
0x75: {  	v17 =	vor.u32 $0xC, v3;
	s3 =	simm.s32 @!p0 $0x0;
	v12 =	vld.idx.msk [tilespmem:v14+s10+$0x0], $0xffff;
	[tilespmem:s1+$0x180] =	vst v15  }
0x76: {  	s12 =	sor.u32 s22, s15;
	v14 =	vor.u32 $0xC, v0;
	s8 =	sshll.u32 s3, $0x6;
	[tilespmem:s0+$0x180] =	vst v10;
	v7 =	vld.idx.msk [tilespmem:v7+s10+$0x0], $0xffff  }
0x77: {  	s9 =	sor.u32 s20, s11;
	v13 =	vor.u32 $0x5, v2;
	s4 =	sadd.s32 $0x200, s8;
	v10 =	vld.idx.msk [tilespmem:v20+s10+$0x0], $0xffff;
	[dreg:$0x3] =	wrdreg s12  }
0x78: {  	s11 =	sor.u32 s22, s11;
	v15 =	vor.u32 $0x5, v18;
	s3 =	sadd.s32 $0x30, s4;
	[tilespmem:s9+$0x0] =	vst v6  }
0x79: {  	s25 =	sadd.s32 $0xB200, s24;
	v21 =	vld.idx.msk [tilespmem:v19+s10+$0x0], $0xffff;
	v19 =	vor.u32 $0xF, v5;
	s14 =	sor.u32 $0x200, s3;
	[tilespmem:s11+$0x0] =	vst v11  }
0x7a: {  	v22 =	vor.u32 $0x5, v16;
	s0 =	sor.u32 s20, s15;
	s12 =	sor.u32 s22, s7;
	s5 =	sadd.s32 $0x10, s4;
	v11 =	vld.idx.msk [tilespmem:v17+s10+$0x0], $0xffff;
	[tilespmem:s14+$0x4B00] =	vst v8  }
0x7b: {  	v26 =	vor.u32 $0xD, v4;
	v28 =	vor.u32 $0xD, v3;
	v29 =	vor.u32 $0x5, v1;
	s9 =	sor.u32 s23, s15;
	s15 =	sor.u32 $0x200, s5;
	v27 =	vld.idx.msk [tilespmem:v14+s10+$0x0], $0xffff;
	[dreg:$0x4] =	wrdreg s12  }
0x7c: {  	v35 =	vor.u32 $0x6, v18;
	v23 =	vor.u32 $0x7, v18;
	v31 =	vor.u32 $0x6, v2;
	s26 =	sadd.s32 $0x20, s4;
	s14 =	sor.u32 s21, s25;
	[tilespmem:s15+$0x4B00] =	vst v12;
	v8 =	vld.idx.msk [tilespmem:v13+s10+$0x0], $0xffff  }
0x7d: {  	v25 =	vor.u32 $0x6, v16;
	v24 =	vor.u32 $0x7, v16;
	s31 =	sor.u32 s22, s25;
	s1 =	sor.u32 s20, s7;
	v6 =	vor.u32 $0xE, v4;
	s15 =	sor.u32 $0x200, s26;
	[tilespmem:s14+$0x0] =	vst v7;
	v30 =	vld.idx.msk [tilespmem:v15+s10+$0x0], $0xffff  }
0x7e: {  	s8 =	sor.u32 s23, s7;
	s7 =	sor.u32 s20, s25;
	v4 =	vor.u32 $0xF, v4;
	v5 =	vor.u32 $0xE, v3;
	v3 =	vor.u32 $0xF, v3;
	s11 =	sor.u32 $0x200, s4;
	[tilespmem:s15+$0x4B00] =	vst v10;
	v34 =	vld.idx.msk [tilespmem:v19+s10+$0x0], $0xffff  }
0x7f: {  	v20 =	vor.u32 $0x8, v18;
	s2 =	sor.u32 $0x280, s4;
	v17 =	vor.u32 $0x9, v18;
	s6 =	sor.u32 $0x380, s5;
	s12 =	sadd.s32 $0xB280, s24;
	v14 =	vor.u32 $0xA, v18;
	[tilespmem:s11+$0x4B00] =	vst v21;
	v32 =	vld.idx.msk [tilespmem:v22+s10+$0x0], $0xffff  }
0x80: {  	s24 =	sor.u32 $0x280, s3;
	s14 =	sor.u32 $0x280, s5;
	[tilespmem:s9+$0x0] =	vst v9;
	v13 =	vor.u32 $0xA, v16;
	v12 =	vor.u32 $0xB, v18;
	v9 =	vor.u32 $0xC, v18;
	s21 =	sor.u32 s21, s12;
	v33 =	vld.idx.msk [tilespmem:v29+s10+$0x0], $0xffff  }
0x81: {  	v7 =	vor.u32 $0xD, v16;
	s28 =	sor.u32 s20, s12;
	s9 =	sor.u32 $0x300, s4;
	s4 =	sor.u32 $0x380, s4;
	v19 =	vor.u32 $0x8, v16;
	v15 =	vor.u32 $0x9, v16;
	[tilespmem:s0+$0x0] =	vst v11;
	v29 =	vld.idx.msk [tilespmem:v26+s10+$0x0], $0xffff  }
0x82: {  	s20 =	simm.s32 $0x4;
	s11 =	sor.u32 s23, s25;
	s25 =	sor.u32 s22, s12;
	v10 =	vor.u32 $0xC, v16;
	v21 =	vor.u32 $0xE, v16;
	v11 =	vor.u32 $0xB, v16;
	v28 =	vld.idx.msk [tilespmem:v28+s10+$0x0], $0xffff;
	[tilespmem:s24+$0x4B00] =	vst v8  }
0x83: {  	s15 =	sor.u32 $0x280, s26;
	s0 =	sor.u32 s23, s12;
	s12 =	sor.u32 $0x300, s5;
	v22 =	vor.u32 $0xE, v18;
	v16 =	vor.u32 $0xF, v16;
	v8 =	vor.u32 $0xD, v18;
	[tilespmem:s14+$0x4B00] =	vst v30;
	v31 =	vld.idx.msk [tilespmem:v31+s10+$0x0], $0xffff  }
0x84: {  	s5 =	sor.u32 $0x380, s26;
	v18 =	vor.u32 $0xF, v18;
	s14 =	sor.u32 $0x300, s26;
	[tilespmem:s21+$0x0] =	vst v34;
	v34 =	vor.u32 $0x6, v1;
	v30 =	vor.u32 $0xD, v0;
	s21 =	simm.s32 $0x80;
	v26 =	vld.idx.msk [tilespmem:v35+s10+$0x0], $0xffff  }
.LBB2_2:
0x85: {  	_ = 	snop  }
0x86: {  	[tilespmem:s15+$0x4B00] =	vst v32  }
0x87: {  	v35 =	vld [tilespmem:s21+$0x0];
	v58 =	vor.u32 $0x7, v2;
	[tilespmem:s8+$0x0] =	vst v29  }
0x88: {  	s23 =	smov.u32 s17;
	s17 =	rddreg [dreg:$0x3];
	[tilespmem:s2+$0x4B00] =	vst v33;
	v25 =	vld.idx.msk [tilespmem:v25+s10+$0x0], $0xffff  }
0x89: {  	s24 =	smov.u32 s18;
	s18 =	sor.u32 $0x300, s3;
	v33 =	vld.idx.msk [tilespmem:v34+s10+$0x0], $0xffff;
	[tilespmem:s17+$0x0] =	vst v27  }
0x8a: {  	[tilespmem:s18+$0x4B00] =	vst v31;
	v27 =	vld.idx.msk [tilespmem:v30+s10+$0x0], $0xffff  }
0x8b: {  	v29 =	vor.u32 $0x7, v1;
	[tilespmem:s1+$0x0] =	vst v28;
	v30 =	vld.idx.msk [tilespmem:v6+s10+$0x0], $0xffff  }
0x8c: {  	v6 =	vmov v22;
	[tilespmem:s12+$0x4B00] =	vst v26;
	v22 =	vld.idx.msk [tilespmem:v58+s10+$0x0], $0xffff  }
0x8d: {  	v26 =	vor.u32 $0xE, v0;
	v23 =	vld.idx.msk [tilespmem:v23+s10+$0x0], $0xffff;
	[tilespmem:s14+$0x4B00] =	vst v25  }
0x8e: {  	v28 =	vld.idx.msk [tilespmem:v5+s10+$0x0], $0xffff  }
0x8f: {  	s26 =	rddreg [dreg:$0x4];
	v5 =	vmov v21;
	[tilespmem:s9+$0x4B00] =	vst v33;
	v21 =	vld.idx.msk [tilespmem:v24+s10+$0x0], $0xffff  }
0x90: {  	v25 =	vor.u32 $0x8, v2;
	v24 =	vld.idx.msk [tilespmem:v29+s10+$0x0], $0xffff;
	[tilespmem:s26+$0x0] =	vst v27  }
0x91: {  	s2 =	sor.u32 $0x380, s3;
	[tilespmem:s11+$0x0] =	vst v30  }
0x92: {  	s30 =	sadd.s32 $0x40, s30;
	[tilespmem:s2+$0x4B00] =	vst v22;
	v26 =	vld.idx.msk [tilespmem:v26+s10+$0x0], $0xffff  }
0x93: {  	s26 =	sand.u32 $0x40, s30;
	v22 =	vld.idx.msk [tilespmem:v4+s10+$0x0], $0xffff;
	[tilespmem:s6+$0x4B00] =	vst v23  }
0x94: {  	s3 =	sand.u32 $0xF80, s30;
	s8 =	sor.u32 $0x30, s26;
	v20 =	vld.idx.msk [tilespmem:v20+s10+$0x0], $0xffff  }
0x95: {  	v4 =	vmov v18;
	s9 =	sor.u32 $0x10, s26;
	s11 =	sor.u32 s8, s3;
	v18 =	vld.idx.msk [tilespmem:v25+s10+$0x0], $0xffff  }
0x96: {  	[dreg:$0x2] =	wrdreg s30;
	s30 =	sor.u32 $0x20, s26;
	v23 =	vor.u32 $0x8, v1;
	s12 =	sor.u32 s9, s3;
	v25 =	vld [tilespmem:s11+$0x0];
	[tilespmem:s7+$0x0] =	vst v28  }
0x97: {  	s1 =	sor.u32 s30, s3;
	v28 =	vld [tilespmem:s12+$0x0];
	[tilespmem:s5+$0x4B00] =	vst v21;
	v21 =	vor.u32 $0x9, v2  }
0x98: {  	[tilespmem:s4+$0x4B00] =	vst v24;
	v24 =	vld [tilespmem:s1+$0x0]  }
0x99: {  	s14 =	sadd.s32 $0xAF00, s16;
	[tilespmem:s31+$0x0] =	vst v26;
	v19 =	vld.idx.msk [tilespmem:v19+s10+$0x0], $0xffff;
	v26 =	vor.u32 $0xF, v0  }
0x9a: {  	s18 =	sor.u32 s23, s14;
	[tilespmem:s0+$0x0] =	vst v22;
	v0 =	vmov v1;
	v1 =	vshll.u32 v35, $0x4;
	v59 =	vld.idx.msk [tilespmem:v3+s10+$0x0], $0xffff  }
0x9b: {  	s17 =	sor.u32 s24, s14;
	v22 =	vld.idx.msk [tilespmem:v23+s10+$0x0], $0xffff;
	[tilespmem:s18+$0x0] =	vst v18;
	v27 =	vshll.u32 v25, $0x4  }
0x9c: {  	[tilespmem:s17+$0x0] =	vst v20;
	v18 =	vld.idx.msk [tilespmem:v21+s10+$0x0], $0xffff;
	v21 =	vshll.u32 v28, $0x4  }
0x9d: {  	s22 =	smov.u32 s29;
	v31 =	vor.u32 $0xA, v2;
	v17 =	vld.idx.msk [tilespmem:v17+s10+$0x0], $0xffff  }
0x9e: {  	s5 =	sor.u32 s22, s14;
	v3 =	vmov v16;
	v39 =	vshll.u32 v24, $0x4;
	v16 =	vld.idx.msk [tilespmem:v26+s10+$0x0], $0xffff  }
0x9f: {  	s15 =	sor.u32 s13, s14;
	s6 =	sadd.s32 $0xAF80, s16;
	v43 =	vld.idx.msk [tilespmem:v1+s10+$0x0], $0xffff;
	[tilespmem:s5+$0x0] =	vst v19  }
0xa0: {  	s12 =	sor.u32 s23, s6;
	v30 =	vor.u32 $0x9, v0;
	[tilespmem:s15+$0x0] =	vst v22;
	v44 =	vld.idx.msk [tilespmem:v27+s10+$0x0], $0xffff  }
0xa1: {  	s19 =	sadd.s32 $0x200, s19;
	v51 =	vor.u32 $0xB, v2;
	s11 =	sor.u32 s24, s6;
	v22 =	vld.idx.msk [tilespmem:v21+s10+$0x0], $0xffff;
	[tilespmem:s12+$0x0] =	vst v18  }
0xa2: {  	v63 =	vor.u32 $0xC, v2;
	s0 =	sand.u32 $0x7C00, s19;
	v37 =	vor.u32 $0x1, v1;
	v60 =	vor.u32 $0xA, v0;
	[tilespmem:s11+$0x0] =	vst v17;
	v46 =	vld.idx.msk [tilespmem:v31+s10+$0x0], $0xffff  }
0xa3: {  	v56 =	vor.u32 $0x2, v1;
	v45 =	vor.u32 $0x1, v27;
	v61 =	vor.u32 $0x2, v27;
	s15 =	sadd.s32 $0x4B00, s0;
	v47 =	vld.idx.msk [tilespmem:v39+s10+$0x0], $0xffff;
	[tilespmem:s28+$0x0] =	vst v59  }
0xa4: {  	v38 =	vor.u32 $0x1, v21;
	v40 =	vor.u32 $0x2, v21;
	v36 =	vor.u32 $0x3, v21;
	s3 =	sor.u32 s26, s15;
	[tilespmem:s25+$0x0] =	vst v16;
	v50 =	vld.idx.msk [tilespmem:v15+s10+$0x0], $0xffff  }
0xa5: {  	v33 =	vor.u32 $0x4, v21;
	v29 =	vor.u32 $0x5, v21;
	v26 =	vor.u32 $0x6, v21;
	s2 =	sor.u32 s8, s15;
	v55 =	vld.idx.msk [tilespmem:v30+s10+$0x0], $0xffff;
	[tilespmem:s3+$0x0] =	vst v43  }
0xa6: {  	s7 =	smov.u32 s9;
	v23 =	vor.u32 $0x7, v21;
	v20 =	vor.u32 $0x8, v21;
	v41 =	vor.u32 $0x1, v39;
	[tilespmem:s2+$0x0] =	vst v44;
	v44 =	vld.idx.msk [tilespmem:v14+s10+$0x0], $0xffff  }
0xa7: {  	s17 =	sadd.s32 $0xB000, s16;
	v48 =	vor.u32 $0xA, v21;
	v52 =	vor.u32 $0xB, v21;
	v53 =	vor.u32 $0xC, v21;
	s1 =	sor.u32 s7, s15;
	v37 =	vld.idx.msk [tilespmem:v37+s10+$0x0], $0xffff  }
0xa8: {  	v42 =	vor.u32 $0x2, v39;
	v34 =	vor.u32 $0x3, v39;
	v32 =	vor.u32 $0x4, v39;
	s25 =	sor.u32 s23, s17;
	v45 =	vld.idx.msk [tilespmem:v45+s10+$0x0], $0xffff;
	[tilespmem:s1+$0x0] =	vst v22  }
0xa9: {  	v28 =	vor.u32 $0x5, v39;
	v25 =	vor.u32 $0x6, v39;
	v24 =	vor.u32 $0x7, v39;
	s4 =	sor.u32 s30, s15;
	v38 =	vld.idx.msk [tilespmem:v38+s10+$0x0], $0xffff;
	[tilespmem:s25+$0x0] =	vst v46  }
0xaa: {  	s14 =	sor.u32 s22, s6;
	v19 =	vor.u32 $0x8, v39;
	v49 =	vor.u32 $0xA, v39;
	v54 =	vor.u32 $0xB, v39;
	[tilespmem:s4+$0x0] =	vst v47;
	v62 =	vld.idx.msk [tilespmem:v51+s10+$0x0], $0xffff  }
0xab: {  	s9 =	sor.u32 s13, s6;
	v35 =	vor.u32 $0xC, v39;
	v17 =	vor.u32 $0x9, v21;
	v18 =	vor.u32 $0x9, v39;
	v41 =	vld.idx.msk [tilespmem:v41+s10+$0x0], $0xffff;
	[tilespmem:s14+$0x0] =	vst v50  }
0xac: {  	v31 =	vor.u32 $0xD, v21;
	v16 =	vor.u32 $0xF, v39;
	v30 =	vor.u32 $0xD, v39;
	[tilespmem:s9+$0x0] =	vst v55;
	v55 =	vld.idx.msk [tilespmem:v13+s10+$0x0], $0xffff  }
0xad: {  	v15 =	vmovc v18;
	v18 =	vor.u32 $0xF, v21;
	v22 =	vor.u32 $0xE, v21;
	v21 =	vor.u32 $0xE, v39;
	v39 =	vld.idx.msk [tilespmem:v60+s10+$0x0], $0xffff;
	[tilespmem:s3+$0x80] =	vst v37  }
0xae: {  	s12 =	sadd.s32 $0xB080, s16;
	[tilespmem:s2+$0x80] =	vst v45;
	v60 =	vld.idx.msk [tilespmem:v56+s10+$0x0], $0xffff  }
0xaf: {  	s14 =	sor.u32 s23, s12;
	v57 =	vld.idx.msk [tilespmem:v61+s10+$0x0], $0xffff;
	[tilespmem:s1+$0x80] =	vst v38  }
0xb0: {  	v58 =	vor.u32 $0x3, v27;
	v40 =	vld.idx.msk [tilespmem:v40+s10+$0x0], $0xffff;
	[tilespmem:s14+$0x0] =	vst v62  }
0xb1: {  	s18 =	sor.u32 s24, s17;
	[tilespmem:s4+$0x80] =	vst v41;
	v43 =	vld.idx.msk [tilespmem:v63+s10+$0x0], $0xffff  }
0xb2: {  	[dreg:$0x5] =	wrdreg s8;
	s8 =	sor.u32 s22, s17;
	[tilespmem:s18+$0x0] =	vst v44;
	v59 =	vld.idx.msk [tilespmem:v42+s10+$0x0], $0xffff;
	v63 =	vor.u32 $0x3, v1  }
0xb3: {  	v61 =	vor.u32 $0xD, v2;
	v62 =	vld.idx.msk [tilespmem:v12+s10+$0x0], $0xffff;
	[tilespmem:s8+$0x0] =	vst v55  }
0xb4: {  	v14 =	vmov v48;
	v48 =	vld.idx.msk [tilespmem:v11+s10+$0x0], $0xffff;
	[tilespmem:s2+$0x100] =	vst v57  }
0xb5: {  	s15 =	sadd.s32 $0xB100, s16;
	v50 =	vor.u32 $0xB, v0;
	v13 =	vmov v49;
	v49 =	vld.idx.msk [tilespmem:v58+s10+$0x0], $0xffff;
	[tilespmem:s1+$0x100] =	vst v40  }
0xb6: {  	s18 =	sor.u32 s23, s15;
	[tilespmem:s3+$0x100] =	vst v60;
	v36 =	vld.idx.msk [tilespmem:v36+s10+$0x0], $0xffff  }
0xb7: {  	v51 =	vor.u32 $0x4, v27;
	[tilespmem:s18+$0x0] =	vst v43;
	v42 =	vld.idx.msk [tilespmem:v63+s10+$0x0], $0xffff  }
0xb8: {  	[dreg:$0x6] =	wrdreg s7;
	s7 =	sor.u32 s13, s17;
	[tilespmem:s4+$0x100] =	vst v59;
	v43 =	vld.idx.msk [tilespmem:v61+s10+$0x0], $0xffff  }
0xb9: {  	s11 =	sor.u32 s24, s12;
	v11 =	vmov v54;
	v54 =	vor.u32 $0x4, v1;
	[tilespmem:s7+$0x0] =	vst v39;
	v34 =	vld.idx.msk [tilespmem:v34+s10+$0x0], $0xffff  }
0xba: {  	s20 =	sadd.s32 $0x4, s20;
	p0 =	por !p0, !p0;
	v12 =	vmov v52;
	v52 =	vor.u32 $0xE, v2;
	[tilespmem:s11+$0x0] =	vst v62;
	s7 =	sadd.s32 $0xB180, s16;
	v41 =	vld.idx.msk [tilespmem:v50+s10+$0x0], $0xffff  }
0xbb: {  	s29 =	sadd.s32 $0xB200, s16;
	s21 =	sadd.s32 $0x40, s21;
	v55 =	vld.idx.msk [tilespmem:v9+s10+$0x0], $0xffff;
	s9 =	sor.u32 s13, s7;
	[tilespmem:s2+$0x180] =	vst v49  }
0xbc: {  	p1 =	slt.u32 s20, $0xC4;
	v57 =	vor.u32 $0xC, v0;
	[dreg:$0x4] =	wrdreg s9;
	s9 =	simm.s32 $0x1;
	v56 =	vld.idx.msk [tilespmem:v51+s10+$0x0], $0xffff;
	[tilespmem:s1+$0x180] =	vst v36  }
0xbd: {  	s5 =	sor.u32 s13, s12;
	s11 =	sor.u32 s23, s7;
	s9 =	simm.s32 @!p0 $0x0;
	[tilespmem:s3+$0x180] =	vst v42;
	v33 =	vld.idx.msk [tilespmem:v33+s10+$0x0], $0xffff  }
0xbe: {  	s6 =	sor.u32 s22, s12;
	s17 =	sor.u32 s13, s15;
	v58 =	vor.u32 $0x5, v27;
	s12 =	sshll.u32 s9, $0x6;
	[tilespmem:s11+$0x0] =	vst v43;
	v42 =	vld.idx.msk [tilespmem:v54+s10+$0x0], $0xffff  }
0xbf: {  	s28 =	sor.u32 s22, s15;
	[dreg:$0x3] =	wrdreg s17;
	[tilespmem:s4+$0x180] =	vst v34;
	s4 =	sadd.s32 s12, s19;
	v39 =	vld.idx.msk [tilespmem:v52+s10+$0x0], $0xffff  }
0xc0: {  	s25 =	sor.u32 s24, s15;
	s8 =	sor.u32 s24, s7;
	v61 =	vor.u32 $0x5, v1;
	[tilespmem:s5+$0x0] =	vst v41;
	v32 =	vld.idx.msk [tilespmem:v32+s10+$0x0], $0xffff;
	s3 =	sadd.s32 $0x30, s4  }
0xc1: {  	v59 =	vor.u32 $0xF, v2;
	v2 =	vmov v27;
	s1 =	sor.u32 s22, s7;
	s7 =	sadd.s32 $0x10, s4;
	[tilespmem:s6+$0x0] =	vst v48;
	v27 =	vld.idx.msk [tilespmem:v57+s10+$0x0], $0xffff;
	s15 =	sor.u32 $0x200, s3  }
0xc2: {  	s11 =	sadd.s32 $0x20, s4;
	s17 =	sor.u32 $0x200, s4;
	s14 =	sor.u32 $0x200, s7;
	v60 =	vld.idx.msk [tilespmem:v10+s10+$0x0], $0xffff;
	[tilespmem:s15+$0x4B00] =	vst v56  }
0xc3: {  	s2 =	sor.u32 $0x280, s4;
	s6 =	sor.u32 s23, s29;
	s9 =	sor.u32 $0x300, s4;
	v36 =	vld.idx.msk [tilespmem:v58+s10+$0x0], $0xffff;
	[tilespmem:s14+$0x4B00] =	vst v33  }
0xc4: {  	s31 =	sor.u32 $0x200, s11;
	s18 =	sor.u32 $0x280, s7;
	s12 =	sor.u32 $0x300, s7;
	[tilespmem:s17+$0x4B00] =	vst v42;
	v62 =	vld.idx.msk [tilespmem:v29+s10+$0x0], $0xffff  }
0xc5: {  	v63 =	vor.u32 $0x6, v2;
	s5 =	sor.u32 $0x380, s11;
	s15 =	sor.u32 $0x280, s11;
	s14 =	sor.u32 $0x300, s11;
	[tilespmem:s6+$0x0] =	vst v39;
	v33 =	vld.idx.msk [tilespmem:v61+s10+$0x0], $0xffff  }
0xc6: {  	s11 =	sor.u32 s24, s29;
	s17 =	sadd.s32 $0xB280, s16;
	s16 =	smov.u32 s0;
	[tilespmem:s31+$0x4B00] =	vst v32;
	v38 =	vld.idx.msk [tilespmem:v59+s10+$0x0], $0xffff  }
.Ltmp0:
0xc7: {  	s6 =	sor.u32 $0x380, s7;
	s31 =	sor.u32 s13, s29;
	[tilespmem:s25+$0x0] =	vst v55;
	v32 =	vld.idx.msk [tilespmem:v28+s10+$0x0], $0xffff;
	(pc) =	sbr.rel @p1 .LBB2_2-.Ltmp0, $4  }
0xc8: {  	s7 =	sor.u32 s22, s29;
	s29 =	smov.u32 s30;
	s25 =	sor.u32 $0x280, s3;
	v29 =	vld.idx.msk [tilespmem:v8+s10+$0x0], $0xffff;
	[tilespmem:s28+$0x0] =	vst v60  }
0xc9: {  	s30 =	rddreg [dreg:$0x2];
	s0 =	sor.u32 s24, s17;
	s24 =	sor.u32 s23, s17;
	v28 =	vld.idx.msk [tilespmem:v7+s10+$0x0], $0xffff;
	[tilespmem:s25+$0x4B00] =	vst v36  }
0xca: {  	v8 =	vmov v31;
	s28 =	sor.u32 s22, s17;
	s25 =	sor.u32 s13, s17;
	s17 =	rddreg [dreg:$0x5];
	v31 =	vld.idx.msk [tilespmem:v63+s10+$0x0], $0xffff;
	[tilespmem:s18+$0x4B00] =	vst v62  }
0xcb: {  	v9 =	vmovc v53;
	v34 =	vor.u32 $0x6, v1;
	s4 =	sor.u32 $0x380, s4;
	v10 =	vmovc v35;
	v7 =	vmov v30;
	v30 =	vor.u32 $0xD, v0;
	s13 =	smov.u32 s26;
	s18 =	rddreg [dreg:$0x6];
	v26 =	vld.idx.msk [tilespmem:v26+s10+$0x0], $0xffff;
	[tilespmem:s24+$0x0] =	vst v38  }
0xcc: {  	_ =	sdelay $0x2  }
0xcd: {  	[tilespmem:s15+$0x4B00] =	vst v32;
	v56 =	vor.u32 $0x7, v2  }
0xce: {  	[tilespmem:s2+$0x4B00] =	vst v33;
	v25 =	vld.idx.msk [tilespmem:v25+s10+$0x0], $0xffff  }
0xcf: {  	v33 =	vld.idx.msk [tilespmem:v34+s10+$0x0], $0xffff  }
0xd0: {  	s30 =	sor.u32 $0x300, s3;
	v57 =	vor.u32 $0x7, v1  }
0xd1: {  	[tilespmem:s30+$0x4B00] =	vst v31  }
0xd2: {  	[tilespmem:s12+$0x4B00] =	vst v26;
	v58 =	vld.idx.msk [tilespmem:v56+s10+$0x0], $0xffff  }
0xd3: {  	v59 =	vor.u32 $0x8, v2;
	v23 =	vld.idx.msk [tilespmem:v23+s10+$0x0], $0xffff;
	[tilespmem:s14+$0x4B00] =	vst v25  }
0xd4: {  	[tilespmem:s9+$0x4B00] =	vst v33;
	v24 =	vld.idx.msk [tilespmem:v24+s10+$0x0], $0xffff  }
0xd5: {  	v60 =	vld.idx.msk [tilespmem:v57+s10+$0x0], $0xffff  }
0xd6: {  	s3 =	sor.u32 $0x380, s3;
	v61 =	vor.u32 $0x8, v1  }
0xd7: {  	[tilespmem:s3+$0x4B00] =	vst v58  }
0xd8: {  	[tilespmem:s6+$0x4B00] =	vst v23;
	v62 =	vld.idx.msk [tilespmem:v59+s10+$0x0], $0xffff  }
0xd9: {  	v63 =	vor.u32 $0x9, v2;
	v20 =	vld.idx.msk [tilespmem:v20+s10+$0x0], $0xffff;
	[tilespmem:s5+$0x4B00] =	vst v24  }
0xda: {  	[tilespmem:s4+$0x4B00] =	vst v60;
	v19 =	vld.idx.msk [tilespmem:v19+s10+$0x0], $0xffff  }
0xdb: {  	s4 =	sadd.s32 $0xAF00, s16;
	v32 =	vld.idx.msk [tilespmem:v61+s10+$0x0], $0xffff  }
0xdc: {  	v33 =	vor.u32 $0x9, v1;
	s5 =	sor.u32 s17, s4  }
0xdd: {  	s6 =	sor.u32 s18, s4;
	[tilespmem:s5+$0x0] =	vst v62  }
0xde: {  	s9 =	sor.u32 s29, s4;
	[tilespmem:s6+$0x0] =	vst v20;
	v34 =	vld.idx.msk [tilespmem:v63+s10+$0x0], $0xffff  }
0xdf: {  	v35 =	vor.u32 $0xA, v2;
	s2 =	sor.u32 s13, s4;
	v17 =	vld.idx.msk [tilespmem:v17+s10+$0x0], $0xffff;
	[tilespmem:s9+$0x0] =	vst v19  }
0xe0: {  	[tilespmem:s2+$0x0] =	vst v32;
	v15 =	vld.idx.msk [tilespmem:v15+s10+$0x0], $0xffff  }
0xe1: {  	s12 =	sadd.s32 $0xAF80, s16;
	v36 =	vld.idx.msk [tilespmem:v33+s10+$0x0], $0xffff  }
0xe2: {  	v37 =	vor.u32 $0xA, v1;
	s14 =	sor.u32 s17, s12  }
0xe3: {  	s15 =	sor.u32 s18, s12;
	[tilespmem:s14+$0x0] =	vst v34  }
0xe4: {  	s19 =	sor.u32 s29, s12;
	[tilespmem:s15+$0x0] =	vst v17;
	v38 =	vld.idx.msk [tilespmem:v35+s10+$0x0], $0xffff  }
0xe5: {  	v39 =	vor.u32 $0xB, v2;
	s2 =	sor.u32 s13, s12;
	v14 =	vld.idx.msk [tilespmem:v14+s10+$0x0], $0xffff;
	[tilespmem:s19+$0x0] =	vst v15  }
0xe6: {  	[tilespmem:s2+$0x0] =	vst v36;
	v13 =	vld.idx.msk [tilespmem:v13+s10+$0x0], $0xffff  }
0xe7: {  	s20 =	sadd.s32 $0xB000, s16;
	v40 =	vld.idx.msk [tilespmem:v37+s10+$0x0], $0xffff  }
0xe8: {  	v41 =	vor.u32 $0xB, v1;
	s21 =	sor.u32 s17, s20  }
0xe9: {  	s22 =	sor.u32 s18, s20;
	[tilespmem:s21+$0x0] =	vst v38  }
0xea: {  	s23 =	sor.u32 s29, s20;
	[tilespmem:s22+$0x0] =	vst v14;
	v42 =	vld.idx.msk [tilespmem:v39+s10+$0x0], $0xffff  }
0xeb: {  	v43 =	vor.u32 $0xC, v2;
	s2 =	sor.u32 s13, s20;
	v12 =	vld.idx.msk [tilespmem:v12+s10+$0x0], $0xffff;
	[tilespmem:s23+$0x0] =	vst v13  }
0xec: {  	[tilespmem:s2+$0x0] =	vst v40;
	v11 =	vld.idx.msk [tilespmem:v11+s10+$0x0], $0xffff  }
0xed: {  	s24 =	sadd.s32 $0xB080, s16;
	s2 =	rddreg [dreg:$0x3];
	v15 =	vld.idx.msk [tilespmem:v41+s10+$0x0], $0xffff;
	[tilespmem:s8+$0x0] =	vst v29  }
0xee: {  	v44 =	vor.u32 $0xC, v1;
	s26 =	sor.u32 s17, s24;
	[tilespmem:s2+$0x0] =	vst v27  }
0xef: {  	s30 =	sor.u32 s18, s24;
	v6 =	vld.idx.msk [tilespmem:v6+s10+$0x0], $0xffff;
	[tilespmem:s26+$0x0] =	vst v42  }
0xf0: {  	s4 =	sor.u32 s29, s24;
	[tilespmem:s30+$0x0] =	vst v12;
	v46 =	vld.idx.msk [tilespmem:v43+s10+$0x0], $0xffff  }
0xf1: {  	v47 =	vor.u32 $0xD, v2;
	s2 =	sor.u32 s13, s24;
	v9 =	vld.idx.msk [tilespmem:v9+s10+$0x0], $0xffff;
	[tilespmem:s4+$0x0] =	vst v11  }
0xf2: {  	[tilespmem:s2+$0x0] =	vst v15;
	v10 =	vld.idx.msk [tilespmem:v10+s10+$0x0], $0xffff  }
0xf3: {  	s5 =	sadd.s32 $0xB100, s16;
	[tilespmem:s1+$0x0] =	vst v28;
	v48 =	vld.idx.msk [tilespmem:v44+s10+$0x0], $0xffff  }
0xf4: {  	v49 =	vor.u32 $0xD, v1;
	s6 =	sor.u32 s17, s5;
	v5 =	vld.idx.msk [tilespmem:v5+s10+$0x0], $0xffff;
	s2 =	rddreg [dreg:$0x4];
	[tilespmem:s11+$0x0] =	vst v6  }
0xf5: {  	s8 =	sor.u32 s18, s5;
	v45 =	vld.idx.msk [tilespmem:v30+s10+$0x0], $0xffff;
	[tilespmem:s6+$0x0] =	vst v46  }
0xf6: {  	v50 =	vor.u32 $0xE, v0;
	s9 =	sor.u32 s29, s5;
	[tilespmem:s8+$0x0] =	vst v9;
	v51 =	vld.idx.msk [tilespmem:v47+s10+$0x0], $0xffff  }
0xf7: {  	v52 =	vor.u32 $0xE, v2;
	s1 =	sor.u32 s13, s5;
	v8 =	vld.idx.msk [tilespmem:v8+s10+$0x0], $0xffff;
	[tilespmem:s9+$0x0] =	vst v10  }
0xf8: {  	[tilespmem:s1+$0x0] =	vst v48;
	v7 =	vld.idx.msk [tilespmem:v7+s10+$0x0], $0xffff  }
0xf9: {  	s11 =	sadd.s32 $0xB180, s16;
	[tilespmem:s7+$0x0] =	vst v5;
	v53 =	vld.idx.msk [tilespmem:v49+s10+$0x0], $0xffff  }
0xfa: {  	v55 =	vor.u32 $0xE, v1;
	[tilespmem:s2+$0x0] =	vst v45;
	s12 =	sor.u32 s17, s11;
	v4 =	vld.idx.msk [tilespmem:v4+s10+$0x0], $0xffff  }
0xfb: {  	s14 =	sor.u32 s18, s11;
	v54 =	vld.idx.msk [tilespmem:v50+s10+$0x0], $0xffff;
	[tilespmem:s12+$0x0] =	vst v51  }
0xfc: {  	v56 =	vor.u32 $0xF, v0;
	s15 =	sor.u32 s29, s11;
	[tilespmem:s14+$0x0] =	vst v8;
	v57 =	vld.idx.msk [tilespmem:v52+s10+$0x0], $0xffff  }
0xfd: {  	v58 =	vor.u32 $0xF, v2;
	s1 =	sor.u32 s13, s11;
	v59 =	vld.idx.msk [tilespmem:v22+s10+$0x0], $0xffff;
	[tilespmem:s15+$0x0] =	vst v7  }
0xfe: {  	[tilespmem:s1+$0x0] =	vst v53;
	v60 =	vld.idx.msk [tilespmem:v21+s10+$0x0], $0xffff  }
0xff: {  	s19 =	sadd.s32 $0xB200, s16;
	[tilespmem:s0+$0x0] =	vst v4;
	v5 =	vld.idx.msk [tilespmem:v55+s10+$0x0], $0xffff  }
0x100: {  	v61 =	vor.u32 $0xF, v1;
	s20 =	sor.u32 s17, s19;
	v3 =	vld.idx.msk [tilespmem:v3+s10+$0x0], $0xffff;
	[tilespmem:s31+$0x0] =	vst v54  }
0x101: {  	s21 =	sor.u32 s18, s19;
	v0 =	vld.idx.msk [tilespmem:v56+s10+$0x0], $0xffff;
	[tilespmem:s20+$0x0] =	vst v57  }
0x102: {  	s22 =	sor.u32 s29, s19;
	[tilespmem:s21+$0x0] =	vst v59;
	v2 =	vld.idx.msk [tilespmem:v58+s10+$0x0], $0xffff  }
0x103: {  	s23 =	sor.u32 s13, s19;
	v62 =	vld.idx.msk [tilespmem:v18+s10+$0x0], $0xffff;
	[tilespmem:s22+$0x0] =	vst v60  }
0x104: {  	[tilespmem:s23+$0x0] =	vst v5;
	v63 =	vld.idx.msk [tilespmem:v16+s10+$0x0], $0xffff  }
0x105: {  	s24 =	sadd.s32 $0xB280, s16;
	[tilespmem:s28+$0x0] =	vst v3;
	v1 =	vld.idx.msk [tilespmem:v61+s10+$0x0], $0xffff  }
0x106: {  	[tilespmem:s25+$0x0] =	vst v0;
	s25 =	sor.u32 s17, s24  }
0x107: {  	s26 =	sor.u32 s18, s24;
	[tilespmem:s25+$0x0] =	vst v2  }
0x108: {  	s28 =	sor.u32 s29, s24;
	[tilespmem:s26+$0x0] =	vst v62  }
0x109: {  	s0 =	sor.u32 s13, s24;
	[tilespmem:s28+$0x0] =	vst v63  }
0x10a: {  	s3 =	simm.s32 $0x1;
	[tilespmem:s0+$0x0] =	vst v1  }
0x10b: {  	s5 =	simm.s32 $0x0;
	s29 =	simm.s32 $0x4B00;
	s0 =	rddreg [dreg:$0x9]  }
0x10c: {  	[hbm4b:s0+s5] =	stream.linear.scatter [tilespmem:s29], [sflag:$0x1], $0xC800, $0x38;
	[tilespmem:$0x11300] =	vst v63  }
0x10d: {  	_ =	swait.ge [sflag:s3], $0xC800  }
0x10e: {  	s30 =	rddreg [dreg:$0xb]  }
0x10f: {  	s31 =	rddreg [dreg:$0xa];
	s1 =	sadd.s32 $0x1, s30  }
0x110: {  	p0 =	sne.s32 s1, s31  }
.Ltmp1:
0x111: {  	_ = 	snop;
	(pc) =	sbr.rel @p0 .LBB2_1-.Ltmp1, $3  }
0x112: {  	_ =	sdelay $0x1  }
0x113: {  	[sflag:s3] =	ssyncset.done $0x0  }
0x114: {  	[sflag:s3] =	ssyncadd.s32 $0xFFFF3800  }
0x115: {  	_ =	sfence.sel $0x180000  }
0x116: {  	[bflag:$0x0] =	sbarrier.arrive $0xFFFF  }
0x117: {  	_ =	strace $0x90000047  }
0x118: {  	s0 =	stileid.u32;
	[bflag:$0x2] =	sbarrier.arrive $0xFFFF  }
0x119: {  	p0 =	sne.s32 s0, $0x0;
	s0 =	rddreg [dreg:$0x1]  }
0x11a: {  	s0 =	sadd.s32 @!p0 $0x100000, s0  }
0x11b: {  	[sflag:s0] =	ssyncadd.tile.s32 @!p0 $0x1;
	_ =	shalt  }
.Lfunc_end2:
_tile_overlayer_lowered:
.L_overlay_start_2:
0x11c: {  	(tag) =	ssettag $0x2  }
0x11d: {  	s0 =	rddreg [dreg:$0x0];
	s2 =	stileid.u32  }
0x11e: {  	s1 =	rddreg [dreg:$0x1];
	p0 =	sne.s32 s2, $0x0  }
0x11f: {  	s3 =	rddreg [dreg:$0x2];
	[bflag:$0x3] =	sbarrier.arrive $0xFFFF;
	s2 =	simm.s32 @!p0 $0x1C01  }
0x120: {  	[timem:s3], [sflag:s2] =	dma.local @!p0 [hbm:s0], s1  }
0x121: {  	s0 =	simm.s32 @!p0 $0x1  }
0x122: {  	_ =	swait.ge @!p0 [sflag:s0], s1  }
0x123: {  	s1 =	ssub.s32 @!p0 $0x0, s1;
	[sflag:s0] =	ssyncset.done @!p0 $0x0  }
0x124: {  	[sflag:s0] =	ssyncadd.s32 @!p0 s1  }
0x125: {  	[bflag:$0x3] =	sbarrier.arrive $0xFFFF  }
0x126: {  	_ =	shalt  }

// kernel: kernel.9.cloned.1.call-start
scs
__scs_entry_jumppad:
0x0: {  	(pc) =	sbr.rel $0x88, $3  }
0x1: {  	(tag) =	ssettag $0x0;
	lr =	simm.s32 $0x1  }
0x2: {  	[smem:$0x3F9D] =	sst lr;
	_ =	strace $0xD0000000  }
0x3: {  	_ = 	snop  }
0x4: {  	_ = 	snop  }
0x5: {  	_ = 	snop  }
0x6: {  	_ = 	snop  }
0x7: {  	_ = 	snop  }
__scs_overlays_trampoline_lowered:
0x8: {  	[smem:$0x3FAC] =	sst s0  }
0x9: {  	[smem:$0x3FAD] =	sst s1  }
0xa: {  	[smem:$0x3FAE] =	sst s2  }
0xb: {  	[smem:$0x3FAF] =	sst s3  }
0xc: {  	[smem:$0x3FB0] =	sst s4  }
0xd: {  	[smem:$0x3FB1] =	sst s5  }
0xe: {  	[smem:$0x3FB2] =	sst s6  }
0xf: {  	[smem:$0x3FB3] =	sst s7  }
0x10: {  	[smem:$0x3FB4] =	sst s8  }
0x11: {  	[smem:$0x3FB5] =	sst s9;
	s0 =	simm.s32 @!p0 $0x0  }
0x12: {  	s1 =	sld [smem:$0x3F9B];
	s0 =	simm.s32 @p0 $0x1  }
0x13: {  	[smem:$0x3FB6] =	sst s0;
	s0 =	simm.s32 @!p1 $0x0  }
0x14: {  	s2 =	sld [smem:$0x3F9A];
	s0 =	simm.s32 @p1 $0x1  }
0x15: {  	[smem:$0x3FB7] =	sst s0;
	s0 =	simm.s32 @!p2 $0x0  }
0x16: {  	s3 =	sld [smem:$0x3FDB];
	s0 =	simm.s32 @p2 $0x1  }
0x17: {  	s4 =	simm.s32 $0x1BF5;
	[smem:$0x3FB9] =	sst s0  }
0x18: {  	s0 =	sld [smem:$0x3F9C];
	_ =	swait.ge [sflag:s4], $0x0  }
0x19: {  	s7 =	sld [smem:$0x3F9D]  }
0x1a: {  	s8 =	sadd.s32 $0xFFFFE003, lr  }
0x1b: {  	s9 =	sadd.s32 $0xFFFFFEF7, lr;
	s5 =	simm.s32 $0xFFFFFFFF;
	p2 =	slt.u32 s8, $0xFFFFF086  }
0x1c: {  	p1 =	slt.u32 s9, $0xF7A;
	s5 =	simm.s32 @!p2 $0x0  }
0x1d: {  	s5 =	simm.s32 @p1 $0x1;
	p0 =	seq.s32 s7, s2  }
0x1e: {  	s7 =	smul.u32 @!p0 $0xF7A, s2;
	p2 =	seq.s32 @!p0 s5, $0x0  }
0x1f: {  	s9 =	smul.u32 $0xF7A, s1;
	s8 =	simm.s32 @!p0 $0x1BF5;
	p2 =	por !p2, p0  }
0x20: {  	[sflag:s8] =	ssyncset.s32 @!p0 $0xFFFFF086;
	s6 =	sadd.s32 @!p0 s3, s7;
	s7 =	simm.s32 @!p0 $0x108  }
0x21: {  	s3 =	sadd.s32 s3, s9;
	s6 =	sadd.s32 @!p0 $0x88, s6;
	s7 =	simm.s32 @p2 $0x1082  }
0x22: {  	[simem:s7], [sflag:s8] =	dma.local @!p0 [hbm:s6], $0xF7A  }
0x23: {  	s9 =	sor.u32 $0xD0000000, s2;
	s6 =	simm.s32 $0x108;
	_ =	swait.ge @!p0 [sflag:s8], $0x0  }
0x24: {  	s3 =	sadd.s32 $0x88, s3;
	s6 =	simm.s32 @!p1 $0x1082;
	[sflag:s4] =	ssyncset.s32 $0xFFFFF086  }
0x25: {  	[simem:s6], [sflag:s4] =	dma.local [hbm:s3], $0xF7A  }
0x26: {  	[smem:$0x3F9D] =	sst s1;
	(tag) =	ssettag s2;
	_ =	strace s9  }
0x27: {  	s1 =	sld [smem:$0x3FAD]  }
0x28: {  	s2 =	sld [smem:$0x3FAE]  }
0x29: {  	s4 =	sld [smem:$0x3FB0]  }
0x2a: {  	p0 =	seq.s32 s5, $0x0;
	s5 =	sld [smem:$0x3FB1]  }
0x2b: {  	s6 =	sld [smem:$0x3FB2]  }
0x2c: {  	s7 =	sld [smem:$0x3FB3]  }
0x2d: {  	s3 =	simm.s32 $0x108;
	s8 =	sld [smem:$0x3FB4]  }
0x2e: {  	s3 =	simm.s32 @!p0 $0x1082;
	s9 =	sld [smem:$0x3FB5]  }
0x2f: {  	lr =	sadd.s32 s0, s3;
	s0 =	sld [smem:$0x3FAC]  }
0x30: {  	s3 =	sld [smem:$0x3FAF]  }
0x31: {  	[smem:$0x3FB8] =	sst s10  }
0x32: {  	s10 =	sld [smem:$0x3FB6];
	_ =	sdelay $0x3  }
0x33: {  	p0 =	seq.s32 s10, $0x1;
	s10 =	sld [smem:$0x3FB8];
	_ =	sdelay $0x3  }
0x34: {  	[smem:$0x3FB8] =	sst s10  }
0x35: {  	s10 =	sld [smem:$0x3FB7];
	_ =	sdelay $0x3  }
0x36: {  	p1 =	seq.s32 s10, $0x1;
	s10 =	sld [smem:$0x3FB8];
	_ =	sdelay $0x3  }
0x37: {  	[smem:$0x3FB8] =	sst s10  }
0x38: {  	s10 =	sld [smem:$0x3FB9]  }
0x39: {  	_ = 	snop;
	(pc) =	sbr.ind lr, $3  }
0x3a: {  	_ = 	snop  }
0x3b: {  	_ = 	snop  }
0x3c: {  	p2 =	seq.s32 s10, $0x1;
	s10 =	sld [smem:$0x3FB8]  }
0x3d: {  	_ =	shalt  }
0x3e: {  	_ =	shalt  }
0x3f: {  	_ =	shalt  }
0x40: {  	_ =	shalt  }
0x41: {  	_ =	shalt  }
0x42: {  	_ =	shalt  }
0x43: {  	_ =	shalt  }
0x44: {  	_ =	shalt  }
0x45: {  	_ =	shalt  }
0x46: {  	_ =	shalt  }
0x47: {  	_ =	shalt  }
0x48: {  	_ =	shalt  }
0x49: {  	_ =	shalt  }
0x4a: {  	_ =	shalt  }
0x4b: {  	_ =	shalt  }
0x4c: {  	_ =	shalt  }
0x4d: {  	_ =	shalt  }
0x4e: {  	_ =	shalt  }
0x4f: {  	_ =	shalt  }
0x50: {  	_ =	shalt  }
0x51: {  	_ =	shalt  }
0x52: {  	_ =	shalt  }
0x53: {  	_ =	shalt  }
0x54: {  	_ =	shalt  }
0x55: {  	_ =	shalt  }
0x56: {  	_ =	shalt  }
0x57: {  	_ =	shalt  }
0x58: {  	_ =	shalt  }
0x59: {  	_ =	shalt  }
0x5a: {  	_ =	shalt  }
0x5b: {  	_ =	shalt  }
0x5c: {  	_ =	shalt  }
0x5d: {  	_ =	shalt  }
0x5e: {  	_ =	shalt  }
0x5f: {  	_ =	shalt  }
0x60: {  	_ =	shalt  }
0x61: {  	_ =	shalt  }
0x62: {  	_ =	shalt  }
0x63: {  	_ =	shalt  }
0x64: {  	_ =	shalt  }
0x65: {  	_ =	shalt  }
0x66: {  	_ =	shalt  }
0x67: {  	_ =	shalt  }
0x68: {  	_ =	shalt  }
0x69: {  	_ =	shalt  }
0x6a: {  	_ =	shalt  }
0x6b: {  	_ =	shalt  }
0x6c: {  	_ =	shalt  }
0x6d: {  	_ =	shalt  }
0x6e: {  	_ =	shalt  }
0x6f: {  	_ =	shalt  }
0x70: {  	_ =	shalt  }
0x71: {  	_ =	shalt  }
0x72: {  	_ =	shalt  }
0x73: {  	_ =	shalt  }
0x74: {  	_ =	shalt  }
0x75: {  	_ =	shalt  }
0x76: {  	_ =	shalt  }
0x77: {  	_ =	shalt  }
0x78: {  	_ =	shalt  }
0x79: {  	_ =	shalt  }
0x7a: {  	_ =	shalt  }
0x7b: {  	_ =	shalt  }
0x7c: {  	_ =	shalt  }
0x7d: {  	_ =	shalt  }
0x7e: {  	_ =	shalt  }
0x7f: {  	_ =	shalt  }
0x80: {  	_ =	shalt  }
0x81: {  	_ =	shalt  }
0x82: {  	_ =	shalt  }
0x83: {  	_ =	shalt  }
0x84: {  	_ =	shalt  }
0x85: {  	_ =	shalt  }
0x86: {  	_ =	shalt  }
0x87: {  	_ =	shalt  }
.Lfunc_end0:
.L_simem_size_0:
called_computation.1_lowered:
.L_overlay_start_0:
0x88: {  	s2 =	sld [smem:$0x3FD9]  }
0x89: {  	s3 =	sld [smem:$0x3FFE];
	_ =	sdelay $0x1  }
0x8a: {  	s1 =	srdreg.scid  }
0x8b: {  	s0 =	sand.u32 $0x1, s1  }
0x8c: {  	s17 =	sshll.u32 s0, $0xA;
	s2 =	sadd.s32 s3, s2  }
0x8d: {  	s2 =	sadd.s32 s2, s17  }
0x8e: {  	[smem:$0x3FC4] =	sst s2  }
0x8f: {  	_ = 	snop  }
0x90: {  	s18 =	sld [smem:$0x3FD0];
	(tm) =	ssettm $0x1  }
0x91: {  	s19 =	sld [smem:$0x3FFB];
	_ =	sdelay $0x3  }
0x92: {  	_ =	strace s19  }
0x93: {  	s2 =	sld [smem:$0x3FFC];
	_ =	sdelay $0x3  }
0x94: {  	_ =	strace s2  }
0x95: {  	s2 =	sld [smem:$0x3FFD];
	_ =	sdelay $0x3  }
0x96: {  	_ =	strace s2  }
0x97: {  	_ =	strace $0x8FFFFFFF  }
0x98: {  	s20 =	sld [smem:$0x3FDB];
	_ =	sdelay $0x1  }
0x99: {  	s4 =	simm.s32 $_scs_section_size  }
0x9a: {  	s5 =	simm.s32 $_size__tile_overlayer_lowered;
	s6 =	simm.s32 $_tile_overlayer_lowered  }
0x9b: {  	s7 =	simm.s32 $0x1BFF;
	s21 =	sshll.u32 s6, $0x1;
	s4 =	sadd.s32 s4, s20  }
0x9c: {  	s22 =	simm.s32 $0x0;
	s5 =	sshll.u32 s5, $0x1;
	s6 =	sadd.s32 s21, s4  }
0x9d: {  	[timem:s22], [sflag:s7] =	dma.local [hbm:s6], s5  }
0x9e: {  	_ =	swait.ge [sflag:s7], s5  }
0x9f: {  	s5 =	ssub.s32 $0x0, s5;
	[sflag:s7] =	ssyncset.done $0x0  }
0xa0: {  	[sflag:s7] =	ssyncadd.s32 s5;
	_ =	sdelay $0x1  }
0xa1: {  	s23 =	simm.s32 $0x1B8B  }
0xa2: {  	_ =	swait.ge [sflag:s23], $0x1  }
0xa3: {  	[sflag:s23] =	ssyncset.done $0x0  }
0xa4: {  	[sflag:s23] =	ssyncadd.s32 $0xFFFFFFFF  }
0xa5: {  	s5 =	sld [smem:$0x0]  }
0xa6: {  	s6 =	sand.u32 $0xFFFFFFFE, s1  }
0xa7: {  	p0 =	sne.s32 s1, s6  }
0xa8: {  	s6 =	sshll.u32 @p0 s6, $0xE  }
0xa9: {  	s6 =	sadd.s32 @p0 $0x11B8D, s6;
	s7 =	sshll.u32 @p0 s5, $0x11  }
0xaa: {  	s6 =	sor.u32 @p0 s7, s6  }
0xab: {  	[sflag:s6] =	ssyncadd.remote.s32 @p0 $0x1;
	_ =	sdelay $0x1  }
0xac: {  	s6 =	simm.s32 @p0 $0x1B8D  }
0xad: {  	_ =	swait.eq @p0 [sflag:s6], $0x1  }
0xae: {  	[sflag:s6] =	ssyncadd.s32 @p0 $0xFFFFFFFF  }
0xaf: {  	s7 =	sshll.u32 @!p0 s1, $0xE  }
0xb0: {  	s7 =	sor.u32 @!p0 $0x4000, s7;
	s6 =	simm.s32 @!p0 $0x1B8D  }
0xb1: {  	s5 =	sshll.u32 @!p0 s5, $0x11;
	s7 =	sadd.s32 @!p0 $0x11B8D, s7;
	_ =	swait.eq @!p0 [sflag:s6], $0x1  }
0xb2: {  	s5 =	sor.u32 @!p0 s5, s7;
	[sflag:s6] =	ssyncadd.s32 @!p0 $0xFFFFFFFF  }
0xb3: {  	s25 =	simm.s32 $0x1B8E;
	s24 =	sld [smem:$0x3FFE];
	[sflag:s5] =	ssyncadd.remote.s32 @!p0 $0x1  }
0xb4: {  	s26 =	simm.s32 $execute0_lowered;
	[smem:$0x3FD2] =	sst s25  }
0xb5: {  	s6 =	sshll.u32 s26, $0x1;
	_ =	strace $0x80000049;
	[dreg:$0x1] =	wrdreg $0xFFFFFFFF  }
0xb6: {  	s28 =	simm.s32 $_size_execute0_lowered;
	s4 =	sadd.s32 s4, s6;
	[dreg:$0x0] =	wrdreg $0x0  }
0xb7: {  	s6 =	sshll.u32 s28, $0x1;
	[dreg:$0x2] =	wrdreg s4  }
0xb8: {  	[dreg:$0x3] =	wrdreg s6  }
0xb9: {  	[dreg:$0x4] =	wrdreg $0xC0  }
0xba: {  	_ =	task [dreg:s22], $0x5FFFF  }
0xbb: {  	[dreg:$0x1] =	wrdreg $0xFFFFFFFF  }
0xbc: {  	[dreg:$0x0] =	wrdreg $0x60  }
0xbd: {  	[dreg:$0x2] =	wrdreg s18  }
0xbe: {  	[dreg:$0x3] =	wrdreg s24  }
0xbf: {  	[dreg:$0x4] =	wrdreg $0xA  }
0xc0: {  	_ =	task.clear_ibuf [dreg:s22], $0x5FFFF;
	_ =	strace $0x90000049  }
0xc1: {  	s29 =	simm.s32 $0xA;
	_ =	strace $0x8000004B  }
0xc2: {  	_ =	swait.ge [sflag:s29], $0x1  }
0xc3: {  	[sflag:s29] =	ssyncadd.s32 $0xFFFFFFFF  }
0xc4: {  	_ =	strace $0x9000004B  }
0xc5: {  	_ =	sfence  }
0xc6: {  	s30 =	sld [smem:$0x0];
	_ =	sdelay $0x2  }
0xc7: {  	s31 =	sshll.u32 s1, $0xD;
	s1 =	sshrl.u32 s1, $0x2  }
0xc8: {  	s4 =	sand.u32 $0x4000, s31;
	s1 =	sadd.s32 s1, s30  }
0xc9: {  	s0 =	sor.u32 s4, s0;
	s1 =	sshll.u32 s1, $0x11  }
0xca: {  	s0 =	sor.u32 s1, s0  }
0xcb: {  	s0 =	sadd.s32 $0x8F2B, s0  }
0xcc: {  	[sflag:s0] =	ssyncadd.remote.s32 $0x1  }
0xcd: {  	_ =	sfence.sel $0xFFFF  }
0xce: {  	[dreg:$0x0] =	wrdreg $0xFFFFFFFF;
	(pc) =	sbr.abs _section_cstart, $3  }
0xcf: {  	[dreg:$0x1] =	wrdreg $0xFFFFFFFF  }
0xd0: {  	_ =	task.clear_ibuf [dreg:s22], $0x2FFFF;
	_ =	strace $0x9FFFFFFF  }
0xd1: {  	(tm) =	ssettm $0x7FFFFFFF  }
tec
execute0_lowered:
.L_overlay_start_1:
0x0: {  	(tag) =	ssettag $0x1  }
0x1: {  	s0 =	rddreg [dreg:$0x0]  }
0x2: {  	s1 =	rddreg [dreg:$0x1]  }
0x3: {  	s2 =	srdreg.scid;
	s4 =	stileid.u32;
	s7 =	simm.s32 $0x0  }
0x4: {  	s2 =	sand.u32 $0x1, s2;
	s3 =	sshll.u32 s4, $0x1;
	[smem:$0x7FF] =	sst s7  }
0x5: {  	s4 =	sshrl.u32 s4, $0x2;
	s6 =	sadd.s32 $0x4C00, s1;
	s3 =	sor.u32 s2, s3  }
0x6: {  	_ =	strace $0x8000004A;
	s4 =	smul.u32 $0x6400, s4;
	s2 =	ssub.s32 $0x2, s2  }
0x7: {  	s5 =	sshll.u32 s3, $0x7;
	s3 =	smul.u32 $0x1900, s3;
	s28 =	sshrl.u32 s2, $0x1  }
0x8: {  	[dreg:$0x8] =	wrdreg s6;
	s5 =	sand.u32 $0x380, s5;
	s2 =	ssub.s32 s2, s28  }
0x9: {  	s4 =	sor.u32 s4, s5;
	s1 =	sadd.s32 s3, s1;
	s31 =	smax.u32 s2, $0x1  }
0xa: {  	s29 =	sshrl.u32 s4, $0x3;
	s30 =	sadd.s32 $0x37400, s1;
	[dreg:$0xb] =	wrdreg s31  }
0xb: {  	s10 =	simm.s32 $0xC80;
	s0 =	sadd.s32 s0, s29;
	[dreg:$0xa] =	wrdreg s30  }
0xc: {  	s3 =	simm.s32 $0x1;
	s1 =	simm.s32 $0x0;
	[dreg:$0x9] =	wrdreg s0  }
.LBB2_1:
0xd: {  	[dreg:$0xc] =	wrdreg s1  }
0xe: {  	s0 =	rddreg [dreg:$0x9];
	s26 =	simm.s32 $0x80;
	s2 =	simm.s32 $0x400  }
0xf: {  	[tilespmem:s7], [sflag:$0x1] =	stream.strided.gather [hbm4b:s0+s26], $0xC80, s2, s26, $0x38;
	[tilespmem:$0x11300] =	vst v63  }
0x10: {  	_ =	swait.ge [sflag:s3], $0xC80  }
0x11: {  	[sflag:s3] =	ssyncset.done $0x0  }
0x12: {  	s2 =	rddreg [dreg:$0x8];
	[sflag:s3] =	ssyncadd.s32 $0xFFFFF380  }
0x13: {  	[tilespmem:s10], [sflag:$0x1] =	stream.linear.gather [hbm4b:s2+s7], $0x3E80, $0x38;
	[tilespmem:$0x11300] =	vst v63  }
0x14: {  	s22 =	sand.u32 $0x40, s7;
	_ =	swait.ge [sflag:s3], $0x3E80  }
0x15: {  	s4 =	sand.u32 $0xF80, s7;
	s21 =	sor.u32 $0x30, s22;
	[sflag:s3] =	ssyncset.done $0x0  }
0x16: {  	s5 =	sor.u32 s21, s4;
	[sflag:s3] =	ssyncadd.s32 $0xFFFFC180  }
0x17: {  	s23 =	sor.u32 $0x10, s22;
	v0 =	vld [tilespmem:s5+$0x0]  }
0x18: {  	s6 =	sor.u32 s23, s4  }
0x19: {  	s20 =	sor.u32 $0x20, s22;
	v1 =	vld [tilespmem:s6+$0x0]  }
0x1a: {  	s0 =	sor.u32 s20, s4  }
0x1b: {  	v2 =	vld [tilespmem:s0+$0x0]  }
0x1c: {  	v6 =	vld [tilespmem:s7+$0x0];
	v5 =	vshll.u32 v0, $0x4;
	_ =	sdelay $0x1  }
0x1d: {  	v4 =	vshll.u32 v1, $0x4;
	_ =	sdelay $0x1  }
0x1e: {  	v3 =	vshll.u32 v2, $0x4  }
0x1f: {  	v0 =	vshll.u32 v6, $0x4;
	v1 =	vld.idx.msk [tilespmem:v5+s10+$0x0], $0xffff  }
0x20: {  	v2 =	vor.u32 $0x1, v5  }
0x21: {  	s24 =	sand.u32 $0x7C00, s7;
	v6 =	vld.idx.msk [tilespmem:v4+s10+$0x0], $0xffff  }
0x22: {  	s8 =	sadd.s32 $0x4B00, s24;
	v7 =	vor.u32 $0x1, v4  }
0x23: {  	s9 =	sor.u32 s21, s8;
	v8 =	vld.idx.msk [tilespmem:v3+s10+$0x0], $0xffff  }
0x24: {  	v9 =	vor.u32 $0x1, v3;
	v10 =	vld.idx.msk [tilespmem:v0+s10+$0x0], $0xffff;
	[tilespmem:s9+$0x0] =	vst v1  }
0x25: {  	s11 =	sor.u32 s23, s8;
	v1 =	vor.u32 $0x1, v0;
	v2 =	vld.idx.msk [tilespmem:v2+s10+$0x0], $0xffff  }
0x26: {  	v11 =	vor.u32 $0x2, v5;
	[tilespmem:s11+$0x0] =	vst v6  }
0x27: {  	s12 =	sor.u32 s20, s8;
	v6 =	vld.idx.msk [tilespmem:v7+s10+$0x0], $0xffff  }
0x28: {  	s4 =	sor.u32 s22, s8;
	[tilespmem:s12+$0x0] =	vst v8;
	v7 =	vor.u32 $0x2, v4  }
0x29: {  	[tilespmem:s4+$0x0] =	vst v10;
	v8 =	vld.idx.msk [tilespmem:v9+s10+$0x0], $0xffff  }
0x2a: {  	v9 =	vor.u32 $0x2, v3;
	v1 =	vld.idx.msk [tilespmem:v1+s10+$0x0], $0xffff;
	[tilespmem:s9+$0x80] =	vst v2  }
0x2b: {  	v2 =	vor.u32 $0x2, v0;
	v10 =	vld.idx.msk [tilespmem:v11+s10+$0x0], $0xffff  }
0x2c: {  	[tilespmem:s11+$0x80] =	vst v6;
	v11 =	vor.u32 $0x3, v5  }
0x2d: {  	v6 =	vld.idx.msk [tilespmem:v7+s10+$0x0], $0xffff  }
0x2e: {  	[tilespmem:s12+$0x80] =	vst v8;
	v7 =	vor.u32 $0x3, v4  }
0x2f: {  	[tilespmem:s4+$0x80] =	vst v1;
	v1 =	vld.idx.msk [tilespmem:v9+s10+$0x0], $0xffff  }
0x30: {  	v8 =	vor.u32 $0x3, v3;
	v2 =	vld.idx.msk [tilespmem:v2+s10+$0x0], $0xffff;
	[tilespmem:s9+$0x100] =	vst v10  }
0x31: {  	v9 =	vor.u32 $0x3, v0;
	v10 =	vld.idx.msk [tilespmem:v11+s10+$0x0], $0xffff  }
0x32: {  	[tilespmem:s11+$0x100] =	vst v6;
	v11 =	vor.u32 $0x4, v5  }
0x33: {  	v6 =	vld.idx.msk [tilespmem:v7+s10+$0x0], $0xffff  }
0x34: {  	[tilespmem:s12+$0x100] =	vst v1;
	v1 =	vor.u32 $0x4, v4  }
0x35: {  	[tilespmem:s4+$0x100] =	vst v2;
	v2 =	vld.idx.msk [tilespmem:v8+s10+$0x0], $0xffff  }
0x36: {  	p0 =	por $0x0, $0x0;
	s0 =	simm.s32 $0x1;
	v7 =	vor.u32 $0x4, v3;
	v8 =	vld.idx.msk [tilespmem:v9+s10+$0x0], $0xffff;
	[tilespmem:s9+$0x180] =	vst v10  }
0x37: {  	s0 =	simm.s32 @!p0 $0x0;
	v9 =	vor.u32 $0x4, v0;
	v10 =	vld.idx.msk [tilespmem:v11+s10+$0x0], $0xffff  }
0x38: {  	s0 =	sshll.u32 s0, $0x6;
	[tilespmem:s11+$0x180] =	vst v6;
	v11 =	vor.u32 $0x5, v5  }
0x39: {  	s0 =	sadd.s32 $0x0, s0;
	v1 =	vld.idx.msk [tilespmem:v1+s10+$0x0], $0xffff  }
0x3a: {  	s13 =	sadd.s32 $0x30, s0;
	[tilespmem:s12+$0x180] =	vst v2;
	v2 =	vor.u32 $0x5, v4  }
0x3b: {  	s14 =	sor.u32 $0x200, s13;
	[tilespmem:s4+$0x180] =	vst v8;
	v6 =	vld.idx.msk [tilespmem:v7+s10+$0x0], $0xffff  }
0x3c: {  	s15 =	sadd.s32 $0x10, s0;
	v7 =	vor.u32 $0x5, v3;
	v8 =	vld.idx.msk [tilespmem:v9+s10+$0x0], $0xffff;
	[tilespmem:s14+$0x4B00] =	vst v10  }
0x3d: {  	s17 =	sor.u32 $0x200, s15;
	v9 =	vor.u32 $0x5, v0;
	v10 =	vld.idx.msk [tilespmem:v11+s10+$0x0], $0xffff  }
0x3e: {  	s16 =	sadd.s32 $0x20, s0;
	v11 =	vor.u32 $0x6, v5;
	[tilespmem:s17+$0x4B00] =	vst v1  }
0x3f: {  	s5 =	sor.u32 $0x200, s16;
	v1 =	vld.idx.msk [tilespmem:v2+s10+$0x0], $0xffff  }
0x40: {  	s18 =	sor.u32 $0x200, s0;
	v2 =	vor.u32 $0x6, v4;
	[tilespmem:s5+$0x4B00] =	vst v6  }
0x41: {  	s19 =	sor.u32 $0x280, s13;
	[tilespmem:s18+$0x4B00] =	vst v8;
	v6 =	vld.idx.msk [tilespmem:v7+s10+$0x0], $0xffff  }
0x42: {  	v7 =	vor.u32 $0x6, v3;
	v8 =	vld.idx.msk [tilespmem:v9+s10+$0x0], $0xffff;
	[tilespmem:s19+$0x4B00] =	vst v10  }
0x43: {  	s25 =	sor.u32 $0x280, s15;
	v9 =	vor.u32 $0x6, v0;
	v10 =	vld.idx.msk [tilespmem:v11+s10+$0x0], $0xffff  }
0x44: {  	v11 =	vor.u32 $0x7, v5;
	[tilespmem:s25+$0x4B00] =	vst v1  }
0x45: {  	s26 =	sor.u32 $0x280, s16;
	v1 =	vld.idx.msk [tilespmem:v2+s10+$0x0], $0xffff  }
0x46: {  	s6 =	sor.u32 $0x280, s0;
	v2 =	vor.u32 $0x7, v4;
	[tilespmem:s26+$0x4B00] =	vst v6  }
0x47: {  	s7 =	sor.u32 $0x300, s13;
	[tilespmem:s6+$0x4B00] =	vst v8;
	v6 =	vld.idx.msk [tilespmem:v7+s10+$0x0], $0xffff  }
0x48: {  	s30 =	simm.s32 $0x40;
	v7 =	vor.u32 $0x7, v3;
	v8 =	vld.idx.msk [tilespmem:v9+s10+$0x0], $0xffff;
	[tilespmem:s7+$0x4B00] =	vst v10  }
0x49: {  	s8 =	sor.u32 $0x300, s15;
	s2 =	sor.u32 $0x380, s13;
	s13 =	sand.u32 $0x40, s30;
	v9 =	vor.u32 $0x7, v0;
	v10 =	vld.idx.msk [tilespmem:v11+s10+$0x0], $0xffff  }
0x4a: {  	v12 =	vld [tilespmem:s30+$0x0];
	s12 =	sand.u32 $0xF80, s30;
	s18 =	sor.u32 $0x10, s13;
	v11 =	vor.u32 $0x8, v5;
	[tilespmem:s8+$0x4B00] =	vst v1  }
0x4b: {  	s3 =	sor.u32 $0x380, s15;
	s9 =	sor.u32 $0x300, s16;
	s15 =	sor.u32 s18, s12;
	v1 =	vld.idx.msk [tilespmem:v2+s10+$0x0], $0xffff  }
0x4c: {  	s11 =	sor.u32 $0x300, s0;
	v13 =	vld [tilespmem:s15+$0x0];
	v2 =	vor.u32 $0x8, v4;
	[tilespmem:s9+$0x4B00] =	vst v6  }
0x4d: {  	[tilespmem:s11+$0x4B00] =	vst v8;
	v6 =	vld.idx.msk [tilespmem:v7+s10+$0x0], $0xffff  }
0x4e: {  	s17 =	sor.u32 $0x30, s13;
	v7 =	vld.idx.msk [tilespmem:v9+s10+$0x0], $0xffff;
	[tilespmem:s2+$0x4B00] =	vst v10  }
0x4f: {  	s14 =	sor.u32 s17, s12;
	v9 =	vor.u32 $0x8, v3;
	v8 =	vld.idx.msk [tilespmem:v11+s10+$0x0], $0xffff  }
0x50: {  	s29 =	sor.u32 $0x20, s13;
	v10 =	vld [tilespmem:s14+$0x0];
	[tilespmem:s3+$0x4B00] =	vst v1;
	v11 =	vor.u32 $0x9, v5  }
0x51: {  	v14 =	vor.u32 $0x8, v0;
	s2 =	sor.u32 s29, s12;
	v15 =	vld.idx.msk [tilespmem:v2+s10+$0x0], $0xffff  }
0x52: {  	s1 =	sor.u32 $0x380, s16;
	v16 =	vor.u32 $0x9, v4;
	s16 =	sadd.s32 $0xAF00, s24;
	v17 =	vld [tilespmem:s2+$0x0]  }
0x53: {  	s19 =	sor.u32 s21, s16;
	v1 =	vshll.u32 v12, $0x4;
	[tilespmem:s1+$0x4B00] =	vst v6  }
0x54: {  	s0 =	sor.u32 $0x380, s0;
	v18 =	vshll.u32 v13, $0x4;
	v6 =	vld.idx.msk [tilespmem:v9+s10+$0x0], $0xffff;
	[tilespmem:s19+$0x0] =	vst v8  }
0x55: {  	s25 =	sor.u32 s23, s16;
	[tilespmem:s0+$0x4B00] =	vst v7;
	v2 =	vshll.u32 v10, $0x4;
	v7 =	vld.idx.msk [tilespmem:v11+s10+$0x0], $0xffff  }
0x56: {  	v9 =	vor.u32 $0xA, v5;
	v8 =	vld.idx.msk [tilespmem:v14+s10+$0x0], $0xffff;
	[tilespmem:s25+$0x0] =	vst v15  }
0x57: {  	v10 =	vld.idx.msk [tilespmem:v16+s10+$0x0], $0xffff;
	v16 =	vshll.u32 v17, $0x4  }
0x58: {  	s26 =	sadd.s32 $0xAF80, s24;
	v13 =	vor.u32 $0x9, v0;
	v12 =	vld.idx.msk [tilespmem:v1+s10+$0x0], $0xffff  }
0x59: {  	s4 =	sor.u32 s21, s26;
	v11 =	vor.u32 $0x9, v3;
	v17 =	vld.idx.msk [tilespmem:v18+s10+$0x0], $0xffff  }
0x5a: {  	s6 =	sor.u32 s20, s16;
	v19 =	vor.u32 $0x1, v18;
	s19 =	simm.s32 $0x200;
	v14 =	vld.idx.msk [tilespmem:v2+s10+$0x0], $0xffff;
	[tilespmem:s4+$0x0] =	vst v7  }
0x5b: {  	s7 =	sor.u32 s22, s16;
	v15 =	vor.u32 $0xA, v4;
	s16 =	sand.u32 $0x7C00, s19;
	[tilespmem:s6+$0x0] =	vst v6;
	v9 =	vld.idx.msk [tilespmem:v9+s10+$0x0], $0xffff  }
0x5c: {  	s8 =	sor.u32 s23, s26;
	s6 =	sadd.s32 $0x4B00, s16;
	[tilespmem:s7+$0x0] =	vst v8;
	v7 =	vor.u32 $0x1, v2;
	v6 =	vld.idx.msk [tilespmem:v16+s10+$0x0], $0xffff  }
0x5d: {  	s2 =	sor.u32 s18, s6;
	[tilespmem:s8+$0x0] =	vst v10;
	v10 =	vld.idx.msk [tilespmem:v13+s10+$0x0], $0xffff;
	v13 =	vor.u32 $0x1, v1  }
0x5e: {  	s0 =	sor.u32 s13, s6;
	v8 =	vld.idx.msk [tilespmem:v11+s10+$0x0], $0xffff;
	v11 =	vor.u32 $0xB, v5;
	[tilespmem:s2+$0x0] =	vst v17  }
0x5f: {  	s9 =	sadd.s32 $0xB000, s24;
	v20 =	vor.u32 $0x1, v16;
	s3 =	sor.u32 s17, s6;
	[tilespmem:s0+$0x0] =	vst v12;
	v17 =	vld.idx.msk [tilespmem:v19+s10+$0x0], $0xffff  }
0x60: {  	s11 =	sor.u32 s21, s9;
	[tilespmem:s3+$0x0] =	vst v14;
	v14 =	vld.idx.msk [tilespmem:v15+s10+$0x0], $0xffff;
	v15 =	vor.u32 $0xA, v3  }
0x61: {  	s1 =	sor.u32 s29, s6;
	v19 =	vor.u32 $0xA, v0;
	v7 =	vld.idx.msk [tilespmem:v7+s10+$0x0], $0xffff;
	[tilespmem:s11+$0x0] =	vst v9  }
0x62: {  	s12 =	sor.u32 s20, s26;
	[tilespmem:s1+$0x0] =	vst v6;
	v6 =	vor.u32 $0x2, v2;
	v13 =	vld.idx.msk [tilespmem:v13+s10+$0x0], $0xffff  }
0x63: {  	s5 =	sor.u32 s22, s26;
	[tilespmem:s12+$0x0] =	vst v8;
	v9 =	vld.idx.msk [tilespmem:v11+s10+$0x0], $0xffff;
	v11 =	vor.u32 $0x2, v18  }
0x64: {  	v8 =	vor.u32 $0xC, v5;
	[tilespmem:s5+$0x0] =	vst v10;
	v12 =	vld.idx.msk [tilespmem:v20+s10+$0x0], $0xffff  }
0x65: {  	v20 =	vor.u32 $0x2, v16;
	[tilespmem:s2+$0x80] =	vst v17;
	v10 =	vld.idx.msk [tilespmem:v15+s10+$0x0], $0xffff  }
0x66: {  	s15 =	sor.u32 s23, s9;
	s5 =	sadd.s32 $0xB080, s24;
	v15 =	vor.u32 $0x2, v1;
	[tilespmem:s3+$0x80] =	vst v7;
	v7 =	vld.idx.msk [tilespmem:v19+s10+$0x0], $0xffff  }
0x67: {  	s14 =	sor.u32 s21, s5;
	[tilespmem:s15+$0x0] =	vst v14;
	v19 =	vor.u32 $0xB, v4;
	v6 =	vld.idx.msk [tilespmem:v6+s10+$0x0], $0xffff  }
0x68: {  	v17 =	vor.u32 $0xB, v3;
	v11 =	vld.idx.msk [tilespmem:v11+s10+$0x0], $0xffff;
	[tilespmem:s14+$0x0] =	vst v9  }
0x69: {  	[tilespmem:s1+$0x80] =	vst v12;
	v9 =	vor.u32 $0x3, v2;
	v8 =	vld.idx.msk [tilespmem:v8+s10+$0x0], $0xffff  }
0x6a: {  	s25 =	sor.u32 s20, s9;
	[tilespmem:s0+$0x80] =	vst v13;
	v12 =	vor.u32 $0x3, v18;
	v13 =	vld.idx.msk [tilespmem:v20+s10+$0x0], $0xffff  }
0x6b: {  	s4 =	sor.u32 s22, s9;
	v14 =	vor.u32 $0xD, v5;
	v15 =	vld.idx.msk [tilespmem:v15+s10+$0x0], $0xffff;
	[tilespmem:s25+$0x0] =	vst v10  }
0x6c: {  	v20 =	vor.u32 $0x3, v16;
	v19 =	vld.idx.msk [tilespmem:v19+s10+$0x0], $0xffff;
	[tilespmem:s4+$0x0] =	vst v7  }
0x6d: {  	s6 =	sadd.s32 $0xB100, s24;
	v10 =	vor.u32 $0x3, v1;
	[tilespmem:s3+$0x100] =	vst v6;
	v6 =	vld.idx.msk [tilespmem:v17+s10+$0x0], $0xffff  }
0x6e: {  	s26 =	sor.u32 s21, s6;
	[tilespmem:s2+$0x100] =	vst v11;
	v9 =	vld.idx.msk [tilespmem:v9+s10+$0x0], $0xffff;
	v11 =	vor.u32 $0xB, v0  }
0x6f: {  	v17 =	vor.u32 $0xC, v4;
	v12 =	vld.idx.msk [tilespmem:v12+s10+$0x0], $0xffff;
	[tilespmem:s26+$0x0] =	vst v8  }
0x70: {  	[tilespmem:s1+$0x100] =	vst v13;
	v8 =	vor.u32 $0x4, v2;
	v13 =	vld.idx.msk [tilespmem:v14+s10+$0x0], $0xffff  }
0x71: {  	s8 =	sor.u32 s23, s5;
	[tilespmem:s0+$0x100] =	vst v15;
	v14 =	vor.u32 $0x4, v18;
	v15 =	vld.idx.msk [tilespmem:v20+s10+$0x0], $0xffff  }
0x72: {  	v7 =	vor.u32 $0xE, v5;
	v10 =	vld.idx.msk [tilespmem:v10+s10+$0x0], $0xffff;
	[tilespmem:s8+$0x0] =	vst v19  }
0x73: {  	s7 =	sadd.s32 $0xB180, s24;
	v20 =	vor.u32 $0x4, v16;
	v11 =	vld.idx.msk [tilespmem:v11+s10+$0x0], $0xffff;
	[tilespmem:s3+$0x180] =	vst v9  }
0x74: {  	s9 =	sor.u32 s21, s7;
	v9 =	vld.idx.msk [tilespmem:v17+s10+$0x0], $0xffff;
	[tilespmem:s2+$0x180] =	vst v12  }
0x75: {  	p0 =	por !p0, !p0;
	v19 =	vor.u32 $0x4, v1;
	s3 =	simm.s32 $0x1;
	v8 =	vld.idx.msk [tilespmem:v8+s10+$0x0], $0xffff;
	[tilespmem:s9+$0x0] =	vst v13  }
0x76: {  	v17 =	vor.u32 $0xC, v3;
	s3 =	simm.s32 @!p0 $0x0;
	v12 =	vld.idx.msk [tilespmem:v14+s10+$0x0], $0xffff;
	[tilespmem:s1+$0x180] =	vst v15  }
0x77: {  	s15 =	sor.u32 s22, s6;
	v14 =	vor.u32 $0xC, v0;
	s11 =	sshll.u32 s3, $0x6;
	[tilespmem:s0+$0x180] =	vst v10;
	v7 =	vld.idx.msk [tilespmem:v7+s10+$0x0], $0xffff  }
0x78: {  	s12 =	sor.u32 s20, s5;
	v13 =	vor.u32 $0x5, v2;
	s4 =	sadd.s32 $0x200, s11;
	v10 =	vld.idx.msk [tilespmem:v20+s10+$0x0], $0xffff;
	[dreg:$0x4] =	wrdreg s15  }
0x79: {  	s14 =	sor.u32 s22, s5;
	v15 =	vor.u32 $0x5, v18;
	s3 =	sadd.s32 $0x30, s4;
	[tilespmem:s12+$0x0] =	vst v6  }
0x7a: {  	v21 =	vld.idx.msk [tilespmem:v19+s10+$0x0], $0xffff;
	v19 =	vor.u32 $0xF, v5;
	s9 =	sor.u32 $0x200, s3;
	[tilespmem:s14+$0x0] =	vst v11  }
0x7b: {  	v22 =	vor.u32 $0x5, v16;
	s25 =	sor.u32 s23, s6;
	s5 =	sadd.s32 $0x10, s4;
	s12 =	sor.u32 s22, s7;
	v11 =	vld.idx.msk [tilespmem:v17+s10+$0x0], $0xffff;
	[tilespmem:s9+$0x4B00] =	vst v8  }
0x7c: {  	v26 =	vor.u32 $0xD, v4;
	v28 =	vor.u32 $0xD, v3;
	v29 =	vor.u32 $0x5, v1;
	s11 =	sor.u32 $0x200, s5;
	s9 =	sadd.s32 $0xB200, s24;
	v27 =	vld.idx.msk [tilespmem:v14+s10+$0x0], $0xffff;
	[dreg:$0x5] =	wrdreg s12  }
0x7d: {  	v35 =	vor.u32 $0x6, v18;
	v23 =	vor.u32 $0x7, v18;
	v31 =	vor.u32 $0x6, v2;
	s6 =	sor.u32 s20, s6;
	s26 =	sadd.s32 $0x20, s4;
	s14 =	sor.u32 s21, s9;
	[tilespmem:s11+$0x4B00] =	vst v12;
	v8 =	vld.idx.msk [tilespmem:v13+s10+$0x0], $0xffff  }
0x7e: {  	v25 =	vor.u32 $0x6, v16;
	v24 =	vor.u32 $0x7, v16;
	s8 =	sor.u32 s23, s7;
	s0 =	sor.u32 s20, s7;
	v20 =	vor.u32 $0x8, v18;
	s15 =	sor.u32 $0x200, s26;
	[tilespmem:s14+$0x0] =	vst v7;
	v30 =	vld.idx.msk [tilespmem:v15+s10+$0x0], $0xffff  }
0x7f: {  	v6 =	vor.u32 $0xE, v4;
	v4 =	vor.u32 $0xF, v4;
	v5 =	vor.u32 $0xE, v3;
	s2 =	sor.u32 $0x280, s4;
	s31 =	sor.u32 s22, s9;
	s11 =	sor.u32 $0x200, s4;
	[tilespmem:s15+$0x4B00] =	vst v10;
	v34 =	vld.idx.msk [tilespmem:v19+s10+$0x0], $0xffff  }
0x80: {  	v3 =	vor.u32 $0xF, v3;
	v17 =	vor.u32 $0x9, v18;
	s12 =	sadd.s32 $0xB280, s24;
	v14 =	vor.u32 $0xA, v18;
	s7 =	sor.u32 s20, s9;
	s24 =	sor.u32 $0x280, s3;
	[tilespmem:s11+$0x4B00] =	vst v21;
	v32 =	vld.idx.msk [tilespmem:v22+s10+$0x0], $0xffff  }
0x81: {  	s14 =	sor.u32 $0x280, s5;
	[tilespmem:s25+$0x0] =	vst v9;
	v13 =	vor.u32 $0xA, v16;
	s25 =	sor.u32 s22, s12;
	s15 =	sor.u32 $0x280, s26;
	v12 =	vor.u32 $0xB, v18;
	v9 =	vor.u32 $0xC, v18;
	v33 =	vld.idx.msk [tilespmem:v29+s10+$0x0], $0xffff  }
0x82: {  	s1 =	sor.u32 s23, s12;
	s21 =	sor.u32 s21, s12;
	v10 =	vor.u32 $0xC, v16;
	v7 =	vor.u32 $0xD, v16;
	s28 =	sor.u32 s20, s12;
	v19 =	vor.u32 $0x8, v16;
	[tilespmem:s6+$0x0] =	vst v11;
	v29 =	vld.idx.msk [tilespmem:v26+s10+$0x0], $0xffff  }
0x83: {  	s12 =	sor.u32 $0x300, s5;
	s20 =	simm.s32 $0x4;
	s11 =	sor.u32 s23, s9;
	v15 =	vor.u32 $0x9, v16;
	v22 =	vor.u32 $0xE, v18;
	v21 =	vor.u32 $0xE, v16;
	v28 =	vld.idx.msk [tilespmem:v28+s10+$0x0], $0xffff;
	[tilespmem:s24+$0x4B00] =	vst v8  }
0x84: {  	s9 =	sor.u32 $0x300, s4;
	s4 =	sor.u32 $0x380, s4;
	v11 =	vor.u32 $0xB, v16;
	s6 =	sor.u32 $0x380, s5;
	v16 =	vor.u32 $0xF, v16;
	v8 =	vor.u32 $0xD, v18;
	[tilespmem:s14+$0x4B00] =	vst v30;
	v31 =	vld.idx.msk [tilespmem:v31+s10+$0x0], $0xffff  }
0x85: {  	s5 =	sor.u32 $0x380, s26;
	v18 =	vor.u32 $0xF, v18;
	s14 =	sor.u32 $0x300, s26;
	[tilespmem:s21+$0x0] =	vst v34;
	v34 =	vor.u32 $0x6, v1;
	v30 =	vor.u32 $0xD, v0;
	s21 =	simm.s32 $0x80;
	v26 =	vld.idx.msk [tilespmem:v35+s10+$0x0], $0xffff  }
.LBB2_2:
0x86: {  	_ = 	snop  }
0x87: {  	[tilespmem:s15+$0x4B00] =	vst v32  }
0x88: {  	v35 =	vld [tilespmem:s21+$0x0];
	v58 =	vor.u32 $0x7, v2;
	[tilespmem:s8+$0x0] =	vst v29  }
0x89: {  	s24 =	smov.u32 s18;
	s18 =	rddreg [dreg:$0x4];
	[tilespmem:s2+$0x4B00] =	vst v33;
	v25 =	vld.idx.msk [tilespmem:v25+s10+$0x0], $0xffff  }
0x8a: {  	s26 =	sor.u32 $0x300, s3;
	v33 =	vld.idx.msk [tilespmem:v34+s10+$0x0], $0xffff;
	[tilespmem:s18+$0x0] =	vst v27  }
0x8b: {  	[tilespmem:s26+$0x4B00] =	vst v31;
	v27 =	vld.idx.msk [tilespmem:v30+s10+$0x0], $0xffff  }
0x8c: {  	v29 =	vor.u32 $0x7, v1;
	[tilespmem:s0+$0x0] =	vst v28;
	v30 =	vld.idx.msk [tilespmem:v6+s10+$0x0], $0xffff  }
0x8d: {  	v6 =	vmov v22;
	[tilespmem:s12+$0x4B00] =	vst v26;
	v22 =	vld.idx.msk [tilespmem:v58+s10+$0x0], $0xffff  }
0x8e: {  	v26 =	vor.u32 $0xE, v0;
	v23 =	vld.idx.msk [tilespmem:v23+s10+$0x0], $0xffff;
	[tilespmem:s14+$0x4B00] =	vst v25  }
0x8f: {  	v28 =	vld.idx.msk [tilespmem:v5+s10+$0x0], $0xffff  }
0x90: {  	s2 =	rddreg [dreg:$0x5];
	v5 =	vmov v21;
	[tilespmem:s9+$0x4B00] =	vst v33;
	v21 =	vld.idx.msk [tilespmem:v24+s10+$0x0], $0xffff  }
0x91: {  	v25 =	vor.u32 $0x8, v2;
	v24 =	vld.idx.msk [tilespmem:v29+s10+$0x0], $0xffff;
	[tilespmem:s2+$0x0] =	vst v27  }
0x92: {  	s8 =	sor.u32 $0x380, s3;
	[tilespmem:s11+$0x0] =	vst v30  }
0x93: {  	s30 =	sadd.s32 $0x40, s30;
	[tilespmem:s8+$0x4B00] =	vst v22;
	v26 =	vld.idx.msk [tilespmem:v26+s10+$0x0], $0xffff  }
0x94: {  	s26 =	sand.u32 $0x40, s30;
	v22 =	vld.idx.msk [tilespmem:v4+s10+$0x0], $0xffff;
	[tilespmem:s6+$0x4B00] =	vst v23  }
0x95: {  	s9 =	sand.u32 $0xF80, s30;
	s8 =	sor.u32 $0x30, s26;
	v20 =	vld.idx.msk [tilespmem:v20+s10+$0x0], $0xffff  }
0x96: {  	s11 =	sor.u32 $0x10, s26;
	v4 =	vmov v18;
	s12 =	sor.u32 s8, s9;
	v18 =	vld.idx.msk [tilespmem:v25+s10+$0x0], $0xffff  }
0x97: {  	[dreg:$0x3] =	wrdreg s30;
	s30 =	sor.u32 $0x20, s26;
	v23 =	vor.u32 $0x8, v1;
	s14 =	sor.u32 s11, s9;
	v25 =	vld [tilespmem:s12+$0x0];
	[tilespmem:s7+$0x0] =	vst v28  }
0x98: {  	s0 =	sor.u32 s30, s9;
	v28 =	vld [tilespmem:s14+$0x0];
	[tilespmem:s5+$0x4B00] =	vst v21;
	v21 =	vor.u32 $0x9, v2  }
0x99: {  	[tilespmem:s4+$0x4B00] =	vst v24;
	v24 =	vld [tilespmem:s0+$0x0]  }
0x9a: {  	s23 =	smov.u32 s17;
	s15 =	sadd.s32 $0xAF00, s16;
	[tilespmem:s31+$0x0] =	vst v26;
	v19 =	vld.idx.msk [tilespmem:v19+s10+$0x0], $0xffff;
	v26 =	vor.u32 $0xF, v0  }
0x9b: {  	s5 =	sor.u32 s23, s15;
	[tilespmem:s1+$0x0] =	vst v22;
	v0 =	vmov v1;
	v1 =	vshll.u32 v35, $0x4;
	v59 =	vld.idx.msk [tilespmem:v3+s10+$0x0], $0xffff  }
0x9c: {  	s18 =	sor.u32 s24, s15;
	v22 =	vld.idx.msk [tilespmem:v23+s10+$0x0], $0xffff;
	[tilespmem:s5+$0x0] =	vst v18;
	v27 =	vshll.u32 v25, $0x4  }
0x9d: {  	[tilespmem:s18+$0x0] =	vst v20;
	v18 =	vld.idx.msk [tilespmem:v21+s10+$0x0], $0xffff;
	v21 =	vshll.u32 v28, $0x4  }
0x9e: {  	s22 =	smov.u32 s29;
	v31 =	vor.u32 $0xA, v2;
	v17 =	vld.idx.msk [tilespmem:v17+s10+$0x0], $0xffff  }
0x9f: {  	s0 =	sor.u32 s22, s15;
	v3 =	vmov v16;
	v39 =	vshll.u32 v24, $0x4;
	v16 =	vld.idx.msk [tilespmem:v26+s10+$0x0], $0xffff  }
0xa0: {  	s17 =	sor.u32 s13, s15;
	s6 =	sadd.s32 $0xAF80, s16;
	v43 =	vld.idx.msk [tilespmem:v1+s10+$0x0], $0xffff;
	[tilespmem:s0+$0x0] =	vst v19  }
0xa1: {  	s12 =	sor.u32 s23, s6;
	v30 =	vor.u32 $0x9, v0;
	[tilespmem:s17+$0x0] =	vst v22;
	v44 =	vld.idx.msk [tilespmem:v27+s10+$0x0], $0xffff  }
0xa2: {  	s19 =	sadd.s32 $0x200, s19;
	v51 =	vor.u32 $0xB, v2;
	s7 =	smov.u32 s11;
	s11 =	sor.u32 s24, s6;
	v22 =	vld.idx.msk [tilespmem:v21+s10+$0x0], $0xffff;
	[tilespmem:s12+$0x0] =	vst v18  }
0xa3: {  	v63 =	vor.u32 $0xC, v2;
	s1 =	sand.u32 $0x7C00, s19;
	v37 =	vor.u32 $0x1, v1;
	v60 =	vor.u32 $0xA, v0;
	[tilespmem:s11+$0x0] =	vst v17;
	v46 =	vld.idx.msk [tilespmem:v31+s10+$0x0], $0xffff  }
0xa4: {  	s15 =	sadd.s32 $0x4B00, s1;
	v56 =	vor.u32 $0x2, v1;
	v45 =	vor.u32 $0x1, v27;
	v61 =	vor.u32 $0x2, v27;
	v47 =	vld.idx.msk [tilespmem:v39+s10+$0x0], $0xffff;
	[tilespmem:s28+$0x0] =	vst v59  }
0xa5: {  	s3 =	sor.u32 s26, s15;
	v38 =	vor.u32 $0x1, v21;
	v40 =	vor.u32 $0x2, v21;
	v36 =	vor.u32 $0x3, v21;
	[tilespmem:s25+$0x0] =	vst v16;
	v50 =	vld.idx.msk [tilespmem:v15+s10+$0x0], $0xffff  }
0xa6: {  	s2 =	sor.u32 s8, s15;
	v33 =	vor.u32 $0x4, v21;
	v29 =	vor.u32 $0x5, v21;
	v26 =	vor.u32 $0x6, v21;
	v55 =	vld.idx.msk [tilespmem:v30+s10+$0x0], $0xffff;
	[tilespmem:s3+$0x0] =	vst v43  }
0xa7: {  	v23 =	vor.u32 $0x7, v21;
	v20 =	vor.u32 $0x8, v21;
	v41 =	vor.u32 $0x1, v39;
	[tilespmem:s2+$0x0] =	vst v44;
	v44 =	vld.idx.msk [tilespmem:v14+s10+$0x0], $0xffff  }
0xa8: {  	v48 =	vor.u32 $0xA, v21;
	s0 =	sor.u32 s7, s15;
	v52 =	vor.u32 $0xB, v21;
	v53 =	vor.u32 $0xC, v21;
	s17 =	sadd.s32 $0xB000, s16;
	v37 =	vld.idx.msk [tilespmem:v37+s10+$0x0], $0xffff  }
0xa9: {  	v42 =	vor.u32 $0x2, v39;
	v34 =	vor.u32 $0x3, v39;
	v32 =	vor.u32 $0x4, v39;
	s25 =	sor.u32 s23, s17;
	v45 =	vld.idx.msk [tilespmem:v45+s10+$0x0], $0xffff;
	[tilespmem:s0+$0x0] =	vst v22  }
0xaa: {  	s4 =	sor.u32 s30, s15;
	v28 =	vor.u32 $0x5, v39;
	v25 =	vor.u32 $0x6, v39;
	v24 =	vor.u32 $0x7, v39;
	v38 =	vld.idx.msk [tilespmem:v38+s10+$0x0], $0xffff;
	[tilespmem:s25+$0x0] =	vst v46  }
0xab: {  	s14 =	sor.u32 s22, s6;
	v19 =	vor.u32 $0x8, v39;
	v49 =	vor.u32 $0xA, v39;
	v54 =	vor.u32 $0xB, v39;
	[tilespmem:s4+$0x0] =	vst v47;
	v62 =	vld.idx.msk [tilespmem:v51+s10+$0x0], $0xffff  }
0xac: {  	s9 =	sor.u32 s13, s6;
	v35 =	vor.u32 $0xC, v39;
	v17 =	vor.u32 $0x9, v21;
	v18 =	vor.u32 $0x9, v39;
	v41 =	vld.idx.msk [tilespmem:v41+s10+$0x0], $0xffff;
	[tilespmem:s14+$0x0] =	vst v50  }
0xad: {  	v31 =	vor.u32 $0xD, v21;
	v16 =	vor.u32 $0xF, v39;
	v30 =	vor.u32 $0xD, v39;
	[tilespmem:s9+$0x0] =	vst v55;
	v55 =	vld.idx.msk [tilespmem:v13+s10+$0x0], $0xffff  }
0xae: {  	v15 =	vmovc v18;
	v18 =	vor.u32 $0xF, v21;
	v22 =	vor.u32 $0xE, v21;
	v21 =	vor.u32 $0xE, v39;
	v39 =	vld.idx.msk [tilespmem:v60+s10+$0x0], $0xffff;
	[tilespmem:s3+$0x80] =	vst v37  }
0xaf: {  	s12 =	sadd.s32 $0xB080, s16;
	[tilespmem:s2+$0x80] =	vst v45;
	v60 =	vld.idx.msk [tilespmem:v56+s10+$0x0], $0xffff  }
0xb0: {  	s14 =	sor.u32 s23, s12;
	v57 =	vld.idx.msk [tilespmem:v61+s10+$0x0], $0xffff;
	[tilespmem:s0+$0x80] =	vst v38  }
0xb1: {  	v58 =	vor.u32 $0x3, v27;
	v40 =	vld.idx.msk [tilespmem:v40+s10+$0x0], $0xffff;
	[tilespmem:s14+$0x0] =	vst v62  }
0xb2: {  	s18 =	sor.u32 s24, s17;
	[tilespmem:s4+$0x80] =	vst v41;
	v43 =	vld.idx.msk [tilespmem:v63+s10+$0x0], $0xffff  }
0xb3: {  	[dreg:$0x6] =	wrdreg s8;
	s8 =	sor.u32 s22, s17;
	[tilespmem:s18+$0x0] =	vst v44;
	v59 =	vld.idx.msk [tilespmem:v42+s10+$0x0], $0xffff;
	v63 =	vor.u32 $0x3, v1  }
0xb4: {  	v61 =	vor.u32 $0xD, v2;
	v62 =	vld.idx.msk [tilespmem:v12+s10+$0x0], $0xffff;
	[tilespmem:s8+$0x0] =	vst v55  }
0xb5: {  	v14 =	vmov v48;
	v48 =	vld.idx.msk [tilespmem:v11+s10+$0x0], $0xffff;
	[tilespmem:s2+$0x100] =	vst v57  }
0xb6: {  	s15 =	sadd.s32 $0xB100, s16;
	v50 =	vor.u32 $0xB, v0;
	v13 =	vmov v49;
	v49 =	vld.idx.msk [tilespmem:v58+s10+$0x0], $0xffff;
	[tilespmem:s0+$0x100] =	vst v40  }
0xb7: {  	s18 =	sor.u32 s23, s15;
	[tilespmem:s3+$0x100] =	vst v60;
	v36 =	vld.idx.msk [tilespmem:v36+s10+$0x0], $0xffff  }
0xb8: {  	v51 =	vor.u32 $0x4, v27;
	[tilespmem:s18+$0x0] =	vst v43;
	v42 =	vld.idx.msk [tilespmem:v63+s10+$0x0], $0xffff  }
0xb9: {  	[dreg:$0x7] =	wrdreg s7;
	s7 =	sor.u32 s13, s17;
	[tilespmem:s4+$0x100] =	vst v59;
	v43 =	vld.idx.msk [tilespmem:v61+s10+$0x0], $0xffff  }
0xba: {  	s11 =	sor.u32 s24, s12;
	v11 =	vmov v54;
	v54 =	vor.u32 $0x4, v1;
	[tilespmem:s7+$0x0] =	vst v39;
	v34 =	vld.idx.msk [tilespmem:v34+s10+$0x0], $0xffff  }
0xbb: {  	s20 =	sadd.s32 $0x4, s20;
	p0 =	por !p0, !p0;
	v12 =	vmov v52;
	v52 =	vor.u32 $0xE, v2;
	[tilespmem:s11+$0x0] =	vst v62;
	s7 =	sadd.s32 $0xB180, s16;
	v41 =	vld.idx.msk [tilespmem:v50+s10+$0x0], $0xffff  }
0xbc: {  	s29 =	sadd.s32 $0xB200, s16;
	s21 =	sadd.s32 $0x40, s21;
	v55 =	vld.idx.msk [tilespmem:v9+s10+$0x0], $0xffff;
	s9 =	sor.u32 s13, s7;
	[tilespmem:s2+$0x180] =	vst v49  }
0xbd: {  	p1 =	slt.u32 s20, $0xC4;
	v57 =	vor.u32 $0xC, v0;
	[dreg:$0x5] =	wrdreg s9;
	s9 =	simm.s32 $0x1;
	v56 =	vld.idx.msk [tilespmem:v51+s10+$0x0], $0xffff;
	[tilespmem:s0+$0x180] =	vst v36  }
0xbe: {  	s5 =	sor.u32 s13, s12;
	s11 =	sor.u32 s23, s7;
	s9 =	simm.s32 @!p0 $0x0;
	[tilespmem:s3+$0x180] =	vst v42;
	v33 =	vld.idx.msk [tilespmem:v33+s10+$0x0], $0xffff  }
0xbf: {  	s6 =	sor.u32 s22, s12;
	s17 =	sor.u32 s13, s15;
	v58 =	vor.u32 $0x5, v27;
	s12 =	sshll.u32 s9, $0x6;
	[tilespmem:s11+$0x0] =	vst v43;
	v42 =	vld.idx.msk [tilespmem:v54+s10+$0x0], $0xffff  }
0xc0: {  	s28 =	sor.u32 s22, s15;
	[dreg:$0x4] =	wrdreg s17;
	[tilespmem:s4+$0x180] =	vst v34;
	s4 =	sadd.s32 s12, s19;
	v39 =	vld.idx.msk [tilespmem:v52+s10+$0x0], $0xffff  }
0xc1: {  	s25 =	sor.u32 s24, s15;
	s8 =	sor.u32 s24, s7;
	v61 =	vor.u32 $0x5, v1;
	[tilespmem:s5+$0x0] =	vst v41;
	v32 =	vld.idx.msk [tilespmem:v32+s10+$0x0], $0xffff;
	s3 =	sadd.s32 $0x30, s4  }
0xc2: {  	v59 =	vor.u32 $0xF, v2;
	v2 =	vmov v27;
	s0 =	sor.u32 s22, s7;
	s7 =	sadd.s32 $0x10, s4;
	[tilespmem:s6+$0x0] =	vst v48;
	v27 =	vld.idx.msk [tilespmem:v57+s10+$0x0], $0xffff;
	s15 =	sor.u32 $0x200, s3  }
0xc3: {  	s11 =	sadd.s32 $0x20, s4;
	s17 =	sor.u32 $0x200, s4;
	s14 =	sor.u32 $0x200, s7;
	v60 =	vld.idx.msk [tilespmem:v10+s10+$0x0], $0xffff;
	[tilespmem:s15+$0x4B00] =	vst v56  }
0xc4: {  	s2 =	sor.u32 $0x280, s4;
	s6 =	sor.u32 s23, s29;
	s9 =	sor.u32 $0x300, s4;
	v36 =	vld.idx.msk [tilespmem:v58+s10+$0x0], $0xffff;
	[tilespmem:s14+$0x4B00] =	vst v33  }
0xc5: {  	s31 =	sor.u32 $0x200, s11;
	s18 =	sor.u32 $0x280, s7;
	s12 =	sor.u32 $0x300, s7;
	[tilespmem:s17+$0x4B00] =	vst v42;
	v62 =	vld.idx.msk [tilespmem:v29+s10+$0x0], $0xffff  }
0xc6: {  	v63 =	vor.u32 $0x6, v2;
	s5 =	sor.u32 $0x380, s11;
	s15 =	sor.u32 $0x280, s11;
	s14 =	sor.u32 $0x300, s11;
	[tilespmem:s6+$0x0] =	vst v39;
	v33 =	vld.idx.msk [tilespmem:v61+s10+$0x0], $0xffff  }
0xc7: {  	s11 =	sor.u32 s24, s29;
	s17 =	sadd.s32 $0xB280, s16;
	s16 =	smov.u32 s1;
	[tilespmem:s31+$0x4B00] =	vst v32;
	v38 =	vld.idx.msk [tilespmem:v59+s10+$0x0], $0xffff  }
.Ltmp0:
0xc8: {  	s6 =	sor.u32 $0x380, s7;
	s31 =	sor.u32 s13, s29;
	[tilespmem:s25+$0x0] =	vst v55;
	v32 =	vld.idx.msk [tilespmem:v28+s10+$0x0], $0xffff;
	(pc) =	sbr.rel @p1 .LBB2_2-.Ltmp0, $4  }
0xc9: {  	s7 =	sor.u32 s22, s29;
	s29 =	smov.u32 s30;
	s25 =	sor.u32 $0x280, s3;
	v29 =	vld.idx.msk [tilespmem:v8+s10+$0x0], $0xffff;
	[tilespmem:s28+$0x0] =	vst v60  }
0xca: {  	s30 =	rddreg [dreg:$0x3];
	s1 =	sor.u32 s24, s17;
	s24 =	sor.u32 s23, s17;
	v28 =	vld.idx.msk [tilespmem:v7+s10+$0x0], $0xffff;
	[tilespmem:s25+$0x4B00] =	vst v36  }
0xcb: {  	v8 =	vmov v31;
	s28 =	sor.u32 s22, s17;
	s25 =	sor.u32 s13, s17;
	s17 =	rddreg [dreg:$0x6];
	v31 =	vld.idx.msk [tilespmem:v63+s10+$0x0], $0xffff;
	[tilespmem:s18+$0x4B00] =	vst v62  }
0xcc: {  	v9 =	vmovc v53;
	v34 =	vor.u32 $0x6, v1;
	s4 =	sor.u32 $0x380, s4;
	v10 =	vmovc v35;
	v7 =	vmov v30;
	v30 =	vor.u32 $0xD, v0;
	s13 =	smov.u32 s26;
	s18 =	rddreg [dreg:$0x7];
	v26 =	vld.idx.msk [tilespmem:v26+s10+$0x0], $0xffff;
	[tilespmem:s24+$0x0] =	vst v38  }
0xcd: {  	_ =	sdelay $0x2  }
0xce: {  	[tilespmem:s15+$0x4B00] =	vst v32;
	v56 =	vor.u32 $0x7, v2  }
0xcf: {  	[tilespmem:s2+$0x4B00] =	vst v33;
	v25 =	vld.idx.msk [tilespmem:v25+s10+$0x0], $0xffff  }
0xd0: {  	v33 =	vld.idx.msk [tilespmem:v34+s10+$0x0], $0xffff  }
0xd1: {  	s30 =	sor.u32 $0x300, s3;
	v57 =	vor.u32 $0x7, v1  }
0xd2: {  	[tilespmem:s30+$0x4B00] =	vst v31  }
0xd3: {  	[tilespmem:s12+$0x4B00] =	vst v26;
	v58 =	vld.idx.msk [tilespmem:v56+s10+$0x0], $0xffff  }
0xd4: {  	v59 =	vor.u32 $0x8, v2;
	v23 =	vld.idx.msk [tilespmem:v23+s10+$0x0], $0xffff;
	[tilespmem:s14+$0x4B00] =	vst v25  }
0xd5: {  	[tilespmem:s9+$0x4B00] =	vst v33;
	v24 =	vld.idx.msk [tilespmem:v24+s10+$0x0], $0xffff  }
0xd6: {  	v60 =	vld.idx.msk [tilespmem:v57+s10+$0x0], $0xffff  }
0xd7: {  	s3 =	sor.u32 $0x380, s3;
	v61 =	vor.u32 $0x8, v1  }
0xd8: {  	[tilespmem:s3+$0x4B00] =	vst v58  }
0xd9: {  	[tilespmem:s6+$0x4B00] =	vst v23;
	v62 =	vld.idx.msk [tilespmem:v59+s10+$0x0], $0xffff  }
0xda: {  	v63 =	vor.u32 $0x9, v2;
	v20 =	vld.idx.msk [tilespmem:v20+s10+$0x0], $0xffff;
	[tilespmem:s5+$0x4B00] =	vst v24  }
0xdb: {  	[tilespmem:s4+$0x4B00] =	vst v60;
	v19 =	vld.idx.msk [tilespmem:v19+s10+$0x0], $0xffff  }
0xdc: {  	s4 =	sadd.s32 $0xAF00, s16;
	v32 =	vld.idx.msk [tilespmem:v61+s10+$0x0], $0xffff  }
0xdd: {  	v33 =	vor.u32 $0x9, v1;
	s5 =	sor.u32 s17, s4  }
0xde: {  	s6 =	sor.u32 s18, s4;
	[tilespmem:s5+$0x0] =	vst v62  }
0xdf: {  	s9 =	sor.u32 s29, s4;
	[tilespmem:s6+$0x0] =	vst v20;
	v34 =	vld.idx.msk [tilespmem:v63+s10+$0x0], $0xffff  }
0xe0: {  	v35 =	vor.u32 $0xA, v2;
	s2 =	sor.u32 s13, s4;
	v17 =	vld.idx.msk [tilespmem:v17+s10+$0x0], $0xffff;
	[tilespmem:s9+$0x0] =	vst v19  }
0xe1: {  	[tilespmem:s2+$0x0] =	vst v32;
	v15 =	vld.idx.msk [tilespmem:v15+s10+$0x0], $0xffff  }
0xe2: {  	s12 =	sadd.s32 $0xAF80, s16;
	v36 =	vld.idx.msk [tilespmem:v33+s10+$0x0], $0xffff  }
0xe3: {  	v37 =	vor.u32 $0xA, v1;
	s14 =	sor.u32 s17, s12  }
0xe4: {  	s15 =	sor.u32 s18, s12;
	[tilespmem:s14+$0x0] =	vst v34  }
0xe5: {  	s19 =	sor.u32 s29, s12;
	[tilespmem:s15+$0x0] =	vst v17;
	v38 =	vld.idx.msk [tilespmem:v35+s10+$0x0], $0xffff  }
0xe6: {  	v39 =	vor.u32 $0xB, v2;
	s2 =	sor.u32 s13, s12;
	v14 =	vld.idx.msk [tilespmem:v14+s10+$0x0], $0xffff;
	[tilespmem:s19+$0x0] =	vst v15  }
0xe7: {  	[tilespmem:s2+$0x0] =	vst v36;
	v13 =	vld.idx.msk [tilespmem:v13+s10+$0x0], $0xffff  }
0xe8: {  	s20 =	sadd.s32 $0xB000, s16;
	v40 =	vld.idx.msk [tilespmem:v37+s10+$0x0], $0xffff  }
0xe9: {  	v41 =	vor.u32 $0xB, v1;
	s21 =	sor.u32 s17, s20  }
0xea: {  	s22 =	sor.u32 s18, s20;
	[tilespmem:s21+$0x0] =	vst v38  }
0xeb: {  	s23 =	sor.u32 s29, s20;
	[tilespmem:s22+$0x0] =	vst v14;
	v42 =	vld.idx.msk [tilespmem:v39+s10+$0x0], $0xffff  }
0xec: {  	v43 =	vor.u32 $0xC, v2;
	s2 =	sor.u32 s13, s20;
	v12 =	vld.idx.msk [tilespmem:v12+s10+$0x0], $0xffff;
	[tilespmem:s23+$0x0] =	vst v13  }
0xed: {  	[tilespmem:s2+$0x0] =	vst v40;
	v11 =	vld.idx.msk [tilespmem:v11+s10+$0x0], $0xffff  }
0xee: {  	s24 =	sadd.s32 $0xB080, s16;
	s2 =	rddreg [dreg:$0x4];
	v15 =	vld.idx.msk [tilespmem:v41+s10+$0x0], $0xffff;
	[tilespmem:s8+$0x0] =	vst v29  }
0xef: {  	v44 =	vor.u32 $0xC, v1;
	s26 =	sor.u32 s17, s24;
	[tilespmem:s2+$0x0] =	vst v27  }
0xf0: {  	s30 =	sor.u32 s18, s24;
	v6 =	vld.idx.msk [tilespmem:v6+s10+$0x0], $0xffff;
	[tilespmem:s26+$0x0] =	vst v42  }
0xf1: {  	s4 =	sor.u32 s29, s24;
	[tilespmem:s30+$0x0] =	vst v12;
	v46 =	vld.idx.msk [tilespmem:v43+s10+$0x0], $0xffff  }
0xf2: {  	v47 =	vor.u32 $0xD, v2;
	s2 =	sor.u32 s13, s24;
	v9 =	vld.idx.msk [tilespmem:v9+s10+$0x0], $0xffff;
	[tilespmem:s4+$0x0] =	vst v11  }
0xf3: {  	[tilespmem:s2+$0x0] =	vst v15;
	v10 =	vld.idx.msk [tilespmem:v10+s10+$0x0], $0xffff  }
0xf4: {  	s5 =	sadd.s32 $0xB100, s16;
	[tilespmem:s0+$0x0] =	vst v28;
	v48 =	vld.idx.msk [tilespmem:v44+s10+$0x0], $0xffff  }
0xf5: {  	v49 =	vor.u32 $0xD, v1;
	s6 =	sor.u32 s17, s5;
	v5 =	vld.idx.msk [tilespmem:v5+s10+$0x0], $0xffff;
	s2 =	rddreg [dreg:$0x5];
	[tilespmem:s11+$0x0] =	vst v6  }
0xf6: {  	s8 =	sor.u32 s18, s5;
	v45 =	vld.idx.msk [tilespmem:v30+s10+$0x0], $0xffff;
	[tilespmem:s6+$0x0] =	vst v46  }
0xf7: {  	v50 =	vor.u32 $0xE, v0;
	s9 =	sor.u32 s29, s5;
	[tilespmem:s8+$0x0] =	vst v9;
	v51 =	vld.idx.msk [tilespmem:v47+s10+$0x0], $0xffff  }
0xf8: {  	v52 =	vor.u32 $0xE, v2;
	s0 =	sor.u32 s13, s5;
	v8 =	vld.idx.msk [tilespmem:v8+s10+$0x0], $0xffff;
	[tilespmem:s9+$0x0] =	vst v10  }
0xf9: {  	[tilespmem:s0+$0x0] =	vst v48;
	v7 =	vld.idx.msk [tilespmem:v7+s10+$0x0], $0xffff  }
0xfa: {  	s12 =	sadd.s32 $0xB180, s16;
	[tilespmem:s7+$0x0] =	vst v5;
	v53 =	vld.idx.msk [tilespmem:v49+s10+$0x0], $0xffff  }
0xfb: {  	v55 =	vor.u32 $0xE, v1;
	s14 =	sor.u32 s17, s12;
	[tilespmem:s2+$0x0] =	vst v45;
	v4 =	vld.idx.msk [tilespmem:v4+s10+$0x0], $0xffff  }
0xfc: {  	s15 =	sor.u32 s18, s12;
	v54 =	vld.idx.msk [tilespmem:v50+s10+$0x0], $0xffff;
	[tilespmem:s14+$0x0] =	vst v51  }
0xfd: {  	v56 =	vor.u32 $0xF, v0;
	s19 =	sor.u32 s29, s12;
	[tilespmem:s15+$0x0] =	vst v8;
	v57 =	vld.idx.msk [tilespmem:v52+s10+$0x0], $0xffff  }
0xfe: {  	v58 =	vor.u32 $0xF, v2;
	s0 =	sor.u32 s13, s12;
	v59 =	vld.idx.msk [tilespmem:v22+s10+$0x0], $0xffff;
	[tilespmem:s19+$0x0] =	vst v7  }
0xff: {  	[tilespmem:s0+$0x0] =	vst v53;
	v60 =	vld.idx.msk [tilespmem:v21+s10+$0x0], $0xffff  }
0x100: {  	s20 =	sadd.s32 $0xB200, s16;
	[tilespmem:s1+$0x0] =	vst v4;
	v5 =	vld.idx.msk [tilespmem:v55+s10+$0x0], $0xffff  }
0x101: {  	v61 =	vor.u32 $0xF, v1;
	s21 =	sor.u32 s17, s20;
	v3 =	vld.idx.msk [tilespmem:v3+s10+$0x0], $0xffff;
	[tilespmem:s31+$0x0] =	vst v54  }
0x102: {  	s22 =	sor.u32 s18, s20;
	v0 =	vld.idx.msk [tilespmem:v56+s10+$0x0], $0xffff;
	[tilespmem:s21+$0x0] =	vst v57  }
0x103: {  	s23 =	sor.u32 s29, s20;
	[tilespmem:s22+$0x0] =	vst v59;
	v2 =	vld.idx.msk [tilespmem:v58+s10+$0x0], $0xffff  }
0x104: {  	s0 =	sor.u32 s13, s20;
	v62 =	vld.idx.msk [tilespmem:v18+s10+$0x0], $0xffff;
	[tilespmem:s23+$0x0] =	vst v60  }
0x105: {  	[tilespmem:s0+$0x0] =	vst v5;
	v63 =	vld.idx.msk [tilespmem:v16+s10+$0x0], $0xffff  }
0x106: {  	s24 =	sadd.s32 $0xB280, s16;
	[tilespmem:s28+$0x0] =	vst v3;
	v1 =	vld.idx.msk [tilespmem:v61+s10+$0x0], $0xffff  }
0x107: {  	[tilespmem:s25+$0x0] =	vst v0;
	s25 =	sor.u32 s17, s24  }
0x108: {  	s26 =	sor.u32 s18, s24;
	[tilespmem:s25+$0x0] =	vst v2  }
0x109: {  	s28 =	sor.u32 s29, s24;
	[tilespmem:s26+$0x0] =	vst v62  }
0x10a: {  	s0 =	sor.u32 s13, s24;
	[tilespmem:s28+$0x0] =	vst v63  }
0x10b: {  	s3 =	simm.s32 $0x1;
	[tilespmem:s0+$0x0] =	vst v1  }
0x10c: {  	s7 =	simm.s32 $0x0;
	s29 =	simm.s32 $0x4B00;
	s0 =	rddreg [dreg:$0xa]  }
0x10d: {  	[hbm4b:s0+s7] =	stream.linear.scatter [tilespmem:s29], [sflag:$0x1], $0xC800, $0x38;
	[tilespmem:$0x11300] =	vst v63  }
0x10e: {  	_ =	swait.ge [sflag:s3], $0xC800  }
0x10f: {  	s30 =	rddreg [dreg:$0xc]  }
0x110: {  	s31 =	rddreg [dreg:$0xb];
	s1 =	sadd.s32 $0x1, s30  }
0x111: {  	p0 =	sne.s32 s1, s31  }
.Ltmp1:
0x112: {  	_ = 	snop;
	(pc) =	sbr.rel @p0 .LBB2_1-.Ltmp1, $3  }
0x113: {  	_ =	sdelay $0x1  }
0x114: {  	[sflag:s3] =	ssyncset.done $0x0  }
0x115: {  	[sflag:s3] =	ssyncadd.s32 $0xFFFF3800  }
0x116: {  	_ =	sfence.sel $0x180000  }
0x117: {  	[bflag:$0x0] =	sbarrier.arrive $0xFFFF  }
0x118: {  	_ =	strace $0x9000004A  }
0x119: {  	s0 =	stileid.u32;
	[bflag:$0x2] =	sbarrier.arrive $0xFFFF  }
0x11a: {  	p0 =	sne.s32 s0, $0x0;
	s0 =	rddreg [dreg:$0x2]  }
0x11b: {  	s0 =	sadd.s32 @!p0 $0x100000, s0  }
0x11c: {  	[sflag:s0] =	ssyncadd.tile.s32 @!p0 $0x1;
	_ =	shalt  }
.Lfunc_end2:
_tile_overlayer_lowered:
.L_overlay_start_2:
0x11d: {  	(tag) =	ssettag $0x2  }
0x11e: {  	s0 =	rddreg [dreg:$0x0];
	s2 =	stileid.u32  }
0x11f: {  	s1 =	rddreg [dreg:$0x1];
	p0 =	sne.s32 s2, $0x0  }
0x120: {  	s3 =	rddreg [dreg:$0x2];
	[bflag:$0x3] =	sbarrier.arrive $0xFFFF;
	s2 =	simm.s32 @!p0 $0x1C01  }
0x121: {  	[timem:s3], [sflag:s2] =	dma.local @!p0 [hbm:s0], s1  }
0x122: {  	s0 =	simm.s32 @!p0 $0x1  }
0x123: {  	_ =	swait.ge @!p0 [sflag:s0], s1  }
0x124: {  	s1 =	ssub.s32 @!p0 $0x0, s1;
	[sflag:s0] =	ssyncset.done @!p0 $0x0  }
0x125: {  	[sflag:s0] =	ssyncadd.s32 @!p0 s1  }
0x126: {  	[bflag:$0x3] =	sbarrier.arrive $0xFFFF  }
0x127: {  	_ =	shalt  }

</sc_bundles>
